<compile_context>
chip_gen: v7x
topology: tpu7x:2x2x1
jax: 0.10.2.dev20260603
libtpu: 0.0.44.dev20260713+nightly
codegen_flags: <defaults>
</compile_context>

<pallas_src>
import functools

import jax
import jax.numpy as jnp
import numpy as np
from jax import lax
from jax.experimental import pallas as pl
from jax.experimental.pallas import tpu as pltpu
from jax.experimental.pallas import tpu_sc as plsc

_TH = 0.5
_ALPHA = 0.9
_BETA = 0.1
_B = 4
_C = 96
_N = 384 * 384
_M = _N // 8
_NC = 2
_NW = _NC * 16
_CH = (_B * _N) // _NW




def _rotl32(x, r):
    r = np.uint32(r)
    return (x << r) | (x >> np.uint32(32 - r))


def _threefry2x32(k1, k2, x0, x1):
    x0 = x0.astype(np.uint32).copy()
    x1 = x1.astype(np.uint32).copy()
    ks = (np.uint32(k1), np.uint32(k2),
          np.uint32(k1) ^ np.uint32(k2) ^ np.uint32(0x1BD11BDA))
    rotations = ((13, 15, 26, 6), (17, 29, 16, 24))
    x0 += ks[0]
    x1 += ks[1]
    for i in range(5):
        for r in rotations[i % 2]:
            x0 += x1
            x1 = _rotl32(x1, r)
            x1 ^= x0
        x0 += ks[(i + 1) % 3]
        x1 += ks[(i + 2) % 3] + np.uint32(i + 1)
    return x0, x1


def _fold_in(key, data):
    a, b = _threefry2x32(key[0], key[1],
                         np.zeros(1, np.uint32),
                         np.array([data], np.uint32))
    return np.uint32(a[0]), np.uint32(b[0])


def _permutation(key, n):
    x = np.arange(n)
    num_rounds = int(np.ceil(3 * np.log(max(1, n)) / np.log(0xFFFFFFFF)))
    for _ in range(num_rounds):
        b1, b2 = _threefry2x32(key[0], key[1],
                               np.zeros(2, np.uint32),
                               np.arange(2, dtype=np.uint32))
        key, subkey = ((np.uint32(b1[0]), np.uint32(b2[0])),
                       (np.uint32(b1[1]), np.uint32(b2[1])))
        s1, s2 = _threefry2x32(subkey[0], subkey[1],
                               np.zeros(n, np.uint32),
                               np.arange(n, dtype=np.uint32))
        x = x[np.argsort(s1 ^ s2, kind="stable")]
    return x


def _packed_masks() -> np.ndarray:
    w2 = np.zeros((_B, _N), dtype=np.int32)
    base_key = (np.uint32(0), np.uint32(42))
    for i in range(_B):
        idx1 = _permutation(_fold_in(base_key, 2 * i), _N)[:_M]
        idx0 = _permutation(_fold_in(base_key, 2 * i + 1), _N)[:_M]
        w2[i, idx1] += 1
        w2[i, idx0] += 1 << 15
    return w2.reshape(_B * _N)


_W2_CONST = _packed_masks()

_MESH = plsc.VectorSubcoreMesh(core_axis_name="c", subcore_axis_name="s",
                               num_cores=_NC)


_P = 4
_PC = _CH // _P
_PV = _PC // 16


@functools.partial(
    pl.kernel,
    out_type=jax.ShapeDtypeStruct((_NW, 2, 16), jnp.int32),
    mesh=_MESH,
    scratch_types=[
        pltpu.VMEM((2, _PC), jnp.float32),
        pltpu.VMEM((2, _PC), jnp.int32),
        pltpu.VMEM((2, 16), jnp.int32),
        pltpu.SemaphoreType.DMA,
        pltpu.SemaphoreType.DMA,
        pltpu.SemaphoreType.DMA,
        pltpu.SemaphoreType.DMA,
    ],
)
def _count_kernel(cam_hbm, w2_hbm, out_hbm, cam_b, w2_b, out_v,
                  sc0, sc1, sw0, sw1):
    wid = lax.axis_index("s") * _NC + lax.axis_index("c")
    base = wid * _CH
    sems_c = (sc0, sc1)
    sems_w = (sw0, sw1)

    def start(p):
        s = p % 2
        hc = pltpu.async_copy(cam_hbm.at[pl.ds(base + p * _PC, _PC)],
                              cam_b.at[s], sems_c[s])
        hw = pltpu.async_copy(w2_hbm.at[pl.ds(base + p * _PC, _PC)],
                              w2_b.at[s], sems_w[s])
        return hc, hw

    zero = jnp.zeros((16,), jnp.int32)
    accn = zero
    accw = zero
    handles = {0: start(0)}
    for p in range(_P):
        if p + 1 < _P:
            handles[p + 1] = start(p + 1)
        hc, hw = handles.pop(p)
        hc.wait()
        hw.wait()
        s = p % 2

        def body(k, carry, s=s):
            an, aw = carry
            c = cam_b[s, pl.ds(k * 16, 16)]
            w = w2_b[s, pl.ds(k * 16, 16)]
            hot = c > _TH
            an = an + jnp.where(hot, 1, 0)
            aw = aw + jnp.where(hot, w, zero)
            return an, aw

        accn, accw = lax.fori_loop(0, _PV, body, (accn, accw), unroll=16)

    out_v[0, :] = accn
    out_v[1, :] = accw
    pltpu.sync_copy(out_v, out_hbm.at[wid])


def kernel(cam, img):
    w2 = jnp.asarray(_W2_CONST)
    cam_flat = cam.reshape(_B * _N)
    parts = _count_kernel(cam_flat, w2)

    per_img = parts.reshape(_B, _NW // _B, 2, 16).sum(axis=(1, 3))
    n1 = per_img[:, 0].astype(jnp.float32)
    s1 = (per_img[:, 1] & 0x7FFF).astype(jnp.float32)
    s0 = (per_img[:, 1] >> 15).astype(jnp.float32)

    d = img[:, :, 0, 1] - img[:, :, 0, 0]
    D = jnp.sum(d * d, axis=1)

    mf = jnp.float32(_M)
    nf = jnp.float32(_N)
    cf = jnp.float32(_C)
    a1 = s1 / mf
    a0 = (mf - s0) / mf
    n0 = nf - n1
    inter = (n1 * (1 - a1) ** 2 + n0 * a1 ** 2
             + n0 * (1 - a0) ** 2 + n1 * a0 ** 2) * D / (nf * cf)
    num = (a1 - a0) ** 2 * D / cf
    den = (n1 * (1 - a0) ** 2 + n0 * a0 ** 2
           + n0 * (1 - a1) ** 2 + n1 * a1 ** 2) * D / (nf * cf) + 1e-8
    cross = num / den
    return (_ALPHA * jnp.sum(inter) + _BETA * jnp.sum(cross)) / _B

# --- scband reference (transcript-rebuilt; emitter-appended) ---
"""Pipeline reference for scband-refine-loss-64450279244555 (READ-ONLY COPY).

The authoritative reference and input builder live on the scoring server;
editing this copy changes nothing except your own understanding.
"""

import jax, jax.numpy as jnp
import numpy as np

TH = 0.5
ALPHA = 0.9
BETA = 0.1


def setup_inputs(seed: int = 0) -> dict:
    key = jax.random.key(seed)
    k1, k2 = jax.random.split(key)
    cam = jax.random.uniform(k1, (4, 1, 384, 384), dtype=jnp.float32)
    img = jax.random.normal(k2, (4, 96, 384, 384), dtype=jnp.float32)
    return {"cam": cam, "img": img}


def reference(cam, img):
    b, c, h, w = img.shape
    b1, c1, h1, w1 = cam.shape
    if c1 != 1:
        cam = cam[:, 1:, :, :]
        c1 = 1
    # shapes chosen so (h, w) == (h1, w1): no bilinear upsample branch
    cam_bin = jnp.where(cam > TH, 1, 0).astype(jnp.int32).reshape(b1, c1 * h * w)
    img_p = jnp.transpose(img, (0, 2, 3, 1)).reshape(b, h * w, c)

    def mse(a, b_):
        return jnp.mean((a - b_) ** 2)

    loss_inter = []
    loss_cross = []
    for i in range(b):
        # faithful to torch index_select(0, cam[i]): indices are the 0/1 values
        cls_1 = jnp.take(img_p[i], cam_bin[i], axis=0)
        cls_0 = jnp.take(img_p[i], 1 - cam_bin[i], axis=0)
        num_1 = cls_1.shape[0]
        num_0 = cls_0.shape[0]
        # torch uses random.sample; here deterministic permutation-without-replacement
        idx1 = jax.random.permutation(jax.random.fold_in(jax.random.key(42), 2 * i), num_1)[: num_1 // 8]
        idx0 = jax.random.permutation(jax.random.fold_in(jax.random.key(42), 2 * i + 1), num_0)[: num_0 // 8]
        pro_1 = jnp.mean(jnp.take(cls_1, idx1, axis=0), axis=0)
        pro_0 = jnp.mean(jnp.take(cls_0, idx0, axis=0), axis=0)
        loss_inter.append(mse(cls_1, jnp.broadcast_to(pro_1[None, :], (num_1, c)))
                          + mse(cls_0, jnp.broadcast_to(pro_0[None, :], (num_0, c))))
        loss_cross.append(mse(pro_0, pro_1) / (mse(cls_1, jnp.broadcast_to(pro_0[None, :], (num_1, c)))
                                               + mse(cls_0, jnp.broadcast_to(pro_1[None, :], (num_0, c))) + 1e-08))
    return (ALPHA * sum(loss_inter) + BETA * sum(loss_cross)) / b

if __name__ == "__main__":
    import jax
    _d = setup_inputs()
    print(jax.jit(kernel)(*tuple(_d.values())))

</pallas_src>

<mosaic_0001>
#map = affine_map<(d0, d1) -> (0)>
#map1 = affine_map<(d0, d1) -> (0, 0, 0)>
module attributes {stable_mosaic.version = 14 : i64} {
  func.func @_count_kernel(%arg0: i32, %arg1: i32, %arg2: memref<589824xf32, #tpu.memory_space<hbm>>, %arg3: memref<589824xi32, #tpu.memory_space<hbm>>, %arg4: memref<32x2x16xi32, #tpu.memory_space<hbm>>, %arg5: memref<2x4608xf32, #tpu.memory_space<vmem>>, %arg6: memref<2x4608xi32, #tpu.memory_space<vmem>>, %arg7: memref<2x16xi32, #tpu.memory_space<vmem>>, %arg8: memref<!tpu.dma_semaphore, #tpu.memory_space<semaphore_mem>>, %arg9: memref<!tpu.dma_semaphore, #tpu.memory_space<semaphore_mem>>, %arg10: memref<!tpu.dma_semaphore, #tpu.memory_space<semaphore_mem>>, %arg11: memref<!tpu.dma_semaphore, #tpu.memory_space<semaphore_mem>>) attributes {dimension_semantics = [#tpu.dimension_semantics<core_parallel>, #tpu.dimension_semantics<subcore_parallel>], iteration_bounds = array<i64: 2, 16>, scalar_prefetch = 0 : i64, scratch_operands = 7 : i64, tpu.core_type = #tpu.core_type<sc_vector_subcore>, window_params = [{transform_indices = #map}, {transform_indices = #map}, {transform_indices = #map1}]} {
    %mul3A = arith.constant 2 : i32
    %mul3A_0 = arith.muli %arg1, %mul3A : i32
    %add3A = arith.addi %mul3A_0, %arg0 : i32
    %mul3A_1 = arith.constant 18432 : i32
    %mul3A_2 = arith.muli %add3A, %mul3A_1 : i32
    %broadcast_in_dim3A = arith.constant 0 : i32
    %broadcast_in_dim3A_3 = vector.broadcast %broadcast_in_dim3A : i32 to vector<16xi32>
    %add3A_4 = arith.constant 0 : i32
    %add3A_5 = arith.addi %mul3A_2, %add3A_4 : i32
    %dma_start3A = arith.constant 0 : i32
    %dma_start3A_6 = arith.constant 0 : i32
    %dma_start3A_7 = tpu.memref_slice %arg5[%dma_start3A, %dma_start3A_6] : memref<2x4608xf32, #tpu.memory_space<vmem>> -> memref<1x4608xf32, #tpu.memory_space<vmem>>
    %dma_start3A_8 = tpu.memref_squeeze %dma_start3A_7 : memref<1x4608xf32, #tpu.memory_space<vmem>> -> memref<4608xf32, #tpu.memory_space<vmem>>
    %dma_start3A_9 = tpu.memref_slice %arg2[%add3A_5] : memref<589824xf32, #tpu.memory_space<hbm>> -> memref<4608xf32, #tpu.memory_space<hbm>>
    %dma_start3A_10 = arith.constant 0 : i32
    %dma_start3A_11 = tpu.memref_slice %arg5[%dma_start3A, %dma_start3A_10] : memref<2x4608xf32, #tpu.memory_space<vmem>> -> memref<1x4608xf32, #tpu.memory_space<vmem>>
    %dma_start3A_12 = tpu.memref_squeeze %dma_start3A_11 : memref<1x4608xf32, #tpu.memory_space<vmem>> -> memref<4608xf32, #tpu.memory_space<vmem>>
    %dma_start3A_13 = tpu.memref_slice %arg2[%add3A_5] : memref<589824xf32, #tpu.memory_space<hbm>> -> memref<4608xf32, #tpu.memory_space<hbm>>
    tpu.enqueue_dma source(%dma_start3A_13 : memref<4608xf32, #tpu.memory_space<hbm>>) target(%dma_start3A_12 : memref<4608xf32, #tpu.memory_space<vmem>>) target_semaphore(%arg8 : memref<!tpu.dma_semaphore, #tpu.memory_space<semaphore_mem>>)
    %add3A_14 = arith.constant 0 : i32
    %add3A_15 = arith.addi %mul3A_2, %add3A_14 : i32
    %dma_start3A_16 = arith.constant 0 : i32
    %dma_start3A_17 = arith.constant 0 : i32
    %dma_start3A_18 = tpu.memref_slice %arg6[%dma_start3A_16, %dma_start3A_17] : memref<2x4608xi32, #tpu.memory_space<vmem>> -> memref<1x4608xi32, #tpu.memory_space<vmem>>
    %dma_start3A_19 = tpu.memref_squeeze %dma_start3A_18 : memref<1x4608xi32, #tpu.memory_space<vmem>> -> memref<4608xi32, #tpu.memory_space<vmem>>
    %dma_start3A_20 = tpu.memref_slice %arg3[%add3A_15] : memref<589824xi32, #tpu.memory_space<hbm>> -> memref<4608xi32, #tpu.memory_space<hbm>>
    %dma_start3A_21 = arith.constant 0 : i32
    %dma_start3A_22 = tpu.memref_slice %arg6[%dma_start3A_16, %dma_start3A_21] : memref<2x4608xi32, #tpu.memory_space<vmem>> -> memref<1x4608xi32, #tpu.memory_space<vmem>>
    %dma_start3A_23 = tpu.memref_squeeze %dma_start3A_22 : memref<1x4608xi32, #tpu.memory_space<vmem>> -> memref<4608xi32, #tpu.memory_space<vmem>>
    %dma_start3A_24 = tpu.memref_slice %arg3[%add3A_15] : memref<589824xi32, #tpu.memory_space<hbm>> -> memref<4608xi32, #tpu.memory_space<hbm>>
    tpu.enqueue_dma source(%dma_start3A_24 : memref<4608xi32, #tpu.memory_space<hbm>>) target(%dma_start3A_23 : memref<4608xi32, #tpu.memory_space<vmem>>) target_semaphore(%arg10 : memref<!tpu.dma_semaphore, #tpu.memory_space<semaphore_mem>>)
    %add3A_25 = arith.constant 4608 : i32
    %add3A_26 = arith.addi %mul3A_2, %add3A_25 : i32
    %dma_start3A_27 = arith.constant 1 : i32
    %dma_start3A_28 = arith.constant 0 : i32
    %dma_start3A_29 = tpu.memref_slice %arg5[%dma_start3A_27, %dma_start3A_28] : memref<2x4608xf32, #tpu.memory_space<vmem>> -> memref<1x4608xf32, #tpu.memory_space<vmem>>
    %dma_start3A_30 = tpu.memref_squeeze %dma_start3A_29 : memref<1x4608xf32, #tpu.memory_space<vmem>> -> memref<4608xf32, #tpu.memory_space<vmem>>
    %dma_start3A_31 = tpu.memref_slice %arg2[%add3A_26] : memref<589824xf32, #tpu.memory_space<hbm>> -> memref<4608xf32, #tpu.memory_space<hbm>>
    %dma_start3A_32 = arith.constant 0 : i32
    %dma_start3A_33 = tpu.memref_slice %arg5[%dma_start3A_27, %dma_start3A_32] : memref<2x4608xf32, #tpu.memory_space<vmem>> -> memref<1x4608xf32, #tpu.memory_space<vmem>>
    %dma_start3A_34 = tpu.memref_squeeze %dma_start3A_33 : memref<1x4608xf32, #tpu.memory_space<vmem>> -> memref<4608xf32, #tpu.memory_space<vmem>>
    %dma_start3A_35 = tpu.memref_slice %arg2[%add3A_26] : memref<589824xf32, #tpu.memory_space<hbm>> -> memref<4608xf32, #tpu.memory_space<hbm>>
    tpu.enqueue_dma source(%dma_start3A_35 : memref<4608xf32, #tpu.memory_space<hbm>>) target(%dma_start3A_34 : memref<4608xf32, #tpu.memory_space<vmem>>) target_semaphore(%arg9 : memref<!tpu.dma_semaphore, #tpu.memory_space<semaphore_mem>>)
    %add3A_36 = arith.constant 4608 : i32
    %add3A_37 = arith.addi %mul3A_2, %add3A_36 : i32
    %dma_start3A_38 = arith.constant 1 : i32
    %dma_start3A_39 = arith.constant 0 : i32
    %dma_start3A_40 = tpu.memref_slice %arg6[%dma_start3A_38, %dma_start3A_39] : memref<2x4608xi32, #tpu.memory_space<vmem>> -> memref<1x4608xi32, #tpu.memory_space<vmem>>
    %dma_start3A_41 = tpu.memref_squeeze %dma_start3A_40 : memref<1x4608xi32, #tpu.memory_space<vmem>> -> memref<4608xi32, #tpu.memory_space<vmem>>
    %dma_start3A_42 = tpu.memref_slice %arg3[%add3A_37] : memref<589824xi32, #tpu.memory_space<hbm>> -> memref<4608xi32, #tpu.memory_space<hbm>>
    %dma_start3A_43 = arith.constant 0 : i32
    %dma_start3A_44 = tpu.memref_slice %arg6[%dma_start3A_38, %dma_start3A_43] : memref<2x4608xi32, #tpu.memory_space<vmem>> -> memref<1x4608xi32, #tpu.memory_space<vmem>>
    %dma_start3A_45 = tpu.memref_squeeze %dma_start3A_44 : memref<1x4608xi32, #tpu.memory_space<vmem>> -> memref<4608xi32, #tpu.memory_space<vmem>>
    %dma_start3A_46 = tpu.memref_slice %arg3[%add3A_37] : memref<589824xi32, #tpu.memory_space<hbm>> -> memref<4608xi32, #tpu.memory_space<hbm>>
    tpu.enqueue_dma source(%dma_start3A_46 : memref<4608xi32, #tpu.memory_space<hbm>>) target(%dma_start3A_45 : memref<4608xi32, #tpu.memory_space<vmem>>) target_semaphore(%arg11 : memref<!tpu.dma_semaphore, #tpu.memory_space<semaphore_mem>>)
    %dma_wait3A = arith.constant 0 : i32
    %dma_wait3A_47 = arith.constant 0 : i32
    %dma_wait3A_48 = tpu.memref_slice %arg5[%dma_wait3A, %dma_wait3A_47] : memref<2x4608xf32, #tpu.memory_space<vmem>> -> memref<1x4608xf32, #tpu.memory_space<vmem>>
    %dma_wait3A_49 = tpu.memref_squeeze %dma_wait3A_48 : memref<1x4608xf32, #tpu.memory_space<vmem>> -> memref<4608xf32, #tpu.memory_space<vmem>>
    %dma_wait3A_50 = tpu.memref_slice %arg2[%add3A_5] : memref<589824xf32, #tpu.memory_space<hbm>> -> memref<4608xf32, #tpu.memory_space<hbm>>
    %dma_wait3A_51 = arith.constant 0 : i32
    %dma_wait3A_52 = tpu.memref_slice %arg5[%dma_wait3A, %dma_wait3A_51] : memref<2x4608xf32, #tpu.memory_space<vmem>> -> memref<1x4608xf32, #tpu.memory_space<vmem>>
    %dma_wait3A_53 = tpu.memref_squeeze %dma_wait3A_52 : memref<1x4608xf32, #tpu.memory_space<vmem>> -> memref<4608xf32, #tpu.memory_space<vmem>>
    %dma_wait3A_54 = tpu.memref_slice %arg2[%add3A_5] : memref<589824xf32, #tpu.memory_space<hbm>> -> memref<4608xf32, #tpu.memory_space<hbm>>
    tpu.wait_dma2 semaphore(%arg8 : memref<!tpu.dma_semaphore, #tpu.memory_space<semaphore_mem>>) src(%dma_wait3A_54 : memref<4608xf32, #tpu.memory_space<hbm>>) dst(%dma_wait3A_53 : memref<4608xf32, #tpu.memory_space<vmem>>)
    %dma_wait3A_55 = arith.constant 0 : i32
    %dma_wait3A_56 = arith.constant 0 : i32
    %dma_wait3A_57 = tpu.memref_slice %arg6[%dma_wait3A_55, %dma_wait3A_56] : memref<2x4608xi32, #tpu.memory_space<vmem>> -> memref<1x4608xi32, #tpu.memory_space<vmem>>
    %dma_wait3A_58 = tpu.memref_squeeze %dma_wait3A_57 : memref<1x4608xi32, #tpu.memory_space<vmem>> -> memref<4608xi32, #tpu.memory_space<vmem>>
    %dma_wait3A_59 = tpu.memref_slice %arg3[%add3A_15] : memref<589824xi32, #tpu.memory_space<hbm>> -> memref<4608xi32, #tpu.memory_space<hbm>>
    %dma_wait3A_60 = arith.constant 0 : i32
    %dma_wait3A_61 = tpu.memref_slice %arg6[%dma_wait3A_55, %dma_wait3A_60] : memref<2x4608xi32, #tpu.memory_space<vmem>> -> memref<1x4608xi32, #tpu.memory_space<vmem>>
    %dma_wait3A_62 = tpu.memref_squeeze %dma_wait3A_61 : memref<1x4608xi32, #tpu.memory_space<vmem>> -> memref<4608xi32, #tpu.memory_space<vmem>>
    %dma_wait3A_63 = tpu.memref_slice %arg3[%add3A_15] : memref<589824xi32, #tpu.memory_space<hbm>> -> memref<4608xi32, #tpu.memory_space<hbm>>
    tpu.wait_dma2 semaphore(%arg10 : memref<!tpu.dma_semaphore, #tpu.memory_space<semaphore_mem>>) src(%dma_wait3A_63 : memref<4608xi32, #tpu.memory_space<hbm>>) dst(%dma_wait3A_62 : memref<4608xi32, #tpu.memory_space<vmem>>)
    %scan3A = arith.constant 0 : i32
    %scan3A_64 = arith.constant 288 : i32
    %scan3A_65 = arith.addi %scan3A, %scan3A_64 : i32
    %scan3A_66 = arith.constant 16 : i32
    %scan3A_67:2 = scf.for %scan3A_196 = %scan3A to %scan3A_65 step %scan3A_66 iter_args(%scan3A_197 = %broadcast_in_dim3A_3, %scan3A_198 = %broadcast_in_dim3A_3) -> (vector<16xi32>, vector<16xi32>)  : i32 {
      %mul3A_199 = arith.constant 16 : i32
      %mul3A_200 = arith.muli %scan3A_196, %mul3A_199 : i32
      %get3A = arith.constant 0 : i32
      %get3A_201 = arith.index_cast %get3A : i32 to index
      %get3A_202 = arith.index_cast %mul3A_200 : i32 to index
      %get3A_203 = tpu.vector_load %arg5[%get3A_201, %get3A_202] {strides = array<i32>} : memref<2x4608xf32, #tpu.memory_space<vmem>>, vector<1x16xf32>,
      %get3A_204 = vector.shape_cast %get3A_203 : vector<1x16xf32> to vector<16xf32>
      %mul3A_205 = arith.constant 16 : i32
      %mul3A_206 = arith.muli %scan3A_196, %mul3A_205 : i32
      %get3A_207 = arith.constant 0 : i32
      %get3A_208 = arith.index_cast %get3A_207 : i32 to index
      %get3A_209 = arith.index_cast %mul3A_206 : i32 to index
      %get3A_210 = tpu.vector_load %arg6[%get3A_208, %get3A_209] {strides = array<i32>} : memref<2x4608xi32, #tpu.memory_space<vmem>>, vector<1x16xi32>,
      %get3A_211 = vector.shape_cast %get3A_210 : vector<1x16xi32> to vector<16xi32>
      %gt3A = arith.constant 5.000000e-01 : f32
      %gt3A_212 = vector.broadcast %gt3A : f32 to vector<16xf32>
      %gt3A_213 = arith.cmpf ogt, %get3A_204, %gt3A_212 : vector<16xf32>
      %jit3A = arith.constant 1 : i32
      %jit3A_214 = arith.constant 0 : i32
      %broadcast_in_dim3A_215 = vector.broadcast %jit3A : i32 to vector<16xi32>
      %broadcast_in_dim3A_216 = vector.broadcast %jit3A_214 : i32 to vector<16xi32>
      %select_n3A = arith.select %gt3A_213, %broadcast_in_dim3A_215, %broadcast_in_dim3A_216 : vector<16xi1>, vector<16xi32>
      %add3A_217 = arith.addi %scan3A_197, %select_n3A : vector<16xi32>
      %select_n3A_218 = arith.select %gt3A_213, %get3A_211, %broadcast_in_dim3A_3 : vector<16xi1>, vector<16xi32>
      %add3A_219 = arith.addi %scan3A_198, %select_n3A_218 : vector<16xi32>
      %scan3A_220 = arith.constant 1 : i32
      %scan3A_221 = arith.addi %scan3A_196, %scan3A_220 : i32
      %mul3A_222 = arith.constant 16 : i32
      %mul3A_223 = arith.muli %scan3A_221, %mul3A_222 : i32
      %get3A_224 = arith.constant 0 : i32
      %get3A_225 = arith.index_cast %get3A_224 : i32 to index
      %get3A_226 = arith.index_cast %mul3A_223 : i32 to index
      %get3A_227 = tpu.vector_load %arg5[%get3A_225, %get3A_226] {strides = array<i32>} : memref<2x4608xf32, #tpu.memory_space<vmem>>, vector<1x16xf32>,
      %get3A_228 = vector.shape_cast %get3A_227 : vector<1x16xf32> to vector<16xf32>
      %mul3A_229 = arith.constant 16 : i32
      %mul3A_230 = arith.muli %scan3A_221, %mul3A_229 : i32
      %get3A_231 = arith.constant 0 : i32
      %get3A_232 = arith.index_cast %get3A_231 : i32 to index
      %get3A_233 = arith.index_cast %mul3A_230 : i32 to index
      %get3A_234 = tpu.vector_load %arg6[%get3A_232, %get3A_233] {strides = array<i32>} : memref<2x4608xi32, #tpu.memory_space<vmem>>, vector<1x16xi32>,
      %get3A_235 = vector.shape_cast %get3A_234 : vector<1x16xi32> to vector<16xi32>
      %gt3A_236 = arith.constant 5.000000e-01 : f32
      %gt3A_237 = vector.broadcast %gt3A_236 : f32 to vector<16xf32>
      %gt3A_238 = arith.cmpf ogt, %get3A_228, %gt3A_237 : vector<16xf32>
      %jit3A_239 = arith.constant 1 : i32
      %jit3A_240 = arith.constant 0 : i32
      %broadcast_in_dim3A_241 = vector.broadcast %jit3A_239 : i32 to vector<16xi32>
      %broadcast_in_dim3A_242 = vector.broadcast %jit3A_240 : i32 to vector<16xi32>
      %select_n3A_243 = arith.select %gt3A_238, %broadcast_in_dim3A_241, %broadcast_in_dim3A_242 : vector<16xi1>, vector<16xi32>
      %add3A_244 = arith.addi %add3A_217, %select_n3A_243 : vector<16xi32>
      %select_n3A_245 = arith.select %gt3A_238, %get3A_235, %broadcast_in_dim3A_3 : vector<16xi1>, vector<16xi32>
      %add3A_246 = arith.addi %add3A_219, %select_n3A_245 : vector<16xi32>
      %scan3A_247 = arith.constant 2 : i32
      %scan3A_248 = arith.addi %scan3A_196, %scan3A_247 : i32
      %mul3A_249 = arith.constant 16 : i32
      %mul3A_250 = arith.muli %scan3A_248, %mul3A_249 : i32
      %get3A_251 = arith.constant 0 : i32
      %get3A_252 = arith.index_cast %get3A_251 : i32 to index
      %get3A_253 = arith.index_cast %mul3A_250 : i32 to index
      %get3A_254 = tpu.vector_load %arg5[%get3A_252, %get3A_253] {strides = array<i32>} : memref<2x4608xf32, #tpu.memory_space<vmem>>, vector<1x16xf32>,
      %get3A_255 = vector.shape_cast %get3A_254 : vector<1x16xf32> to vector<16xf32>
      %mul3A_256 = arith.constant 16 : i32
      %mul3A_257 = arith.muli %scan3A_248, %mul3A_256 : i32
      %get3A_258 = arith.constant 0 : i32
      %get3A_259 = arith.index_cast %get3A_258 : i32 to index
      %get3A_260 = arith.index_cast %mul3A_257 : i32 to index
      %get3A_261 = tpu.vector_load %arg6[%get3A_259, %get3A_260] {strides = array<i32>} : memref<2x4608xi32, #tpu.memory_space<vmem>>, vector<1x16xi32>,
      %get3A_262 = vector.shape_cast %get3A_261 : vector<1x16xi32> to vector<16xi32>
      %gt3A_263 = arith.constant 5.000000e-01 : f32
      %gt3A_264 = vector.broadcast %gt3A_263 : f32 to vector<16xf32>
      %gt3A_265 = arith.cmpf ogt, %get3A_255, %gt3A_264 : vector<16xf32>
      %jit3A_266 = arith.constant 1 : i32
      %jit3A_267 = arith.constant 0 : i32
      %broadcast_in_dim3A_268 = vector.broadcast %jit3A_266 : i32 to vector<16xi32>
      %broadcast_in_dim3A_269 = vector.broadcast %jit3A_267 : i32 to vector<16xi32>
      %select_n3A_270 = arith.select %gt3A_265, %broadcast_in_dim3A_268, %broadcast_in_dim3A_269 : vector<16xi1>, vector<16xi32>
      %add3A_271 = arith.addi %add3A_244, %select_n3A_270 : vector<16xi32>
      %select_n3A_272 = arith.select %gt3A_265, %get3A_262, %broadcast_in_dim3A_3 : vector<16xi1>, vector<16xi32>
      %add3A_273 = arith.addi %add3A_246, %select_n3A_272 : vector<16xi32>
      %scan3A_274 = arith.constant 3 : i32
      %scan3A_275 = arith.addi %scan3A_196, %scan3A_274 : i32
      %mul3A_276 = arith.constant 16 : i32
      %mul3A_277 = arith.muli %scan3A_275, %mul3A_276 : i32
      %get3A_278 = arith.constant 0 : i32
      %get3A_279 = arith.index_cast %get3A_278 : i32 to index
      %get3A_280 = arith.index_cast %mul3A_277 : i32 to index
      %get3A_281 = tpu.vector_load %arg5[%get3A_279, %get3A_280] {strides = array<i32>} : memref<2x4608xf32, #tpu.memory_space<vmem>>, vector<1x16xf32>,
      %get3A_282 = vector.shape_cast %get3A_281 : vector<1x16xf32> to vector<16xf32>
      %mul3A_283 = arith.constant 16 : i32
      %mul3A_284 = arith.muli %scan3A_275, %mul3A_283 : i32
      %get3A_285 = arith.constant 0 : i32
      %get3A_286 = arith.index_cast %get3A_285 : i32 to index
      %get3A_287 = arith.index_cast %mul3A_284 : i32 to index
      %get3A_288 = tpu.vector_load %arg6[%get3A_286, %get3A_287] {strides = array<i32>} : memref<2x4608xi32, #tpu.memory_space<vmem>>, vector<1x16xi32>,
      %get3A_289 = vector.shape_cast %get3A_288 : vector<1x16xi32> to vector<16xi32>
      %gt3A_290 = arith.constant 5.000000e-01 : f32
      %gt3A_291 = vector.broadcast %gt3A_290 : f32 to vector<16xf32>
      %gt3A_292 = arith.cmpf ogt, %get3A_282, %gt3A_291 : vector<16xf32>
      %jit3A_293 = arith.constant 1 : i32
      %jit3A_294 = arith.constant 0 : i32
      %broadcast_in_dim3A_295 = vector.broadcast %jit3A_293 : i32 to vector<16xi32>
      %broadcast_in_dim3A_296 = vector.broadcast %jit3A_294 : i32 to vector<16xi32>
      %select_n3A_297 = arith.select %gt3A_292, %broadcast_in_dim3A_295, %broadcast_in_dim3A_296 : vector<16xi1>, vector<16xi32>
      %add3A_298 = arith.addi %add3A_271, %select_n3A_297 : vector<16xi32>
      %select_n3A_299 = arith.select %gt3A_292, %get3A_289, %broadcast_in_dim3A_3 : vector<16xi1>, vector<16xi32>
      %add3A_300 = arith.addi %add3A_273, %select_n3A_299 : vector<16xi32>
      %scan3A_301 = arith.constant 4 : i32
      %scan3A_302 = arith.addi %scan3A_196, %scan3A_301 : i32
      %mul3A_303 = arith.constant 16 : i32
      %mul3A_304 = arith.muli %scan3A_302, %mul3A_303 : i32
      %get3A_305 = arith.constant 0 : i32
      %get3A_306 = arith.index_cast %get3A_305 : i32 to index
      %get3A_307 = arith.index_cast %mul3A_304 : i32 to index
      %get3A_308 = tpu.vector_load %arg5[%get3A_306, %get3A_307] {strides = array<i32>} : memref<2x4608xf32, #tpu.memory_space<vmem>>, vector<1x16xf32>,
      %get3A_309 = vector.shape_cast %get3A_308 : vector<1x16xf32> to vector<16xf32>
      %mul3A_310 = arith.constant 16 : i32
      %mul3A_311 = arith.muli %scan3A_302, %mul3A_310 : i32
      %get3A_312 = arith.constant 0 : i32
      %get3A_313 = arith.index_cast %get3A_312 : i32 to index
      %get3A_314 = arith.index_cast %mul3A_311 : i32 to index
      %get3A_315 = tpu.vector_load %arg6[%get3A_313, %get3A_314] {strides = array<i32>} : memref<2x4608xi32, #tpu.memory_space<vmem>>, vector<1x16xi32>,
      %get3A_316 = vector.shape_cast %get3A_315 : vector<1x16xi32> to vector<16xi32>
      %gt3A_317 = arith.constant 5.000000e-01 : f32
      %gt3A_318 = vector.broadcast %gt3A_317 : f32 to vector<16xf32>
      %gt3A_319 = arith.cmpf ogt, %get3A_309, %gt3A_318 : vector<16xf32>
      %jit3A_320 = arith.constant 1 : i32
      %jit3A_321 = arith.constant 0 : i32
      %broadcast_in_dim3A_322 = vector.broadcast %jit3A_320 : i32 to vector<16xi32>
      %broadcast_in_dim3A_323 = vector.broadcast %jit3A_321 : i32 to vector<16xi32>
      %select_n3A_324 = arith.select %gt3A_319, %broadcast_in_dim3A_322, %broadcast_in_dim3A_323 : vector<16xi1>, vector<16xi32>
      %add3A_325 = arith.addi %add3A_298, %select_n3A_324 : vector<16xi32>
      %select_n3A_326 = arith.select %gt3A_319, %get3A_316, %broadcast_in_dim3A_3 : vector<16xi1>, vector<16xi32>
      %add3A_327 = arith.addi %add3A_300, %select_n3A_326 : vector<16xi32>
      %scan3A_328 = arith.constant 5 : i32
      %scan3A_329 = arith.addi %scan3A_196, %scan3A_328 : i32
      %mul3A_330 = arith.constant 16 : i32
      %mul3A_331 = arith.muli %scan3A_329, %mul3A_330 : i32
      %get3A_332 = arith.constant 0 : i32
      %get3A_333 = arith.index_cast %get3A_332 : i32 to index
      %get3A_334 = arith.index_cast %mul3A_331 : i32 to index
      %get3A_335 = tpu.vector_load %arg5[%get3A_333, %get3A_334] {strides = array<i32>} : memref<2x4608xf32, #tpu.memory_space<vmem>>, vector<1x16xf32>,
      %get3A_336 = vector.shape_cast %get3A_335 : vector<1x16xf32> to vector<16xf32>
      %mul3A_337 = arith.constant 16 : i32
      %mul3A_338 = arith.muli %scan3A_329, %mul3A_337 : i32
      %get3A_339 = arith.constant 0 : i32
      %get3A_340 = arith.index_cast %get3A_339 : i32 to index
      %get3A_341 = arith.index_cast %mul3A_338 : i32 to index
      %get3A_342 = tpu.vector_load %arg6[%get3A_340, %get3A_341] {strides = array<i32>} : memref<2x4608xi32, #tpu.memory_space<vmem>>, vector<1x16xi32>,
      %get3A_343 = vector.shape_cast %get3A_342 : vector<1x16xi32> to vector<16xi32>
      %gt3A_344 = arith.constant 5.000000e-01 : f32
      %gt3A_345 = vector.broadcast %gt3A_344 : f32 to vector<16xf32>
      %gt3A_346 = arith.cmpf ogt, %get3A_336, %gt3A_345 : vector<16xf32>
      %jit3A_347 = arith.constant 1 : i32
      %jit3A_348 = arith.constant 0 : i32
      %broadcast_in_dim3A_349 = vector.broadcast %jit3A_347 : i32 to vector<16xi32>
      %broadcast_in_dim3A_350 = vector.broadcast %jit3A_348 : i32 to vector<16xi32>
      %select_n3A_351 = arith.select %gt3A_346, %broadcast_in_dim3A_349, %broadcast_in_dim3A_350 : vector<16xi1>, vector<16xi32>
      %add3A_352 = arith.addi %add3A_325, %select_n3A_351 : vector<16xi32>
      %select_n3A_353 = arith.select %gt3A_346, %get3A_343, %broadcast_in_dim3A_3 : vector<16xi1>, vector<16xi32>
      %add3A_354 = arith.addi %add3A_327, %select_n3A_353 : vector<16xi32>
      %scan3A_355 = arith.constant 6 : i32
      %scan3A_356 = arith.addi %scan3A_196, %scan3A_355 : i32
      %mul3A_357 = arith.constant 16 : i32
      %mul3A_358 = arith.muli %scan3A_356, %mul3A_357 : i32
      %get3A_359 = arith.constant 0 : i32
      %get3A_360 = arith.index_cast %get3A_359 : i32 to index
      %get3A_361 = arith.index_cast %mul3A_358 : i32 to index
      %get3A_362 = tpu.vector_load %arg5[%get3A_360, %get3A_361] {strides = array<i32>} : memref<2x4608xf32, #tpu.memory_space<vmem>>, vector<1x16xf32>,
      %get3A_363 = vector.shape_cast %get3A_362 : vector<1x16xf32> to vector<16xf32>
      %mul3A_364 = arith.constant 16 : i32
      %mul3A_365 = arith.muli %scan3A_356, %mul3A_364 : i32
      %get3A_366 = arith.constant 0 : i32
      %get3A_367 = arith.index_cast %get3A_366 : i32 to index
      %get3A_368 = arith.index_cast %mul3A_365 : i32 to index
      %get3A_369 = tpu.vector_load %arg6[%get3A_367, %get3A_368] {strides = array<i32>} : memref<2x4608xi32, #tpu.memory_space<vmem>>, vector<1x16xi32>,
      %get3A_370 = vector.shape_cast %get3A_369 : vector<1x16xi32> to vector<16xi32>
      %gt3A_371 = arith.constant 5.000000e-01 : f32
      %gt3A_372 = vector.broadcast %gt3A_371 : f32 to vector<16xf32>
      %gt3A_373 = arith.cmpf ogt, %get3A_363, %gt3A_372 : vector<16xf32>
      %jit3A_374 = arith.constant 1 : i32
      %jit3A_375 = arith.constant 0 : i32
      %broadcast_in_dim3A_376 = vector.broadcast %jit3A_374 : i32 to vector<16xi32>
      %broadcast_in_dim3A_377 = vector.broadcast %jit3A_375 : i32 to vector<16xi32>
      %select_n3A_378 = arith.select %gt3A_373, %broadcast_in_dim3A_376, %broadcast_in_dim3A_377 : vector<16xi1>, vector<16xi32>
      %add3A_379 = arith.addi %add3A_352, %select_n3A_378 : vector<16xi32>
      %select_n3A_380 = arith.select %gt3A_373, %get3A_370, %broadcast_in_dim3A_3 : vector<16xi1>, vector<16xi32>
      %add3A_381 = arith.addi %add3A_354, %select_n3A_380 : vector<16xi32>
      %scan3A_382 = arith.constant 7 : i32
      %scan3A_383 = arith.addi %scan3A_196, %scan3A_382 : i32
      %mul3A_384 = arith.constant 16 : i32
      %mul3A_385 = arith.muli %scan3A_383, %mul3A_384 : i32
      %get3A_386 = arith.constant 0 : i32
      %get3A_387 = arith.index_cast %get3A_386 : i32 to index
      %get3A_388 = arith.index_cast %mul3A_385 : i32 to index
      %get3A_389 = tpu.vector_load %arg5[%get3A_387, %get3A_388] {strides = array<i32>} : memref<2x4608xf32, #tpu.memory_space<vmem>>, vector<1x16xf32>,
      %get3A_390 = vector.shape_cast %get3A_389 : vector<1x16xf32> to vector<16xf32>
      %mul3A_391 = arith.constant 16 : i32
      %mul3A_392 = arith.muli %scan3A_383, %mul3A_391 : i32
      %get3A_393 = arith.constant 0 : i32
      %get3A_394 = arith.index_cast %get3A_393 : i32 to index
      %get3A_395 = arith.index_cast %mul3A_392 : i32 to index
      %get3A_396 = tpu.vector_load %arg6[%get3A_394, %get3A_395] {strides = array<i32>} : memref<2x4608xi32, #tpu.memory_space<vmem>>, vector<1x16xi32>,
      %get3A_397 = vector.shape_cast %get3A_396 : vector<1x16xi32> to vector<16xi32>
      %gt3A_398 = arith.constant 5.000000e-01 : f32
      %gt3A_399 = vector.broadcast %gt3A_398 : f32 to vector<16xf32>
      %gt3A_400 = arith.cmpf ogt, %get3A_390, %gt3A_399 : vector<16xf32>
      %jit3A_401 = arith.constant 1 : i32
      %jit3A_402 = arith.constant 0 : i32
      %broadcast_in_dim3A_403 = vector.broadcast %jit3A_401 : i32 to vector<16xi32>
      %broadcast_in_dim3A_404 = vector.broadcast %jit3A_402 : i32 to vector<16xi32>
      %select_n3A_405 = arith.select %gt3A_400, %broadcast_in_dim3A_403, %broadcast_in_dim3A_404 : vector<16xi1>, vector<16xi32>
      %add3A_406 = arith.addi %add3A_379, %select_n3A_405 : vector<16xi32>
      %select_n3A_407 = arith.select %gt3A_400, %get3A_397, %broadcast_in_dim3A_3 : vector<16xi1>, vector<16xi32>
      %add3A_408 = arith.addi %add3A_381, %select_n3A_407 : vector<16xi32>
      %scan3A_409 = arith.constant 8 : i32
      %scan3A_410 = arith.addi %scan3A_196, %scan3A_409 : i32
      %mul3A_411 = arith.constant 16 : i32
      %mul3A_412 = arith.muli %scan3A_410, %mul3A_411 : i32
      %get3A_413 = arith.constant 0 : i32
      %get3A_414 = arith.index_cast %get3A_413 : i32 to index
      %get3A_415 = arith.index_cast %mul3A_412 : i32 to index
      %get3A_416 = tpu.vector_load %arg5[%get3A_414, %get3A_415] {strides = array<i32>} : memref<2x4608xf32, #tpu.memory_space<vmem>>, vector<1x16xf32>,
      %get3A_417 = vector.shape_cast %get3A_416 : vector<1x16xf32> to vector<16xf32>
      %mul3A_418 = arith.constant 16 : i32
      %mul3A_419 = arith.muli %scan3A_410, %mul3A_418 : i32
      %get3A_420 = arith.constant 0 : i32
      %get3A_421 = arith.index_cast %get3A_420 : i32 to index
      %get3A_422 = arith.index_cast %mul3A_419 : i32 to index
      %get3A_423 = tpu.vector_load %arg6[%get3A_421, %get3A_422] {strides = array<i32>} : memref<2x4608xi32, #tpu.memory_space<vmem>>, vector<1x16xi32>,
      %get3A_424 = vector.shape_cast %get3A_423 : vector<1x16xi32> to vector<16xi32>
      %gt3A_425 = arith.constant 5.000000e-01 : f32
      %gt3A_426 = vector.broadcast %gt3A_425 : f32 to vector<16xf32>
      %gt3A_427 = arith.cmpf ogt, %get3A_417, %gt3A_426 : vector<16xf32>
      %jit3A_428 = arith.constant 1 : i32
      %jit3A_429 = arith.constant 0 : i32
      %broadcast_in_dim3A_430 = vector.broadcast %jit3A_428 : i32 to vector<16xi32>
      %broadcast_in_dim3A_431 = vector.broadcast %jit3A_429 : i32 to vector<16xi32>
      %select_n3A_432 = arith.select %gt3A_427, %broadcast_in_dim3A_430, %broadcast_in_dim3A_431 : vector<16xi1>, vector<16xi32>
      %add3A_433 = arith.addi %add3A_406, %select_n3A_432 : vector<16xi32>
      %select_n3A_434 = arith.select %gt3A_427, %get3A_424, %broadcast_in_dim3A_3 : vector<16xi1>, vector<16xi32>
      %add3A_435 = arith.addi %add3A_408, %select_n3A_434 : vector<16xi32>
      %scan3A_436 = arith.constant 9 : i32
      %scan3A_437 = arith.addi %scan3A_196, %scan3A_436 : i32
      %mul3A_438 = arith.constant 16 : i32
      %mul3A_439 = arith.muli %scan3A_437, %mul3A_438 : i32
      %get3A_440 = arith.constant 0 : i32
      %get3A_441 = arith.index_cast %get3A_440 : i32 to index
      %get3A_442 = arith.index_cast %mul3A_439 : i32 to index
      %get3A_443 = tpu.vector_load %arg5[%get3A_441, %get3A_442] {strides = array<i32>} : memref<2x4608xf32, #tpu.memory_space<vmem>>, vector<1x16xf32>,
      %get3A_444 = vector.shape_cast %get3A_443 : vector<1x16xf32> to vector<16xf32>
      %mul3A_445 = arith.constant 16 : i32
      %mul3A_446 = arith.muli %scan3A_437, %mul3A_445 : i32
      %get3A_447 = arith.constant 0 : i32
      %get3A_448 = arith.index_cast %get3A_447 : i32 to index
      %get3A_449 = arith.index_cast %mul3A_446 : i32 to index
      %get3A_450 = tpu.vector_load %arg6[%get3A_448, %get3A_449] {strides = array<i32>} : memref<2x4608xi32, #tpu.memory_space<vmem>>, vector<1x16xi32>,
      %get3A_451 = vector.shape_cast %get3A_450 : vector<1x16xi32> to vector<16xi32>
      %gt3A_452 = arith.constant 5.000000e-01 : f32
      %gt3A_453 = vector.broadcast %gt3A_452 : f32 to vector<16xf32>
      %gt3A_454 = arith.cmpf ogt, %get3A_444, %gt3A_453 : vector<16xf32>
      %jit3A_455 = arith.constant 1 : i32
      %jit3A_456 = arith.constant 0 : i32
      %broadcast_in_dim3A_457 = vector.broadcast %jit3A_455 : i32 to vector<16xi32>
      %broadcast_in_dim3A_458 = vector.broadcast %jit3A_456 : i32 to vector<16xi32>
      %select_n3A_459 = arith.select %gt3A_454, %broadcast_in_dim3A_457, %broadcast_in_dim3A_458 : vector<16xi1>, vector<16xi32>
      %add3A_460 = arith.addi %add3A_433, %select_n3A_459 : vector<16xi32>
      %select_n3A_461 = arith.select %gt3A_454, %get3A_451, %broadcast_in_dim3A_3 : vector<16xi1>, vector<16xi32>
      %add3A_462 = arith.addi %add3A_435, %select_n3A_461 : vector<16xi32>
      %scan3A_463 = arith.constant 10 : i32
      %scan3A_464 = arith.addi %scan3A_196, %scan3A_463 : i32
      %mul3A_465 = arith.constant 16 : i32
      %mul3A_466 = arith.muli %scan3A_464, %mul3A_465 : i32
      %get3A_467 = arith.constant 0 : i32
      %get3A_468 = arith.index_cast %get3A_467 : i32 to index
      %get3A_469 = arith.index_cast %mul3A_466 : i32 to index
      %get3A_470 = tpu.vector_load %arg5[%get3A_468, %get3A_469] {strides = array<i32>} : memref<2x4608xf32, #tpu.memory_space<vmem>>, vector<1x16xf32>,
      %get3A_471 = vector.shape_cast %get3A_470 : vector<1x16xf32> to vector<16xf32>
      %mul3A_472 = arith.constant 16 : i32
      %mul3A_473 = arith.muli %scan3A_464, %mul3A_472 : i32
      %get3A_474 = arith.constant 0 : i32
      %get3A_475 = arith.index_cast %get3A_474 : i32 to index
      %get3A_476 = arith.index_cast %mul3A_473 : i32 to index
      %get3A_477 = tpu.vector_load %arg6[%get3A_475, %get3A_476] {strides = array<i32>} : memref<2x4608xi32, #tpu.memory_space<vmem>>, vector<1x16xi32>,
      %get3A_478 = vector.shape_cast %get3A_477 : vector<1x16xi32> to vector<16xi32>
      %gt3A_479 = arith.constant 5.000000e-01 : f32
      %gt3A_480 = vector.broadcast %gt3A_479 : f32 to vector<16xf32>
      %gt3A_481 = arith.cmpf ogt, %get3A_471, %gt3A_480 : vector<16xf32>
      %jit3A_482 = arith.constant 1 : i32
      %jit3A_483 = arith.constant 0 : i32
      %broadcast_in_dim3A_484 = vector.broadcast %jit3A_482 : i32 to vector<16xi32>
      %broadcast_in_dim3A_485 = vector.broadcast %jit3A_483 : i32 to vector<16xi32>
      %select_n3A_486 = arith.select %gt3A_481, %broadcast_in_dim3A_484, %broadcast_in_dim3A_485 : vector<16xi1>, vector<16xi32>
      %add3A_487 = arith.addi %add3A_460, %select_n3A_486 : vector<16xi32>
      %select_n3A_488 = arith.select %gt3A_481, %get3A_478, %broadcast_in_dim3A_3 : vector<16xi1>, vector<16xi32>
      %add3A_489 = arith.addi %add3A_462, %select_n3A_488 : vector<16xi32>
      %scan3A_490 = arith.constant 11 : i32
      %scan3A_491 = arith.addi %scan3A_196, %scan3A_490 : i32
      %mul3A_492 = arith.constant 16 : i32
      %mul3A_493 = arith.muli %scan3A_491, %mul3A_492 : i32
      %get3A_494 = arith.constant 0 : i32
      %get3A_495 = arith.index_cast %get3A_494 : i32 to index
      %get3A_496 = arith.index_cast %mul3A_493 : i32 to index
      %get3A_497 = tpu.vector_load %arg5[%get3A_495, %get3A_496] {strides = array<i32>} : memref<2x4608xf32, #tpu.memory_space<vmem>>, vector<1x16xf32>,
      %get3A_498 = vector.shape_cast %get3A_497 : vector<1x16xf32> to vector<16xf32>
      %mul3A_499 = arith.constant 16 : i32
      %mul3A_500 = arith.muli %scan3A_491, %mul3A_499 : i32
      %get3A_501 = arith.constant 0 : i32
      %get3A_502 = arith.index_cast %get3A_501 : i32 to index
      %get3A_503 = arith.index_cast %mul3A_500 : i32 to index
      %get3A_504 = tpu.vector_load %arg6[%get3A_502, %get3A_503] {strides = array<i32>} : memref<2x4608xi32, #tpu.memory_space<vmem>>, vector<1x16xi32>,
      %get3A_505 = vector.shape_cast %get3A_504 : vector<1x16xi32> to vector<16xi32>
      %gt3A_506 = arith.constant 5.000000e-01 : f32
      %gt3A_507 = vector.broadcast %gt3A_506 : f32 to vector<16xf32>
      %gt3A_508 = arith.cmpf ogt, %get3A_498, %gt3A_507 : vector<16xf32>
      %jit3A_509 = arith.constant 1 : i32
      %jit3A_510 = arith.constant 0 : i32
      %broadcast_in_dim3A_511 = vector.broadcast %jit3A_509 : i32 to vector<16xi32>
      %broadcast_in_dim3A_512 = vector.broadcast %jit3A_510 : i32 to vector<16xi32>
      %select_n3A_513 = arith.select %gt3A_508, %broadcast_in_dim3A_511, %broadcast_in_dim3A_512 : vector<16xi1>, vector<16xi32>
      %add3A_514 = arith.addi %add3A_487, %select_n3A_513 : vector<16xi32>
      %select_n3A_515 = arith.select %gt3A_508, %get3A_505, %broadcast_in_dim3A_3 : vector<16xi1>, vector<16xi32>
      %add3A_516 = arith.addi %add3A_489, %select_n3A_515 : vector<16xi32>
      %scan3A_517 = arith.constant 12 : i32
      %scan3A_518 = arith.addi %scan3A_196, %scan3A_517 : i32
      %mul3A_519 = arith.constant 16 : i32
      %mul3A_520 = arith.muli %scan3A_518, %mul3A_519 : i32
      %get3A_521 = arith.constant 0 : i32
      %get3A_522 = arith.index_cast %get3A_521 : i32 to index
      %get3A_523 = arith.index_cast %mul3A_520 : i32 to index
      %get3A_524 = tpu.vector_load %arg5[%get3A_522, %get3A_523] {strides = array<i32>} : memref<2x4608xf32, #tpu.memory_space<vmem>>, vector<1x16xf32>,
      %get3A_525 = vector.shape_cast %get3A_524 : vector<1x16xf32> to vector<16xf32>
      %mul3A_526 = arith.constant 16 : i32
      %mul3A_527 = arith.muli %scan3A_518, %mul3A_526 : i32
      %get3A_528 = arith.constant 0 : i32
      %get3A_529 = arith.index_cast %get3A_528 : i32 to index
      %get3A_530 = arith.index_cast %mul3A_527 : i32 to index
      %get3A_531 = tpu.vector_load %arg6[%get3A_529, %get3A_530] {strides = array<i32>} : memref<2x4608xi32, #tpu.memory_space<vmem>>, vector<1x16xi32>,
      %get3A_532 = vector.shape_cast %get3A_531 : vector<1x16xi32> to vector<16xi32>
      %gt3A_533 = arith.constant 5.000000e-01 : f32
      %gt3A_534 = vector.broadcast %gt3A_533 : f32 to vector<16xf32>
      %gt3A_535 = arith.cmpf ogt, %get3A_525, %gt3A_534 : vector<16xf32>
      %jit3A_536 = arith.constant 1 : i32
      %jit3A_537 = arith.constant 0 : i32
      %broadcast_in_dim3A_538 = vector.broadcast %jit3A_536 : i32 to vector<16xi32>
      %broadcast_in_dim3A_539 = vector.broadcast %jit3A_537 : i32 to vector<16xi32>
      %select_n3A_540 = arith.select %gt3A_535, %broadcast_in_dim3A_538, %broadcast_in_dim3A_539 : vector<16xi1>, vector<16xi32>
      %add3A_541 = arith.addi %add3A_514, %select_n3A_540 : vector<16xi32>
      %select_n3A_542 = arith.select %gt3A_535, %get3A_532, %broadcast_in_dim3A_3 : vector<16xi1>, vector<16xi32>
      %add3A_543 = arith.addi %add3A_516, %select_n3A_542 : vector<16xi32>
      %scan3A_544 = arith.constant 13 : i32
      %scan3A_545 = arith.addi %scan3A_196, %scan3A_544 : i32
      %mul3A_546 = arith.constant 16 : i32
      %mul3A_547 = arith.muli %scan3A_545, %mul3A_546 : i32
      %get3A_548 = arith.constant 0 : i32
      %get3A_549 = arith.index_cast %get3A_548 : i32 to index
      %get3A_550 = arith.index_cast %mul3A_547 : i32 to index
      %get3A_551 = tpu.vector_load %arg5[%get3A_549, %get3A_550] {strides = array<i32>} : memref<2x4608xf32, #tpu.memory_space<vmem>>, vector<1x16xf32>,
      %get3A_552 = vector.shape_cast %get3A_551 : vector<1x16xf32> to vector<16xf32>
      %mul3A_553 = arith.constant 16 : i32
      %mul3A_554 = arith.muli %scan3A_545, %mul3A_553 : i32
      %get3A_555 = arith.constant 0 : i32
      %get3A_556 = arith.index_cast %get3A_555 : i32 to index
      %get3A_557 = arith.index_cast %mul3A_554 : i32 to index
      %get3A_558 = tpu.vector_load %arg6[%get3A_556, %get3A_557] {strides = array<i32>} : memref<2x4608xi32, #tpu.memory_space<vmem>>, vector<1x16xi32>,
      %get3A_559 = vector.shape_cast %get3A_558 : vector<1x16xi32> to vector<16xi32>
      %gt3A_560 = arith.constant 5.000000e-01 : f32
      %gt3A_561 = vector.broadcast %gt3A_560 : f32 to vector<16xf32>
      %gt3A_562 = arith.cmpf ogt, %get3A_552, %gt3A_561 : vector<16xf32>
      %jit3A_563 = arith.constant 1 : i32
      %jit3A_564 = arith.constant 0 : i32
      %broadcast_in_dim3A_565 = vector.broadcast %jit3A_563 : i32 to vector<16xi32>
      %broadcast_in_dim3A_566 = vector.broadcast %jit3A_564 : i32 to vector<16xi32>
      %select_n3A_567 = arith.select %gt3A_562, %broadcast_in_dim3A_565, %broadcast_in_dim3A_566 : vector<16xi1>, vector<16xi32>
      %add3A_568 = arith.addi %add3A_541, %select_n3A_567 : vector<16xi32>
      %select_n3A_569 = arith.select %gt3A_562, %get3A_559, %broadcast_in_dim3A_3 : vector<16xi1>, vector<16xi32>
      %add3A_570 = arith.addi %add3A_543, %select_n3A_569 : vector<16xi32>
      %scan3A_571 = arith.constant 14 : i32
      %scan3A_572 = arith.addi %scan3A_196, %scan3A_571 : i32
      %mul3A_573 = arith.constant 16 : i32
      %mul3A_574 = arith.muli %scan3A_572, %mul3A_573 : i32
      %get3A_575 = arith.constant 0 : i32
      %get3A_576 = arith.index_cast %get3A_575 : i32 to index
      %get3A_577 = arith.index_cast %mul3A_574 : i32 to index
      %get3A_578 = tpu.vector_load %arg5[%get3A_576, %get3A_577] {strides = array<i32>} : memref<2x4608xf32, #tpu.memory_space<vmem>>, vector<1x16xf32>,
      %get3A_579 = vector.shape_cast %get3A_578 : vector<1x16xf32> to vector<16xf32>
      %mul3A_580 = arith.constant 16 : i32
      %mul3A_581 = arith.muli %scan3A_572, %mul3A_580 : i32
      %get3A_582 = arith.constant 0 : i32
      %get3A_583 = arith.index_cast %get3A_582 : i32 to index
      %get3A_584 = arith.index_cast %mul3A_581 : i32 to index
      %get3A_585 = tpu.vector_load %arg6[%get3A_583, %get3A_584] {strides = array<i32>} : memref<2x4608xi32, #tpu.memory_space<vmem>>, vector<1x16xi32>,
      %get3A_586 = vector.shape_cast %get3A_585 : vector<1x16xi32> to vector<16xi32>
      %gt3A_587 = arith.constant 5.000000e-01 : f32
      %gt3A_588 = vector.broadcast %gt3A_587 : f32 to vector<16xf32>
      %gt3A_589 = arith.cmpf ogt, %get3A_579, %gt3A_588 : vector<16xf32>
      %jit3A_590 = arith.constant 1 : i32
      %jit3A_591 = arith.constant 0 : i32
      %broadcast_in_dim3A_592 = vector.broadcast %jit3A_590 : i32 to vector<16xi32>
      %broadcast_in_dim3A_593 = vector.broadcast %jit3A_591 : i32 to vector<16xi32>
      %select_n3A_594 = arith.select %gt3A_589, %broadcast_in_dim3A_592, %broadcast_in_dim3A_593 : vector<16xi1>, vector<16xi32>
      %add3A_595 = arith.addi %add3A_568, %select_n3A_594 : vector<16xi32>
      %select_n3A_596 = arith.select %gt3A_589, %get3A_586, %broadcast_in_dim3A_3 : vector<16xi1>, vector<16xi32>
      %add3A_597 = arith.addi %add3A_570, %select_n3A_596 : vector<16xi32>
      %scan3A_598 = arith.constant 15 : i32
      %scan3A_599 = arith.addi %scan3A_196, %scan3A_598 : i32
      %mul3A_600 = arith.constant 16 : i32
      %mul3A_601 = arith.muli %scan3A_599, %mul3A_600 : i32
      %get3A_602 = arith.constant 0 : i32
      %get3A_603 = arith.index_cast %get3A_602 : i32 to index
      %get3A_604 = arith.index_cast %mul3A_601 : i32 to index
      %get3A_605 = tpu.vector_load %arg5[%get3A_603, %get3A_604] {strides = array<i32>} : memref<2x4608xf32, #tpu.memory_space<vmem>>, vector<1x16xf32>,
      %get3A_606 = vector.shape_cast %get3A_605 : vector<1x16xf32> to vector<16xf32>
      %mul3A_607 = arith.constant 16 : i32
      %mul3A_608 = arith.muli %scan3A_599, %mul3A_607 : i32
      %get3A_609 = arith.constant 0 : i32
      %get3A_610 = arith.index_cast %get3A_609 : i32 to index
      %get3A_611 = arith.index_cast %mul3A_608 : i32 to index
      %get3A_612 = tpu.vector_load %arg6[%get3A_610, %get3A_611] {strides = array<i32>} : memref<2x4608xi32, #tpu.memory_space<vmem>>, vector<1x16xi32>,
      %get3A_613 = vector.shape_cast %get3A_612 : vector<1x16xi32> to vector<16xi32>
      %gt3A_614 = arith.constant 5.000000e-01 : f32
      %gt3A_615 = vector.broadcast %gt3A_614 : f32 to vector<16xf32>
      %gt3A_616 = arith.cmpf ogt, %get3A_606, %gt3A_615 : vector<16xf32>
      %jit3A_617 = arith.constant 1 : i32
      %jit3A_618 = arith.constant 0 : i32
      %broadcast_in_dim3A_619 = vector.broadcast %jit3A_617 : i32 to vector<16xi32>
      %broadcast_in_dim3A_620 = vector.broadcast %jit3A_618 : i32 to vector<16xi32>
      %select_n3A_621 = arith.select %gt3A_616, %broadcast_in_dim3A_619, %broadcast_in_dim3A_620 : vector<16xi1>, vector<16xi32>
      %add3A_622 = arith.addi %add3A_595, %select_n3A_621 : vector<16xi32>
      %select_n3A_623 = arith.select %gt3A_616, %get3A_613, %broadcast_in_dim3A_3 : vector<16xi1>, vector<16xi32>
      %add3A_624 = arith.addi %add3A_597, %select_n3A_623 : vector<16xi32>
      scf.yield %add3A_622, %add3A_624 : vector<16xi32>, vector<16xi32>
    }
    %scan3A_68 = arith.constant 288 : i32
    %add3A_69 = arith.constant 9216 : i32
    %add3A_70 = arith.addi %mul3A_2, %add3A_69 : i32
    %dma_start3A_71 = arith.constant 0 : i32
    %dma_start3A_72 = arith.constant 0 : i32
    %dma_start3A_73 = tpu.memref_slice %arg5[%dma_start3A_71, %dma_start3A_72] : memref<2x4608xf32, #tpu.memory_space<vmem>> -> memref<1x4608xf32, #tpu.memory_space<vmem>>
    %dma_start3A_74 = tpu.memref_squeeze %dma_start3A_73 : memref<1x4608xf32, #tpu.memory_space<vmem>> -> memref<4608xf32, #tpu.memory_space<vmem>>
    %dma_start3A_75 = tpu.memref_slice %arg2[%add3A_70] : memref<589824xf32, #tpu.memory_space<hbm>> -> memref<4608xf32, #tpu.memory_space<hbm>>
    %dma_start3A_76 = arith.constant 0 : i32
    %dma_start3A_77 = tpu.memref_slice %arg5[%dma_start3A_71, %dma_start3A_76] : memref<2x4608xf32, #tpu.memory_space<vmem>> -> memref<1x4608xf32, #tpu.memory_space<vmem>>
    %dma_start3A_78 = tpu.memref_squeeze %dma_start3A_77 : memref<1x4608xf32, #tpu.memory_space<vmem>> -> memref<4608xf32, #tpu.memory_space<vmem>>
    %dma_start3A_79 = tpu.memref_slice %arg2[%add3A_70] : memref<589824xf32, #tpu.memory_space<hbm>> -> memref<4608xf32, #tpu.memory_space<hbm>>
    tpu.enqueue_dma source(%dma_start3A_79 : memref<4608xf32, #tpu.memory_space<hbm>>) target(%dma_start3A_78 : memref<4608xf32, #tpu.memory_space<vmem>>) target_semaphore(%arg8 : memref<!tpu.dma_semaphore, #tpu.memory_space<semaphore_mem>>)
    %add3A_80 = arith.constant 9216 : i32
    %add3A_81 = arith.addi %mul3A_2, %add3A_80 : i32
    %dma_start3A_82 = arith.constant 0 : i32
    %dma_start3A_83 = arith.constant 0 : i32
    %dma_start3A_84 = tpu.memref_slice %arg6[%dma_start3A_82, %dma_start3A_83] : memref<2x4608xi32, #tpu.memory_space<vmem>> -> memref<1x4608xi32, #tpu.memory_space<vmem>>
    %dma_start3A_85 = tpu.memref_squeeze %dma_start3A_84 : memref<1x4608xi32, #tpu.memory_space<vmem>> -> memref<4608xi32, #tpu.memory_space<vmem>>
    %dma_start3A_86 = tpu.memref_slice %arg3[%add3A_81] : memref<589824xi32, #tpu.memory_space<hbm>> -> memref<4608xi32, #tpu.memory_space<hbm>>
    %dma_start3A_87 = arith.constant 0 : i32
    %dma_start3A_88 = tpu.memref_slice %arg6[%dma_start3A_82, %dma_start3A_87] : memref<2x4608xi32, #tpu.memory_space<vmem>> -> memref<1x4608xi32, #tpu.memory_space<vmem>>
    %dma_start3A_89 = tpu.memref_squeeze %dma_start3A_88 : memref<1x4608xi32, #tpu.memory_space<vmem>> -> memref<4608xi32, #tpu.memory_space<vmem>>
    %dma_start3A_90 = tpu.memref_slice %arg3[%add3A_81] : memref<589824xi32, #tpu.memory_space<hbm>> -> memref<4608xi32, #tpu.memory_space<hbm>>
    tpu.enqueue_dma source(%dma_start3A_90 : memref<4608xi32, #tpu.memory_space<hbm>>) target(%dma_start3A_89 : memref<4608xi32, #tpu.memory_space<vmem>>) target_semaphore(%arg10 : memref<!tpu.dma_semaphore, #tpu.memory_space<semaphore_mem>>)
    %dma_wait3A_91 = arith.constant 1 : i32
    %dma_wait3A_92 = arith.constant 0 : i32
    %dma_wait3A_93 = tpu.memref_slice %arg5[%dma_wait3A_91, %dma_wait3A_92] : memref<2x4608xf32, #tpu.memory_space<vmem>> -> memref<1x4608xf32, #tpu.memory_space<vmem>>
    %dma_wait3A_94 = tpu.memref_squeeze %dma_wait3A_93 : memref<1x4608xf32, #tpu.memory_space<vmem>> -> memref<4608xf32, #tpu.memory_space<vmem>>
    %dma_wait3A_95 = tpu.memref_slice %arg2[%add3A_26] : memref<589824xf32, #tpu.memory_space<hbm>> -> memref<4608xf32, #tpu.memory_space<hbm>>
    %dma_wait3A_96 = arith.constant 0 : i32
    %dma_wait3A_97 = tpu.memref_slice %arg5[%dma_wait3A_91, %dma_wait3A_96] : memref<2x4608xf32, #tpu.memory_space<vmem>> -> memref<1x4608xf32, #tpu.memory_space<vmem>>
    %dma_wait3A_98 = tpu.memref_squeeze %dma_wait3A_97 : memref<1x4608xf32, #tpu.memory_space<vmem>> -> memref<4608xf32, #tpu.memory_space<vmem>>
    %dma_wait3A_99 = tpu.memref_slice %arg2[%add3A_26] : memref<589824xf32, #tpu.memory_space<hbm>> -> memref<4608xf32, #tpu.memory_space<hbm>>
    tpu.wait_dma2 semaphore(%arg9 : memref<!tpu.dma_semaphore, #tpu.memory_space<semaphore_mem>>) src(%dma_wait3A_99 : memref<4608xf32, #tpu.memory_space<hbm>>) dst(%dma_wait3A_98 : memref<4608xf32, #tpu.memory_space<vmem>>)
    %dma_wait3A_100 = arith.constant 1 : i32
    %dma_wait3A_101 = arith.constant 0 : i32
    %dma_wait3A_102 = tpu.memref_slice %arg6[%dma_wait3A_100, %dma_wait3A_101] : memref<2x4608xi32, #tpu.memory_space<vmem>> -> memref<1x4608xi32, #tpu.memory_space<vmem>>
    %dma_wait3A_103 = tpu.memref_squeeze %dma_wait3A_102 : memref<1x4608xi32, #tpu.memory_space<vmem>> -> memref<4608xi32, #tpu.memory_space<vmem>>
    %dma_wait3A_104 = tpu.memref_slice %arg3[%add3A_37] : memref<589824xi32, #tpu.memory_space<hbm>> -> memref<4608xi32, #tpu.memory_space<hbm>>
    %dma_wait3A_105 = arith.constant 0 : i32
    %dma_wait3A_106 = tpu.memref_slice %arg6[%dma_wait3A_100, %dma_wait3A_105] : memref<2x4608xi32, #tpu.memory_space<vmem>> -> memref<1x4608xi32, #tpu.memory_space<vmem>>
    %dma_wait3A_107 = tpu.memref_squeeze %dma_wait3A_106 : memref<1x4608xi32, #tpu.memory_space<vmem>> -> memref<4608xi32, #tpu.memory_space<vmem>>
    %dma_wait3A_108 = tpu.memref_slice %arg3[%add3A_37] : memref<589824xi32, #tpu.memory_space<hbm>> -> memref<4608xi32, #tpu.memory_space<hbm>>
    tpu.wait_dma2 semaphore(%arg11 : memref<!tpu.dma_semaphore, #tpu.memory_space<semaphore_mem>>) src(%dma_wait3A_108 : memref<4608xi32, #tpu.memory_space<hbm>>) dst(%dma_wait3A_107 : memref<4608xi32, #tpu.memory_space<vmem>>)
    %scan3A_109 = arith.constant 0 : i32
    %scan3A_110 = arith.constant 288 : i32
    %scan3A_111 = arith.addi %scan3A_109, %scan3A_110 : i32
    %scan3A_112 = arith.constant 16 : i32
    %scan3A_113:2 = scf.for %scan3A_196 = %scan3A_109 to %scan3A_111 step %scan3A_112 iter_args(%scan3A_197 = %scan3A_67#0, %scan3A_198 = %scan3A_67#1) -> (vector<16xi32>, vector<16xi32>)  : i32 {
      %mul3A_199 = arith.constant 16 : i32
      %mul3A_200 = arith.muli %scan3A_196, %mul3A_199 : i32
      %get3A = arith.constant 1 : i32
      %get3A_201 = arith.index_cast %get3A : i32 to index
      %get3A_202 = arith.index_cast %mul3A_200 : i32 to index
      %get3A_203 = tpu.vector_load %arg5[%get3A_201, %get3A_202] {strides = array<i32>} : memref<2x4608xf32, #tpu.memory_space<vmem>>, vector<1x16xf32>,
      %get3A_204 = vector.shape_cast %get3A_203 : vector<1x16xf32> to vector<16xf32>
      %mul3A_205 = arith.constant 16 : i32
      %mul3A_206 = arith.muli %scan3A_196, %mul3A_205 : i32
      %get3A_207 = arith.constant 1 : i32
      %get3A_208 = arith.index_cast %get3A_207 : i32 to index
      %get3A_209 = arith.index_cast %mul3A_206 : i32 to index
      %get3A_210 = tpu.vector_load %arg6[%get3A_208, %get3A_209] {strides = array<i32>} : memref<2x4608xi32, #tpu.memory_space<vmem>>, vector<1x16xi32>,
      %get3A_211 = vector.shape_cast %get3A_210 : vector<1x16xi32> to vector<16xi32>
      %gt3A = arith.constant 5.000000e-01 : f32
      %gt3A_212 = vector.broadcast %gt3A : f32 to vector<16xf32>
      %gt3A_213 = arith.cmpf ogt, %get3A_204, %gt3A_212 : vector<16xf32>
      %jit3A = arith.constant 1 : i32
      %jit3A_214 = arith.constant 0 : i32
      %broadcast_in_dim3A_215 = vector.broadcast %jit3A : i32 to vector<16xi32>
      %broadcast_in_dim3A_216 = vector.broadcast %jit3A_214 : i32 to vector<16xi32>
      %select_n3A = arith.select %gt3A_213, %broadcast_in_dim3A_215, %broadcast_in_dim3A_216 : vector<16xi1>, vector<16xi32>
      %add3A_217 = arith.addi %scan3A_197, %select_n3A : vector<16xi32>
      %select_n3A_218 = arith.select %gt3A_213, %get3A_211, %broadcast_in_dim3A_3 : vector<16xi1>, vector<16xi32>
      %add3A_219 = arith.addi %scan3A_198, %select_n3A_218 : vector<16xi32>
      %scan3A_220 = arith.constant 1 : i32
      %scan3A_221 = arith.addi %scan3A_196, %scan3A_220 : i32
      %mul3A_222 = arith.constant 16 : i32
      %mul3A_223 = arith.muli %scan3A_221, %mul3A_222 : i32
      %get3A_224 = arith.constant 1 : i32
      %get3A_225 = arith.index_cast %get3A_224 : i32 to index
      %get3A_226 = arith.index_cast %mul3A_223 : i32 to index
      %get3A_227 = tpu.vector_load %arg5[%get3A_225, %get3A_226] {strides = array<i32>} : memref<2x4608xf32, #tpu.memory_space<vmem>>, vector<1x16xf32>,
      %get3A_228 = vector.shape_cast %get3A_227 : vector<1x16xf32> to vector<16xf32>
      %mul3A_229 = arith.constant 16 : i32
      %mul3A_230 = arith.muli %scan3A_221, %mul3A_229 : i32
      %get3A_231 = arith.constant 1 : i32
      %get3A_232 = arith.index_cast %get3A_231 : i32 to index
      %get3A_233 = arith.index_cast %mul3A_230 : i32 to index
      %get3A_234 = tpu.vector_load %arg6[%get3A_232, %get3A_233] {strides = array<i32>} : memref<2x4608xi32, #tpu.memory_space<vmem>>, vector<1x16xi32>,
      %get3A_235 = vector.shape_cast %get3A_234 : vector<1x16xi32> to vector<16xi32>
      %gt3A_236 = arith.constant 5.000000e-01 : f32
      %gt3A_237 = vector.broadcast %gt3A_236 : f32 to vector<16xf32>
      %gt3A_238 = arith.cmpf ogt, %get3A_228, %gt3A_237 : vector<16xf32>
      %jit3A_239 = arith.constant 1 : i32
      %jit3A_240 = arith.constant 0 : i32
      %broadcast_in_dim3A_241 = vector.broadcast %jit3A_239 : i32 to vector<16xi32>
      %broadcast_in_dim3A_242 = vector.broadcast %jit3A_240 : i32 to vector<16xi32>
      %select_n3A_243 = arith.select %gt3A_238, %broadcast_in_dim3A_241, %broadcast_in_dim3A_242 : vector<16xi1>, vector<16xi32>
      %add3A_244 = arith.addi %add3A_217, %select_n3A_243 : vector<16xi32>
      %select_n3A_245 = arith.select %gt3A_238, %get3A_235, %broadcast_in_dim3A_3 : vector<16xi1>, vector<16xi32>
      %add3A_246 = arith.addi %add3A_219, %select_n3A_245 : vector<16xi32>
      %scan3A_247 = arith.constant 2 : i32
      %scan3A_248 = arith.addi %scan3A_196, %scan3A_247 : i32
      %mul3A_249 = arith.constant 16 : i32
      %mul3A_250 = arith.muli %scan3A_248, %mul3A_249 : i32
      %get3A_251 = arith.constant 1 : i32
      %get3A_252 = arith.index_cast %get3A_251 : i32 to index
      %get3A_253 = arith.index_cast %mul3A_250 : i32 to index
      %get3A_254 = tpu.vector_load %arg5[%get3A_252, %get3A_253] {strides = array<i32>} : memref<2x4608xf32, #tpu.memory_space<vmem>>, vector<1x16xf32>,
      %get3A_255 = vector.shape_cast %get3A_254 : vector<1x16xf32> to vector<16xf32>
      %mul3A_256 = arith.constant 16 : i32
      %mul3A_257 = arith.muli %scan3A_248, %mul3A_256 : i32
      %get3A_258 = arith.constant 1 : i32
      %get3A_259 = arith.index_cast %get3A_258 : i32 to index
      %get3A_260 = arith.index_cast %mul3A_257 : i32 to index
      %get3A_261 = tpu.vector_load %arg6[%get3A_259, %get3A_260] {strides = array<i32>} : memref<2x4608xi32, #tpu.memory_space<vmem>>, vector<1x16xi32>,
      %get3A_262 = vector.shape_cast %get3A_261 : vector<1x16xi32> to vector<16xi32>
      %gt3A_263 = arith.constant 5.000000e-01 : f32
      %gt3A_264 = vector.broadcast %gt3A_263 : f32 to vector<16xf32>
      %gt3A_265 = arith.cmpf ogt, %get3A_255, %gt3A_264 : vector<16xf32>
      %jit3A_266 = arith.constant 1 : i32
      %jit3A_267 = arith.constant 0 : i32
      %broadcast_in_dim3A_268 = vector.broadcast %jit3A_266 : i32 to vector<16xi32>
      %broadcast_in_dim3A_269 = vector.broadcast %jit3A_267 : i32 to vector<16xi32>
      %select_n3A_270 = arith.select %gt3A_265, %broadcast_in_dim3A_268, %broadcast_in_dim3A_269 : vector<16xi1>, vector<16xi32>
      %add3A_271 = arith.addi %add3A_244, %select_n3A_270 : vector<16xi32>
      %select_n3A_272 = arith.select %gt3A_265, %get3A_262, %broadcast_in_dim3A_3 : vector<16xi1>, vector<16xi32>
      %add3A_273 = arith.addi %add3A_246, %select_n3A_272 : vector<16xi32>
      %scan3A_274 = arith.constant 3 : i32
      %scan3A_275 = arith.addi %scan3A_196, %scan3A_274 : i32
      %mul3A_276 = arith.constant 16 : i32
      %mul3A_277 = arith.muli %scan3A_275, %mul3A_276 : i32
      %get3A_278 = arith.constant 1 : i32
      %get3A_279 = arith.index_cast %get3A_278 : i32 to index
      %get3A_280 = arith.index_cast %mul3A_277 : i32 to index
      %get3A_281 = tpu.vector_load %arg5[%get3A_279, %get3A_280] {strides = array<i32>} : memref<2x4608xf32, #tpu.memory_space<vmem>>, vector<1x16xf32>,
      %get3A_282 = vector.shape_cast %get3A_281 : vector<1x16xf32> to vector<16xf32>
      %mul3A_283 = arith.constant 16 : i32
      %mul3A_284 = arith.muli %scan3A_275, %mul3A_283 : i32
      %get3A_285 = arith.constant 1 : i32
      %get3A_286 = arith.index_cast %get3A_285 : i32 to index
      %get3A_287 = arith.index_cast %mul3A_284 : i32 to index
      %get3A_288 = tpu.vector_load %arg6[%get3A_286, %get3A_287] {strides = array<i32>} : memref<2x4608xi32, #tpu.memory_space<vmem>>, vector<1x16xi32>,
      %get3A_289 = vector.shape_cast %get3A_288 : vector<1x16xi32> to vector<16xi32>
      %gt3A_290 = arith.constant 5.000000e-01 : f32
      %gt3A_291 = vector.broadcast %gt3A_290 : f32 to vector<16xf32>
      %gt3A_292 = arith.cmpf ogt, %get3A_282, %gt3A_291 : vector<16xf32>
      %jit3A_293 = arith.constant 1 : i32
      %jit3A_294 = arith.constant 0 : i32
      %broadcast_in_dim3A_295 = vector.broadcast %jit3A_293 : i32 to vector<16xi32>
      %broadcast_in_dim3A_296 = vector.broadcast %jit3A_294 : i32 to vector<16xi32>
      %select_n3A_297 = arith.select %gt3A_292, %broadcast_in_dim3A_295, %broadcast_in_dim3A_296 : vector<16xi1>, vector<16xi32>
      %add3A_298 = arith.addi %add3A_271, %select_n3A_297 : vector<16xi32>
      %select_n3A_299 = arith.select %gt3A_292, %get3A_289, %broadcast_in_dim3A_3 : vector<16xi1>, vector<16xi32>
      %add3A_300 = arith.addi %add3A_273, %select_n3A_299 : vector<16xi32>
      %scan3A_301 = arith.constant 4 : i32
      %scan3A_302 = arith.addi %scan3A_196, %scan3A_301 : i32
      %mul3A_303 = arith.constant 16 : i32
      %mul3A_304 = arith.muli %scan3A_302, %mul3A_303 : i32
      %get3A_305 = arith.constant 1 : i32
      %get3A_306 = arith.index_cast %get3A_305 : i32 to index
      %get3A_307 = arith.index_cast %mul3A_304 : i32 to index
      %get3A_308 = tpu.vector_load %arg5[%get3A_306, %get3A_307] {strides = array<i32>} : memref<2x4608xf32, #tpu.memory_space<vmem>>, vector<1x16xf32>,
      %get3A_309 = vector.shape_cast %get3A_308 : vector<1x16xf32> to vector<16xf32>
      %mul3A_310 = arith.constant 16 : i32
      %mul3A_311 = arith.muli %scan3A_302, %mul3A_310 : i32
      %get3A_312 = arith.constant 1 : i32
      %get3A_313 = arith.index_cast %get3A_312 : i32 to index
      %get3A_314 = arith.index_cast %mul3A_311 : i32 to index
      %get3A_315 = tpu.vector_load %arg6[%get3A_313, %get3A_314] {strides = array<i32>} : memref<2x4608xi32, #tpu.memory_space<vmem>>, vector<1x16xi32>,
      %get3A_316 = vector.shape_cast %get3A_315 : vector<1x16xi32> to vector<16xi32>
      %gt3A_317 = arith.constant 5.000000e-01 : f32
      %gt3A_318 = vector.broadcast %gt3A_317 : f32 to vector<16xf32>
      %gt3A_319 = arith.cmpf ogt, %get3A_309, %gt3A_318 : vector<16xf32>
      %jit3A_320 = arith.constant 1 : i32
      %jit3A_321 = arith.constant 0 : i32
      %broadcast_in_dim3A_322 = vector.broadcast %jit3A_320 : i32 to vector<16xi32>
      %broadcast_in_dim3A_323 = vector.broadcast %jit3A_321 : i32 to vector<16xi32>
      %select_n3A_324 = arith.select %gt3A_319, %broadcast_in_dim3A_322, %broadcast_in_dim3A_323 : vector<16xi1>, vector<16xi32>
      %add3A_325 = arith.addi %add3A_298, %select_n3A_324 : vector<16xi32>
      %select_n3A_326 = arith.select %gt3A_319, %get3A_316, %broadcast_in_dim3A_3 : vector<16xi1>, vector<16xi32>
      %add3A_327 = arith.addi %add3A_300, %select_n3A_326 : vector<16xi32>
      %scan3A_328 = arith.constant 5 : i32
      %scan3A_329 = arith.addi %scan3A_196, %scan3A_328 : i32
      %mul3A_330 = arith.constant 16 : i32
      %mul3A_331 = arith.muli %scan3A_329, %mul3A_330 : i32
      %get3A_332 = arith.constant 1 : i32
      %get3A_333 = arith.index_cast %get3A_332 : i32 to index
      %get3A_334 = arith.index_cast %mul3A_331 : i32 to index
      %get3A_335 = tpu.vector_load %arg5[%get3A_333, %get3A_334] {strides = array<i32>} : memref<2x4608xf32, #tpu.memory_space<vmem>>, vector<1x16xf32>,
      %get3A_336 = vector.shape_cast %get3A_335 : vector<1x16xf32> to vector<16xf32>
      %mul3A_337 = arith.constant 16 : i32
      %mul3A_338 = arith.muli %scan3A_329, %mul3A_337 : i32
      %get3A_339 = arith.constant 1 : i32
      %get3A_340 = arith.index_cast %get3A_339 : i32 to index
      %get3A_341 = arith.index_cast %mul3A_338 : i32 to index
      %get3A_342 = tpu.vector_load %arg6[%get3A_340, %get3A_341] {strides = array<i32>} : memref<2x4608xi32, #tpu.memory_space<vmem>>, vector<1x16xi32>,
      %get3A_343 = vector.shape_cast %get3A_342 : vector<1x16xi32> to vector<16xi32>
      %gt3A_344 = arith.constant 5.000000e-01 : f32
      %gt3A_345 = vector.broadcast %gt3A_344 : f32 to vector<16xf32>
      %gt3A_346 = arith.cmpf ogt, %get3A_336, %gt3A_345 : vector<16xf32>
      %jit3A_347 = arith.constant 1 : i32
      %jit3A_348 = arith.constant 0 : i32
      %broadcast_in_dim3A_349 = vector.broadcast %jit3A_347 : i32 to vector<16xi32>
      %broadcast_in_dim3A_350 = vector.broadcast %jit3A_348 : i32 to vector<16xi32>
      %select_n3A_351 = arith.select %gt3A_346, %broadcast_in_dim3A_349, %broadcast_in_dim3A_350 : vector<16xi1>, vector<16xi32>
      %add3A_352 = arith.addi %add3A_325, %select_n3A_351 : vector<16xi32>
      %select_n3A_353 = arith.select %gt3A_346, %get3A_343, %broadcast_in_dim3A_3 : vector<16xi1>, vector<16xi32>
      %add3A_354 = arith.addi %add3A_327, %select_n3A_353 : vector<16xi32>
      %scan3A_355 = arith.constant 6 : i32
      %scan3A_356 = arith.addi %scan3A_196, %scan3A_355 : i32
      %mul3A_357 = arith.constant 16 : i32
      %mul3A_358 = arith.muli %scan3A_356, %mul3A_357 : i32
      %get3A_359 = arith.constant 1 : i32
      %get3A_360 = arith.index_cast %get3A_359 : i32 to index
      %get3A_361 = arith.index_cast %mul3A_358 : i32 to index
      %get3A_362 = tpu.vector_load %arg5[%get3A_360, %get3A_361] {strides = array<i32>} : memref<2x4608xf32, #tpu.memory_space<vmem>>, vector<1x16xf32>,
      %get3A_363 = vector.shape_cast %get3A_362 : vector<1x16xf32> to vector<16xf32>
      %mul3A_364 = arith.constant 16 : i32
      %mul3A_365 = arith.muli %scan3A_356, %mul3A_364 : i32
      %get3A_366 = arith.constant 1 : i32
      %get3A_367 = arith.index_cast %get3A_366 : i32 to index
      %get3A_368 = arith.index_cast %mul3A_365 : i32 to index
      %get3A_369 = tpu.vector_load %arg6[%get3A_367, %get3A_368] {strides = array<i32>} : memref<2x4608xi32, #tpu.memory_space<vmem>>, vector<1x16xi32>,
      %get3A_370 = vector.shape_cast %get3A_369 : vector<1x16xi32> to vector<16xi32>
      %gt3A_371 = arith.constant 5.000000e-01 : f32
      %gt3A_372 = vector.broadcast %gt3A_371 : f32 to vector<16xf32>
      %gt3A_373 = arith.cmpf ogt, %get3A_363, %gt3A_372 : vector<16xf32>
      %jit3A_374 = arith.constant 1 : i32
      %jit3A_375 = arith.constant 0 : i32
      %broadcast_in_dim3A_376 = vector.broadcast %jit3A_374 : i32 to vector<16xi32>
      %broadcast_in_dim3A_377 = vector.broadcast %jit3A_375 : i32 to vector<16xi32>
      %select_n3A_378 = arith.select %gt3A_373, %broadcast_in_dim3A_376, %broadcast_in_dim3A_377 : vector<16xi1>, vector<16xi32>
      %add3A_379 = arith.addi %add3A_352, %select_n3A_378 : vector<16xi32>
      %select_n3A_380 = arith.select %gt3A_373, %get3A_370, %broadcast_in_dim3A_3 : vector<16xi1>, vector<16xi32>
      %add3A_381 = arith.addi %add3A_354, %select_n3A_380 : vector<16xi32>
      %scan3A_382 = arith.constant 7 : i32
      %scan3A_383 = arith.addi %scan3A_196, %scan3A_382 : i32
      %mul3A_384 = arith.constant 16 : i32
      %mul3A_385 = arith.muli %scan3A_383, %mul3A_384 : i32
      %get3A_386 = arith.constant 1 : i32
      %get3A_387 = arith.index_cast %get3A_386 : i32 to index
      %get3A_388 = arith.index_cast %mul3A_385 : i32 to index
      %get3A_389 = tpu.vector_load %arg5[%get3A_387, %get3A_388] {strides = array<i32>} : memref<2x4608xf32, #tpu.memory_space<vmem>>, vector<1x16xf32>,
      %get3A_390 = vector.shape_cast %get3A_389 : vector<1x16xf32> to vector<16xf32>
      %mul3A_391 = arith.constant 16 : i32
      %mul3A_392 = arith.muli %scan3A_383, %mul3A_391 : i32
      %get3A_393 = arith.constant 1 : i32
      %get3A_394 = arith.index_cast %get3A_393 : i32 to index
      %get3A_395 = arith.index_cast %mul3A_392 : i32 to index
      %get3A_396 = tpu.vector_load %arg6[%get3A_394, %get3A_395] {strides = array<i32>} : memref<2x4608xi32, #tpu.memory_space<vmem>>, vector<1x16xi32>,
      %get3A_397 = vector.shape_cast %get3A_396 : vector<1x16xi32> to vector<16xi32>
      %gt3A_398 = arith.constant 5.000000e-01 : f32
      %gt3A_399 = vector.broadcast %gt3A_398 : f32 to vector<16xf32>
      %gt3A_400 = arith.cmpf ogt, %get3A_390, %gt3A_399 : vector<16xf32>
      %jit3A_401 = arith.constant 1 : i32
      %jit3A_402 = arith.constant 0 : i32
      %broadcast_in_dim3A_403 = vector.broadcast %jit3A_401 : i32 to vector<16xi32>
      %broadcast_in_dim3A_404 = vector.broadcast %jit3A_402 : i32 to vector<16xi32>
      %select_n3A_405 = arith.select %gt3A_400, %broadcast_in_dim3A_403, %broadcast_in_dim3A_404 : vector<16xi1>, vector<16xi32>
      %add3A_406 = arith.addi %add3A_379, %select_n3A_405 : vector<16xi32>
      %select_n3A_407 = arith.select %gt3A_400, %get3A_397, %broadcast_in_dim3A_3 : vector<16xi1>, vector<16xi32>
      %add3A_408 = arith.addi %add3A_381, %select_n3A_407 : vector<16xi32>
      %scan3A_409 = arith.constant 8 : i32
      %scan3A_410 = arith.addi %scan3A_196, %scan3A_409 : i32
      %mul3A_411 = arith.constant 16 : i32
      %mul3A_412 = arith.muli %scan3A_410, %mul3A_411 : i32
      %get3A_413 = arith.constant 1 : i32
      %get3A_414 = arith.index_cast %get3A_413 : i32 to index
      %get3A_415 = arith.index_cast %mul3A_412 : i32 to index
      %get3A_416 = tpu.vector_load %arg5[%get3A_414, %get3A_415] {strides = array<i32>} : memref<2x4608xf32, #tpu.memory_space<vmem>>, vector<1x16xf32>,
      %get3A_417 = vector.shape_cast %get3A_416 : vector<1x16xf32> to vector<16xf32>
      %mul3A_418 = arith.constant 16 : i32
      %mul3A_419 = arith.muli %scan3A_410, %mul3A_418 : i32
      %get3A_420 = arith.constant 1 : i32
      %get3A_421 = arith.index_cast %get3A_420 : i32 to index
      %get3A_422 = arith.index_cast %mul3A_419 : i32 to index
      %get3A_423 = tpu.vector_load %arg6[%get3A_421, %get3A_422] {strides = array<i32>} : memref<2x4608xi32, #tpu.memory_space<vmem>>, vector<1x16xi32>,
      %get3A_424 = vector.shape_cast %get3A_423 : vector<1x16xi32> to vector<16xi32>
      %gt3A_425 = arith.constant 5.000000e-01 : f32
      %gt3A_426 = vector.broadcast %gt3A_425 : f32 to vector<16xf32>
      %gt3A_427 = arith.cmpf ogt, %get3A_417, %gt3A_426 : vector<16xf32>
      %jit3A_428 = arith.constant 1 : i32
      %jit3A_429 = arith.constant 0 : i32
      %broadcast_in_dim3A_430 = vector.broadcast %jit3A_428 : i32 to vector<16xi32>
      %broadcast_in_dim3A_431 = vector.broadcast %jit3A_429 : i32 to vector<16xi32>
      %select_n3A_432 = arith.select %gt3A_427, %broadcast_in_dim3A_430, %broadcast_in_dim3A_431 : vector<16xi1>, vector<16xi32>
      %add3A_433 = arith.addi %add3A_406, %select_n3A_432 : vector<16xi32>
      %select_n3A_434 = arith.select %gt3A_427, %get3A_424, %broadcast_in_dim3A_3 : vector<16xi1>, vector<16xi32>
      %add3A_435 = arith.addi %add3A_408, %select_n3A_434 : vector<16xi32>
      %scan3A_436 = arith.constant 9 : i32
      %scan3A_437 = arith.addi %scan3A_196, %scan3A_436 : i32
      %mul3A_438 = arith.constant 16 : i32
      %mul3A_439 = arith.muli %scan3A_437, %mul3A_438 : i32
      %get3A_440 = arith.constant 1 : i32
      %get3A_441 = arith.index_cast %get3A_440 : i32 to index
      %get3A_442 = arith.index_cast %mul3A_439 : i32 to index
      %get3A_443 = tpu.vector_load %arg5[%get3A_441, %get3A_442] {strides = array<i32>} : memref<2x4608xf32, #tpu.memory_space<vmem>>, vector<1x16xf32>,
      %get3A_444 = vector.shape_cast %get3A_443 : vector<1x16xf32> to vector<16xf32>
      %mul3A_445 = arith.constant 16 : i32
      %mul3A_446 = arith.muli %scan3A_437, %mul3A_445 : i32
      %get3A_447 = arith.constant 1 : i32
      %get3A_448 = arith.index_cast %get3A_447 : i32 to index
      %get3A_449 = arith.index_cast %mul3A_446 : i32 to index
      %get3A_450 = tpu.vector_load %arg6[%get3A_448, %get3A_449] {strides = array<i32>} : memref<2x4608xi32, #tpu.memory_space<vmem>>, vector<1x16xi32>,
      %get3A_451 = vector.shape_cast %get3A_450 : vector<1x16xi32> to vector<16xi32>
      %gt3A_452 = arith.constant 5.000000e-01 : f32
      %gt3A_453 = vector.broadcast %gt3A_452 : f32 to vector<16xf32>
      %gt3A_454 = arith.cmpf ogt, %get3A_444, %gt3A_453 : vector<16xf32>
      %jit3A_455 = arith.constant 1 : i32
      %jit3A_456 = arith.constant 0 : i32
      %broadcast_in_dim3A_457 = vector.broadcast %jit3A_455 : i32 to vector<16xi32>
      %broadcast_in_dim3A_458 = vector.broadcast %jit3A_456 : i32 to vector<16xi32>
      %select_n3A_459 = arith.select %gt3A_454, %broadcast_in_dim3A_457, %broadcast_in_dim3A_458 : vector<16xi1>, vector<16xi32>
      %add3A_460 = arith.addi %add3A_433, %select_n3A_459 : vector<16xi32>
      %select_n3A_461 = arith.select %gt3A_454, %get3A_451, %broadcast_in_dim3A_3 : vector<16xi1>, vector<16xi32>
      %add3A_462 = arith.addi %add3A_435, %select_n3A_461 : vector<16xi32>
      %scan3A_463 = arith.constant 10 : i32
      %scan3A_464 = arith.addi %scan3A_196, %scan3A_463 : i32
      %mul3A_465 = arith.constant 16 : i32
      %mul3A_466 = arith.muli %scan3A_464, %mul3A_465 : i32
      %get3A_467 = arith.constant 1 : i32
      %get3A_468 = arith.index_cast %get3A_467 : i32 to index
      %get3A_469 = arith.index_cast %mul3A_466 : i32 to index
      %get3A_470 = tpu.vector_load %arg5[%get3A_468, %get3A_469] {strides = array<i32>} : memref<2x4608xf32, #tpu.memory_space<vmem>>, vector<1x16xf32>,
      %get3A_471 = vector.shape_cast %get3A_470 : vector<1x16xf32> to vector<16xf32>
      %mul3A_472 = arith.constant 16 : i32
      %mul3A_473 = arith.muli %scan3A_464, %mul3A_472 : i32
      %get3A_474 = arith.constant 1 : i32
      %get3A_475 = arith.index_cast %get3A_474 : i32 to index
      %get3A_476 = arith.index_cast %mul3A_473 : i32 to index
      %get3A_477 = tpu.vector_load %arg6[%get3A_475, %get3A_476] {strides = array<i32>} : memref<2x4608xi32, #tpu.memory_space<vmem>>, vector<1x16xi32>,
      %get3A_478 = vector.shape_cast %get3A_477 : vector<1x16xi32> to vector<16xi32>
      %gt3A_479 = arith.constant 5.000000e-01 : f32
      %gt3A_480 = vector.broadcast %gt3A_479 : f32 to vector<16xf32>
      %gt3A_481 = arith.cmpf ogt, %get3A_471, %gt3A_480 : vector<16xf32>
      %jit3A_482 = arith.constant 1 : i32
      %jit3A_483 = arith.constant 0 : i32
      %broadcast_in_dim3A_484 = vector.broadcast %jit3A_482 : i32 to vector<16xi32>
      %broadcast_in_dim3A_485 = vector.broadcast %jit3A_483 : i32 to vector<16xi32>
      %select_n3A_486 = arith.select %gt3A_481, %broadcast_in_dim3A_484, %broadcast_in_dim3A_485 : vector<16xi1>, vector<16xi32>
      %add3A_487 = arith.addi %add3A_460, %select_n3A_486 : vector<16xi32>
      %select_n3A_488 = arith.select %gt3A_481, %get3A_478, %broadcast_in_dim3A_3 : vector<16xi1>, vector<16xi32>
      %add3A_489 = arith.addi %add3A_462, %select_n3A_488 : vector<16xi32>
      %scan3A_490 = arith.constant 11 : i32
      %scan3A_491 = arith.addi %scan3A_196, %scan3A_490 : i32
      %mul3A_492 = arith.constant 16 : i32
      %mul3A_493 = arith.muli %scan3A_491, %mul3A_492 : i32
      %get3A_494 = arith.constant 1 : i32
      %get3A_495 = arith.index_cast %get3A_494 : i32 to index
      %get3A_496 = arith.index_cast %mul3A_493 : i32 to index
      %get3A_497 = tpu.vector_load %arg5[%get3A_495, %get3A_496] {strides = array<i32>} : memref<2x4608xf32, #tpu.memory_space<vmem>>, vector<1x16xf32>,
      %get3A_498 = vector.shape_cast %get3A_497 : vector<1x16xf32> to vector<16xf32>
      %mul3A_499 = arith.constant 16 : i32
      %mul3A_500 = arith.muli %scan3A_491, %mul3A_499 : i32
      %get3A_501 = arith.constant 1 : i32
      %get3A_502 = arith.index_cast %get3A_501 : i32 to index
      %get3A_503 = arith.index_cast %mul3A_500 : i32 to index
      %get3A_504 = tpu.vector_load %arg6[%get3A_502, %get3A_503] {strides = array<i32>} : memref<2x4608xi32, #tpu.memory_space<vmem>>, vector<1x16xi32>,
      %get3A_505 = vector.shape_cast %get3A_504 : vector<1x16xi32> to vector<16xi32>
      %gt3A_506 = arith.constant 5.000000e-01 : f32
      %gt3A_507 = vector.broadcast %gt3A_506 : f32 to vector<16xf32>
      %gt3A_508 = arith.cmpf ogt, %get3A_498, %gt3A_507 : vector<16xf32>
      %jit3A_509 = arith.constant 1 : i32
      %jit3A_510 = arith.constant 0 : i32
      %broadcast_in_dim3A_511 = vector.broadcast %jit3A_509 : i32 to vector<16xi32>
      %broadcast_in_dim3A_512 = vector.broadcast %jit3A_510 : i32 to vector<16xi32>
      %select_n3A_513 = arith.select %gt3A_508, %broadcast_in_dim3A_511, %broadcast_in_dim3A_512 : vector<16xi1>, vector<16xi32>
      %add3A_514 = arith.addi %add3A_487, %select_n3A_513 : vector<16xi32>
      %select_n3A_515 = arith.select %gt3A_508, %get3A_505, %broadcast_in_dim3A_3 : vector<16xi1>, vector<16xi32>
      %add3A_516 = arith.addi %add3A_489, %select_n3A_515 : vector<16xi32>
      %scan3A_517 = arith.constant 12 : i32
      %scan3A_518 = arith.addi %scan3A_196, %scan3A_517 : i32
      %mul3A_519 = arith.constant 16 : i32
      %mul3A_520 = arith.muli %scan3A_518, %mul3A_519 : i32
      %get3A_521 = arith.constant 1 : i32
      %get3A_522 = arith.index_cast %get3A_521 : i32 to index
      %get3A_523 = arith.index_cast %mul3A_520 : i32 to index
      %get3A_524 = tpu.vector_load %arg5[%get3A_522, %get3A_523] {strides = array<i32>} : memref<2x4608xf32, #tpu.memory_space<vmem>>, vector<1x16xf32>,
      %get3A_525 = vector.shape_cast %get3A_524 : vector<1x16xf32> to vector<16xf32>
      %mul3A_526 = arith.constant 16 : i32
      %mul3A_527 = arith.muli %scan3A_518, %mul3A_526 : i32
      %get3A_528 = arith.constant 1 : i32
      %get3A_529 = arith.index_cast %get3A_528 : i32 to index
      %get3A_530 = arith.index_cast %mul3A_527 : i32 to index
      %get3A_531 = tpu.vector_load %arg6[%get3A_529, %get3A_530] {strides = array<i32>} : memref<2x4608xi32, #tpu.memory_space<vmem>>, vector<1x16xi32>,
      %get3A_532 = vector.shape_cast %get3A_531 : vector<1x16xi32> to vector<16xi32>
      %gt3A_533 = arith.constant 5.000000e-01 : f32
      %gt3A_534 = vector.broadcast %gt3A_533 : f32 to vector<16xf32>
      %gt3A_535 = arith.cmpf ogt, %get3A_525, %gt3A_534 : vector<16xf32>
      %jit3A_536 = arith.constant 1 : i32
      %jit3A_537 = arith.constant 0 : i32
      %broadcast_in_dim3A_538 = vector.broadcast %jit3A_536 : i32 to vector<16xi32>
      %broadcast_in_dim3A_539 = vector.broadcast %jit3A_537 : i32 to vector<16xi32>
      %select_n3A_540 = arith.select %gt3A_535, %broadcast_in_dim3A_538, %broadcast_in_dim3A_539 : vector<16xi1>, vector<16xi32>
      %add3A_541 = arith.addi %add3A_514, %select_n3A_540 : vector<16xi32>
      %select_n3A_542 = arith.select %gt3A_535, %get3A_532, %broadcast_in_dim3A_3 : vector<16xi1>, vector<16xi32>
      %add3A_543 = arith.addi %add3A_516, %select_n3A_542 : vector<16xi32>
      %scan3A_544 = arith.constant 13 : i32
      %scan3A_545 = arith.addi %scan3A_196, %scan3A_544 : i32
      %mul3A_546 = arith.constant 16 : i32
      %mul3A_547 = arith.muli %scan3A_545, %mul3A_546 : i32
      %get3A_548 = arith.constant 1 : i32
      %get3A_549 = arith.index_cast %get3A_548 : i32 to index
      %get3A_550 = arith.index_cast %mul3A_547 : i32 to index
      %get3A_551 = tpu.vector_load %arg5[%get3A_549, %get3A_550] {strides = array<i32>} : memref<2x4608xf32, #tpu.memory_space<vmem>>, vector<1x16xf32>,
      %get3A_552 = vector.shape_cast %get3A_551 : vector<1x16xf32> to vector<16xf32>
      %mul3A_553 = arith.constant 16 : i32
      %mul3A_554 = arith.muli %scan3A_545, %mul3A_553 : i32
      %get3A_555 = arith.constant 1 : i32
      %get3A_556 = arith.index_cast %get3A_555 : i32 to index
      %get3A_557 = arith.index_cast %mul3A_554 : i32 to index
      %get3A_558 = tpu.vector_load %arg6[%get3A_556, %get3A_557] {strides = array<i32>} : memref<2x4608xi32, #tpu.memory_space<vmem>>, vector<1x16xi32>,
      %get3A_559 = vector.shape_cast %get3A_558 : vector<1x16xi32> to vector<16xi32>
      %gt3A_560 = arith.constant 5.000000e-01 : f32
      %gt3A_561 = vector.broadcast %gt3A_560 : f32 to vector<16xf32>
      %gt3A_562 = arith.cmpf ogt, %get3A_552, %gt3A_561 : vector<16xf32>
      %jit3A_563 = arith.constant 1 : i32
      %jit3A_564 = arith.constant 0 : i32
      %broadcast_in_dim3A_565 = vector.broadcast %jit3A_563 : i32 to vector<16xi32>
      %broadcast_in_dim3A_566 = vector.broadcast %jit3A_564 : i32 to vector<16xi32>
      %select_n3A_567 = arith.select %gt3A_562, %broadcast_in_dim3A_565, %broadcast_in_dim3A_566 : vector<16xi1>, vector<16xi32>
      %add3A_568 = arith.addi %add3A_541, %select_n3A_567 : vector<16xi32>
      %select_n3A_569 = arith.select %gt3A_562, %get3A_559, %broadcast_in_dim3A_3 : vector<16xi1>, vector<16xi32>
      %add3A_570 = arith.addi %add3A_543, %select_n3A_569 : vector<16xi32>
      %scan3A_571 = arith.constant 14 : i32
      %scan3A_572 = arith.addi %scan3A_196, %scan3A_571 : i32
      %mul3A_573 = arith.constant 16 : i32
      %mul3A_574 = arith.muli %scan3A_572, %mul3A_573 : i32
      %get3A_575 = arith.constant 1 : i32
      %get3A_576 = arith.index_cast %get3A_575 : i32 to index
      %get3A_577 = arith.index_cast %mul3A_574 : i32 to index
      %get3A_578 = tpu.vector_load %arg5[%get3A_576, %get3A_577] {strides = array<i32>} : memref<2x4608xf32, #tpu.memory_space<vmem>>, vector<1x16xf32>,
      %get3A_579 = vector.shape_cast %get3A_578 : vector<1x16xf32> to vector<16xf32>
      %mul3A_580 = arith.constant 16 : i32
      %mul3A_581 = arith.muli %scan3A_572, %mul3A_580 : i32
      %get3A_582 = arith.constant 1 : i32
      %get3A_583 = arith.index_cast %get3A_582 : i32 to index
      %get3A_584 = arith.index_cast %mul3A_581 : i32 to index
      %get3A_585 = tpu.vector_load %arg6[%get3A_583, %get3A_584] {strides = array<i32>} : memref<2x4608xi32, #tpu.memory_space<vmem>>, vector<1x16xi32>,
      %get3A_586 = vector.shape_cast %get3A_585 : vector<1x16xi32> to vector<16xi32>
      %gt3A_587 = arith.constant 5.000000e-01 : f32
      %gt3A_588 = vector.broadcast %gt3A_587 : f32 to vector<16xf32>
      %gt3A_589 = arith.cmpf ogt, %get3A_579, %gt3A_588 : vector<16xf32>
      %jit3A_590 = arith.constant 1 : i32
      %jit3A_591 = arith.constant 0 : i32
      %broadcast_in_dim3A_592 = vector.broadcast %jit3A_590 : i32 to vector<16xi32>
      %broadcast_in_dim3A_593 = vector.broadcast %jit3A_591 : i32 to vector<16xi32>
      %select_n3A_594 = arith.select %gt3A_589, %broadcast_in_dim3A_592, %broadcast_in_dim3A_593 : vector<16xi1>, vector<16xi32>
      %add3A_595 = arith.addi %add3A_568, %select_n3A_594 : vector<16xi32>
      %select_n3A_596 = arith.select %gt3A_589, %get3A_586, %broadcast_in_dim3A_3 : vector<16xi1>, vector<16xi32>
      %add3A_597 = arith.addi %add3A_570, %select_n3A_596 : vector<16xi32>
      %scan3A_598 = arith.constant 15 : i32
      %scan3A_599 = arith.addi %scan3A_196, %scan3A_598 : i32
      %mul3A_600 = arith.constant 16 : i32
      %mul3A_601 = arith.muli %scan3A_599, %mul3A_600 : i32
      %get3A_602 = arith.constant 1 : i32
      %get3A_603 = arith.index_cast %get3A_602 : i32 to index
      %get3A_604 = arith.index_cast %mul3A_601 : i32 to index
      %get3A_605 = tpu.vector_load %arg5[%get3A_603, %get3A_604] {strides = array<i32>} : memref<2x4608xf32, #tpu.memory_space<vmem>>, vector<1x16xf32>,
      %get3A_606 = vector.shape_cast %get3A_605 : vector<1x16xf32> to vector<16xf32>
      %mul3A_607 = arith.constant 16 : i32
      %mul3A_608 = arith.muli %scan3A_599, %mul3A_607 : i32
      %get3A_609 = arith.constant 1 : i32
      %get3A_610 = arith.index_cast %get3A_609 : i32 to index
      %get3A_611 = arith.index_cast %mul3A_608 : i32 to index
      %get3A_612 = tpu.vector_load %arg6[%get3A_610, %get3A_611] {strides = array<i32>} : memref<2x4608xi32, #tpu.memory_space<vmem>>, vector<1x16xi32>,
      %get3A_613 = vector.shape_cast %get3A_612 : vector<1x16xi32> to vector<16xi32>
      %gt3A_614 = arith.constant 5.000000e-01 : f32
      %gt3A_615 = vector.broadcast %gt3A_614 : f32 to vector<16xf32>
      %gt3A_616 = arith.cmpf ogt, %get3A_606, %gt3A_615 : vector<16xf32>
      %jit3A_617 = arith.constant 1 : i32
      %jit3A_618 = arith.constant 0 : i32
      %broadcast_in_dim3A_619 = vector.broadcast %jit3A_617 : i32 to vector<16xi32>
      %broadcast_in_dim3A_620 = vector.broadcast %jit3A_618 : i32 to vector<16xi32>
      %select_n3A_621 = arith.select %gt3A_616, %broadcast_in_dim3A_619, %broadcast_in_dim3A_620 : vector<16xi1>, vector<16xi32>
      %add3A_622 = arith.addi %add3A_595, %select_n3A_621 : vector<16xi32>
      %select_n3A_623 = arith.select %gt3A_616, %get3A_613, %broadcast_in_dim3A_3 : vector<16xi1>, vector<16xi32>
      %add3A_624 = arith.addi %add3A_597, %select_n3A_623 : vector<16xi32>
      scf.yield %add3A_622, %add3A_624 : vector<16xi32>, vector<16xi32>
    }
    %scan3A_114 = arith.constant 288 : i32
    %add3A_115 = arith.constant 13824 : i32
    %add3A_116 = arith.addi %mul3A_2, %add3A_115 : i32
    %dma_start3A_117 = arith.constant 1 : i32
    %dma_start3A_118 = arith.constant 0 : i32
    %dma_start3A_119 = tpu.memref_slice %arg5[%dma_start3A_117, %dma_start3A_118] : memref<2x4608xf32, #tpu.memory_space<vmem>> -> memref<1x4608xf32, #tpu.memory_space<vmem>>
    %dma_start3A_120 = tpu.memref_squeeze %dma_start3A_119 : memref<1x4608xf32, #tpu.memory_space<vmem>> -> memref<4608xf32, #tpu.memory_space<vmem>>
    %dma_start3A_121 = tpu.memref_slice %arg2[%add3A_116] : memref<589824xf32, #tpu.memory_space<hbm>> -> memref<4608xf32, #tpu.memory_space<hbm>>
    %dma_start3A_122 = arith.constant 0 : i32
    %dma_start3A_123 = tpu.memref_slice %arg5[%dma_start3A_117, %dma_start3A_122] : memref<2x4608xf32, #tpu.memory_space<vmem>> -> memref<1x4608xf32, #tpu.memory_space<vmem>>
    %dma_start3A_124 = tpu.memref_squeeze %dma_start3A_123 : memref<1x4608xf32, #tpu.memory_space<vmem>> -> memref<4608xf32, #tpu.memory_space<vmem>>
    %dma_start3A_125 = tpu.memref_slice %arg2[%add3A_116] : memref<589824xf32, #tpu.memory_space<hbm>> -> memref<4608xf32, #tpu.memory_space<hbm>>
    tpu.enqueue_dma source(%dma_start3A_125 : memref<4608xf32, #tpu.memory_space<hbm>>) target(%dma_start3A_124 : memref<4608xf32, #tpu.memory_space<vmem>>) target_semaphore(%arg9 : memref<!tpu.dma_semaphore, #tpu.memory_space<semaphore_mem>>)
    %add3A_126 = arith.constant 13824 : i32
    %add3A_127 = arith.addi %mul3A_2, %add3A_126 : i32
    %dma_start3A_128 = arith.constant 1 : i32
    %dma_start3A_129 = arith.constant 0 : i32
    %dma_start3A_130 = tpu.memref_slice %arg6[%dma_start3A_128, %dma_start3A_129] : memref<2x4608xi32, #tpu.memory_space<vmem>> -> memref<1x4608xi32, #tpu.memory_space<vmem>>
    %dma_start3A_131 = tpu.memref_squeeze %dma_start3A_130 : memref<1x4608xi32, #tpu.memory_space<vmem>> -> memref<4608xi32, #tpu.memory_space<vmem>>
    %dma_start3A_132 = tpu.memref_slice %arg3[%add3A_127] : memref<589824xi32, #tpu.memory_space<hbm>> -> memref<4608xi32, #tpu.memory_space<hbm>>
    %dma_start3A_133 = arith.constant 0 : i32
    %dma_start3A_134 = tpu.memref_slice %arg6[%dma_start3A_128, %dma_start3A_133] : memref<2x4608xi32, #tpu.memory_space<vmem>> -> memref<1x4608xi32, #tpu.memory_space<vmem>>
    %dma_start3A_135 = tpu.memref_squeeze %dma_start3A_134 : memref<1x4608xi32, #tpu.memory_space<vmem>> -> memref<4608xi32, #tpu.memory_space<vmem>>
    %dma_start3A_136 = tpu.memref_slice %arg3[%add3A_127] : memref<589824xi32, #tpu.memory_space<hbm>> -> memref<4608xi32, #tpu.memory_space<hbm>>
    tpu.enqueue_dma source(%dma_start3A_136 : memref<4608xi32, #tpu.memory_space<hbm>>) target(%dma_start3A_135 : memref<4608xi32, #tpu.memory_space<vmem>>) target_semaphore(%arg11 : memref<!tpu.dma_semaphore, #tpu.memory_space<semaphore_mem>>)
    %dma_wait3A_137 = arith.constant 0 : i32
    %dma_wait3A_138 = arith.constant 0 : i32
    %dma_wait3A_139 = tpu.memref_slice %arg5[%dma_wait3A_137, %dma_wait3A_138] : memref<2x4608xf32, #tpu.memory_space<vmem>> -> memref<1x4608xf32, #tpu.memory_space<vmem>>
    %dma_wait3A_140 = tpu.memref_squeeze %dma_wait3A_139 : memref<1x4608xf32, #tpu.memory_space<vmem>> -> memref<4608xf32, #tpu.memory_space<vmem>>
    %dma_wait3A_141 = tpu.memref_slice %arg2[%add3A_70] : memref<589824xf32, #tpu.memory_space<hbm>> -> memref<4608xf32, #tpu.memory_space<hbm>>
    %dma_wait3A_142 = arith.constant 0 : i32
    %dma_wait3A_143 = tpu.memref_slice %arg5[%dma_wait3A_137, %dma_wait3A_142] : memref<2x4608xf32, #tpu.memory_space<vmem>> -> memref<1x4608xf32, #tpu.memory_space<vmem>>
    %dma_wait3A_144 = tpu.memref_squeeze %dma_wait3A_143 : memref<1x4608xf32, #tpu.memory_space<vmem>> -> memref<4608xf32, #tpu.memory_space<vmem>>
    %dma_wait3A_145 = tpu.memref_slice %arg2[%add3A_70] : memref<589824xf32, #tpu.memory_space<hbm>> -> memref<4608xf32, #tpu.memory_space<hbm>>
    tpu.wait_dma2 semaphore(%arg8 : memref<!tpu.dma_semaphore, #tpu.memory_space<semaphore_mem>>) src(%dma_wait3A_145 : memref<4608xf32, #tpu.memory_space<hbm>>) dst(%dma_wait3A_144 : memref<4608xf32, #tpu.memory_space<vmem>>)
    %dma_wait3A_146 = arith.constant 0 : i32
    %dma_wait3A_147 = arith.constant 0 : i32
    %dma_wait3A_148 = tpu.memref_slice %arg6[%dma_wait3A_146, %dma_wait3A_147] : memref<2x4608xi32, #tpu.memory_space<vmem>> -> memref<1x4608xi32, #tpu.memory_space<vmem>>
    %dma_wait3A_149 = tpu.memref_squeeze %dma_wait3A_148 : memref<1x4608xi32, #tpu.memory_space<vmem>> -> memref<4608xi32, #tpu.memory_space<vmem>>
    %dma_wait3A_150 = tpu.memref_slice %arg3[%add3A_81] : memref<589824xi32, #tpu.memory_space<hbm>> -> memref<4608xi32, #tpu.memory_space<hbm>>
    %dma_wait3A_151 = arith.constant 0 : i32
    %dma_wait3A_152 = tpu.memref_slice %arg6[%dma_wait3A_146, %dma_wait3A_151] : memref<2x4608xi32, #tpu.memory_space<vmem>> -> memref<1x4608xi32, #tpu.memory_space<vmem>>
    %dma_wait3A_153 = tpu.memref_squeeze %dma_wait3A_152 : memref<1x4608xi32, #tpu.memory_space<vmem>> -> memref<4608xi32, #tpu.memory_space<vmem>>
    %dma_wait3A_154 = tpu.memref_slice %arg3[%add3A_81] : memref<589824xi32, #tpu.memory_space<hbm>> -> memref<4608xi32, #tpu.memory_space<hbm>>
    tpu.wait_dma2 semaphore(%arg10 : memref<!tpu.dma_semaphore, #tpu.memory_space<semaphore_mem>>) src(%dma_wait3A_154 : memref<4608xi32, #tpu.memory_space<hbm>>) dst(%dma_wait3A_153 : memref<4608xi32, #tpu.memory_space<vmem>>)
    %scan3A_155 = arith.constant 0 : i32
    %scan3A_156 = arith.constant 288 : i32
    %scan3A_157 = arith.addi %scan3A_155, %scan3A_156 : i32
    %scan3A_158 = arith.constant 16 : i32
    %scan3A_159:2 = scf.for %scan3A_196 = %scan3A_155 to %scan3A_157 step %scan3A_158 iter_args(%scan3A_197 = %scan3A_113#0, %scan3A_198 = %scan3A_113#1) -> (vector<16xi32>, vector<16xi32>)  : i32 {
      %mul3A_199 = arith.constant 16 : i32
      %mul3A_200 = arith.muli %scan3A_196, %mul3A_199 : i32
      %get3A = arith.constant 0 : i32
      %get3A_201 = arith.index_cast %get3A : i32 to index
      %get3A_202 = arith.index_cast %mul3A_200 : i32 to index
      %get3A_203 = tpu.vector_load %arg5[%get3A_201, %get3A_202] {strides = array<i32>} : memref<2x4608xf32, #tpu.memory_space<vmem>>, vector<1x16xf32>,
      %get3A_204 = vector.shape_cast %get3A_203 : vector<1x16xf32> to vector<16xf32>
      %mul3A_205 = arith.constant 16 : i32
      %mul3A_206 = arith.muli %scan3A_196, %mul3A_205 : i32
      %get3A_207 = arith.constant 0 : i32
      %get3A_208 = arith.index_cast %get3A_207 : i32 to index
      %get3A_209 = arith.index_cast %mul3A_206 : i32 to index
      %get3A_210 = tpu.vector_load %arg6[%get3A_208, %get3A_209] {strides = array<i32>} : memref<2x4608xi32, #tpu.memory_space<vmem>>, vector<1x16xi32>,
      %get3A_211 = vector.shape_cast %get3A_210 : vector<1x16xi32> to vector<16xi32>
      %gt3A = arith.constant 5.000000e-01 : f32
      %gt3A_212 = vector.broadcast %gt3A : f32 to vector<16xf32>
      %gt3A_213 = arith.cmpf ogt, %get3A_204, %gt3A_212 : vector<16xf32>
      %jit3A = arith.constant 1 : i32
      %jit3A_214 = arith.constant 0 : i32
      %broadcast_in_dim3A_215 = vector.broadcast %jit3A : i32 to vector<16xi32>
      %broadcast_in_dim3A_216 = vector.broadcast %jit3A_214 : i32 to vector<16xi32>
      %select_n3A = arith.select %gt3A_213, %broadcast_in_dim3A_215, %broadcast_in_dim3A_216 : vector<16xi1>, vector<16xi32>
      %add3A_217 = arith.addi %scan3A_197, %select_n3A : vector<16xi32>
      %select_n3A_218 = arith.select %gt3A_213, %get3A_211, %broadcast_in_dim3A_3 : vector<16xi1>, vector<16xi32>
      %add3A_219 = arith.addi %scan3A_198, %select_n3A_218 : vector<16xi32>
      %scan3A_220 = arith.constant 1 : i32
      %scan3A_221 = arith.addi %scan3A_196, %scan3A_220 : i32
      %mul3A_222 = arith.constant 16 : i32
      %mul3A_223 = arith.muli %scan3A_221, %mul3A_222 : i32
      %get3A_224 = arith.constant 0 : i32
      %get3A_225 = arith.index_cast %get3A_224 : i32 to index
      %get3A_226 = arith.index_cast %mul3A_223 : i32 to index
      %get3A_227 = tpu.vector_load %arg5[%get3A_225, %get3A_226] {strides = array<i32>} : memref<2x4608xf32, #tpu.memory_space<vmem>>, vector<1x16xf32>,
      %get3A_228 = vector.shape_cast %get3A_227 : vector<1x16xf32> to vector<16xf32>
      %mul3A_229 = arith.constant 16 : i32
      %mul3A_230 = arith.muli %scan3A_221, %mul3A_229 : i32
      %get3A_231 = arith.constant 0 : i32
      %get3A_232 = arith.index_cast %get3A_231 : i32 to index
      %get3A_233 = arith.index_cast %mul3A_230 : i32 to index
      %get3A_234 = tpu.vector_load %arg6[%get3A_232, %get3A_233] {strides = array<i32>} : memref<2x4608xi32, #tpu.memory_space<vmem>>, vector<1x16xi32>,
      %get3A_235 = vector.shape_cast %get3A_234 : vector<1x16xi32> to vector<16xi32>
      %gt3A_236 = arith.constant 5.000000e-01 : f32
      %gt3A_237 = vector.broadcast %gt3A_236 : f32 to vector<16xf32>
      %gt3A_238 = arith.cmpf ogt, %get3A_228, %gt3A_237 : vector<16xf32>
      %jit3A_239 = arith.constant 1 : i32
      %jit3A_240 = arith.constant 0 : i32
      %broadcast_in_dim3A_241 = vector.broadcast %jit3A_239 : i32 to vector<16xi32>
      %broadcast_in_dim3A_242 = vector.broadcast %jit3A_240 : i32 to vector<16xi32>
      %select_n3A_243 = arith.select %gt3A_238, %broadcast_in_dim3A_241, %broadcast_in_dim3A_242 : vector<16xi1>, vector<16xi32>
      %add3A_244 = arith.addi %add3A_217, %select_n3A_243 : vector<16xi32>
      %select_n3A_245 = arith.select %gt3A_238, %get3A_235, %broadcast_in_dim3A_3 : vector<16xi1>, vector<16xi32>
      %add3A_246 = arith.addi %add3A_219, %select_n3A_245 : vector<16xi32>
      %scan3A_247 = arith.constant 2 : i32
      %scan3A_248 = arith.addi %scan3A_196, %scan3A_247 : i32
      %mul3A_249 = arith.constant 16 : i32
      %mul3A_250 = arith.muli %scan3A_248, %mul3A_249 : i32
      %get3A_251 = arith.constant 0 : i32
      %get3A_252 = arith.index_cast %get3A_251 : i32 to index
      %get3A_253 = arith.index_cast %mul3A_250 : i32 to index
      %get3A_254 = tpu.vector_load %arg5[%get3A_252, %get3A_253] {strides = array<i32>} : memref<2x4608xf32, #tpu.memory_space<vmem>>, vector<1x16xf32>,
      %get3A_255 = vector.shape_cast %get3A_254 : vector<1x16xf32> to vector<16xf32>
      %mul3A_256 = arith.constant 16 : i32
      %mul3A_257 = arith.muli %scan3A_248, %mul3A_256 : i32
      %get3A_258 = arith.constant 0 : i32
      %get3A_259 = arith.index_cast %get3A_258 : i32 to index
      %get3A_260 = arith.index_cast %mul3A_257 : i32 to index
      %get3A_261 = tpu.vector_load %arg6[%get3A_259, %get3A_260] {strides = array<i32>} : memref<2x4608xi32, #tpu.memory_space<vmem>>, vector<1x16xi32>,
      %get3A_262 = vector.shape_cast %get3A_261 : vector<1x16xi32> to vector<16xi32>
      %gt3A_263 = arith.constant 5.000000e-01 : f32
      %gt3A_264 = vector.broadcast %gt3A_263 : f32 to vector<16xf32>
      %gt3A_265 = arith.cmpf ogt, %get3A_255, %gt3A_264 : vector<16xf32>
      %jit3A_266 = arith.constant 1 : i32
      %jit3A_267 = arith.constant 0 : i32
      %broadcast_in_dim3A_268 = vector.broadcast %jit3A_266 : i32 to vector<16xi32>
      %broadcast_in_dim3A_269 = vector.broadcast %jit3A_267 : i32 to vector<16xi32>
      %select_n3A_270 = arith.select %gt3A_265, %broadcast_in_dim3A_268, %broadcast_in_dim3A_269 : vector<16xi1>, vector<16xi32>
      %add3A_271 = arith.addi %add3A_244, %select_n3A_270 : vector<16xi32>
      %select_n3A_272 = arith.select %gt3A_265, %get3A_262, %broadcast_in_dim3A_3 : vector<16xi1>, vector<16xi32>
      %add3A_273 = arith.addi %add3A_246, %select_n3A_272 : vector<16xi32>
      %scan3A_274 = arith.constant 3 : i32
      %scan3A_275 = arith.addi %scan3A_196, %scan3A_274 : i32
      %mul3A_276 = arith.constant 16 : i32
      %mul3A_277 = arith.muli %scan3A_275, %mul3A_276 : i32
      %get3A_278 = arith.constant 0 : i32
      %get3A_279 = arith.index_cast %get3A_278 : i32 to index
      %get3A_280 = arith.index_cast %mul3A_277 : i32 to index
      %get3A_281 = tpu.vector_load %arg5[%get3A_279, %get3A_280] {strides = array<i32>} : memref<2x4608xf32, #tpu.memory_space<vmem>>, vector<1x16xf32>,
      %get3A_282 = vector.shape_cast %get3A_281 : vector<1x16xf32> to vector<16xf32>
      %mul3A_283 = arith.constant 16 : i32
      %mul3A_284 = arith.muli %scan3A_275, %mul3A_283 : i32
      %get3A_285 = arith.constant 0 : i32
      %get3A_286 = arith.index_cast %get3A_285 : i32 to index
      %get3A_287 = arith.index_cast %mul3A_284 : i32 to index
      %get3A_288 = tpu.vector_load %arg6[%get3A_286, %get3A_287] {strides = array<i32>} : memref<2x4608xi32, #tpu.memory_space<vmem>>, vector<1x16xi32>,
      %get3A_289 = vector.shape_cast %get3A_288 : vector<1x16xi32> to vector<16xi32>
      %gt3A_290 = arith.constant 5.000000e-01 : f32
      %gt3A_291 = vector.broadcast %gt3A_290 : f32 to vector<16xf32>
      %gt3A_292 = arith.cmpf ogt, %get3A_282, %gt3A_291 : vector<16xf32>
      %jit3A_293 = arith.constant 1 : i32
      %jit3A_294 = arith.constant 0 : i32
      %broadcast_in_dim3A_295 = vector.broadcast %jit3A_293 : i32 to vector<16xi32>
      %broadcast_in_dim3A_296 = vector.broadcast %jit3A_294 : i32 to vector<16xi32>
      %select_n3A_297 = arith.select %gt3A_292, %broadcast_in_dim3A_295, %broadcast_in_dim3A_296 : vector<16xi1>, vector<16xi32>
      %add3A_298 = arith.addi %add3A_271, %select_n3A_297 : vector<16xi32>
      %select_n3A_299 = arith.select %gt3A_292, %get3A_289, %broadcast_in_dim3A_3 : vector<16xi1>, vector<16xi32>
      %add3A_300 = arith.addi %add3A_273, %select_n3A_299 : vector<16xi32>
      %scan3A_301 = arith.constant 4 : i32
      %scan3A_302 = arith.addi %scan3A_196, %scan3A_301 : i32
      %mul3A_303 = arith.constant 16 : i32
      %mul3A_304 = arith.muli %scan3A_302, %mul3A_303 : i32
      %get3A_305 = arith.constant 0 : i32
      %get3A_306 = arith.index_cast %get3A_305 : i32 to index
      %get3A_307 = arith.index_cast %mul3A_304 : i32 to index
      %get3A_308 = tpu.vector_load %arg5[%get3A_306, %get3A_307] {strides = array<i32>} : memref<2x4608xf32, #tpu.memory_space<vmem>>, vector<1x16xf32>,
      %get3A_309 = vector.shape_cast %get3A_308 : vector<1x16xf32> to vector<16xf32>
      %mul3A_310 = arith.constant 16 : i32
      %mul3A_311 = arith.muli %scan3A_302, %mul3A_310 : i32
      %get3A_312 = arith.constant 0 : i32
      %get3A_313 = arith.index_cast %get3A_312 : i32 to index
      %get3A_314 = arith.index_cast %mul3A_311 : i32 to index
      %get3A_315 = tpu.vector_load %arg6[%get3A_313, %get3A_314] {strides = array<i32>} : memref<2x4608xi32, #tpu.memory_space<vmem>>, vector<1x16xi32>,
      %get3A_316 = vector.shape_cast %get3A_315 : vector<1x16xi32> to vector<16xi32>
      %gt3A_317 = arith.constant 5.000000e-01 : f32
      %gt3A_318 = vector.broadcast %gt3A_317 : f32 to vector<16xf32>
      %gt3A_319 = arith.cmpf ogt, %get3A_309, %gt3A_318 : vector<16xf32>
      %jit3A_320 = arith.constant 1 : i32
      %jit3A_321 = arith.constant 0 : i32
      %broadcast_in_dim3A_322 = vector.broadcast %jit3A_320 : i32 to vector<16xi32>
      %broadcast_in_dim3A_323 = vector.broadcast %jit3A_321 : i32 to vector<16xi32>
      %select_n3A_324 = arith.select %gt3A_319, %broadcast_in_dim3A_322, %broadcast_in_dim3A_323 : vector<16xi1>, vector<16xi32>
      %add3A_325 = arith.addi %add3A_298, %select_n3A_324 : vector<16xi32>
      %select_n3A_326 = arith.select %gt3A_319, %get3A_316, %broadcast_in_dim3A_3 : vector<16xi1>, vector<16xi32>
      %add3A_327 = arith.addi %add3A_300, %select_n3A_326 : vector<16xi32>
      %scan3A_328 = arith.constant 5 : i32
      %scan3A_329 = arith.addi %scan3A_196, %scan3A_328 : i32
      %mul3A_330 = arith.constant 16 : i32
      %mul3A_331 = arith.muli %scan3A_329, %mul3A_330 : i32
      %get3A_332 = arith.constant 0 : i32
      %get3A_333 = arith.index_cast %get3A_332 : i32 to index
      %get3A_334 = arith.index_cast %mul3A_331 : i32 to index
      %get3A_335 = tpu.vector_load %arg5[%get3A_333, %get3A_334] {strides = array<i32>} : memref<2x4608xf32, #tpu.memory_space<vmem>>, vector<1x16xf32>,
      %get3A_336 = vector.shape_cast %get3A_335 : vector<1x16xf32> to vector<16xf32>
      %mul3A_337 = arith.constant 16 : i32
      %mul3A_338 = arith.muli %scan3A_329, %mul3A_337 : i32
      %get3A_339 = arith.constant 0 : i32
      %get3A_340 = arith.index_cast %get3A_339 : i32 to index
      %get3A_341 = arith.index_cast %mul3A_338 : i32 to index
      %get3A_342 = tpu.vector_load %arg6[%get3A_340, %get3A_341] {strides = array<i32>} : memref<2x4608xi32, #tpu.memory_space<vmem>>, vector<1x16xi32>,
      %get3A_343 = vector.shape_cast %get3A_342 : vector<1x16xi32> to vector<16xi32>
      %gt3A_344 = arith.constant 5.000000e-01 : f32
      %gt3A_345 = vector.broadcast %gt3A_344 : f32 to vector<16xf32>
      %gt3A_346 = arith.cmpf ogt, %get3A_336, %gt3A_345 : vector<16xf32>
      %jit3A_347 = arith.constant 1 : i32
      %jit3A_348 = arith.constant 0 : i32
      %broadcast_in_dim3A_349 = vector.broadcast %jit3A_347 : i32 to vector<16xi32>
      %broadcast_in_dim3A_350 = vector.broadcast %jit3A_348 : i32 to vector<16xi32>
      %select_n3A_351 = arith.select %gt3A_346, %broadcast_in_dim3A_349, %broadcast_in_dim3A_350 : vector<16xi1>, vector<16xi32>
      %add3A_352 = arith.addi %add3A_325, %select_n3A_351 : vector<16xi32>
      %select_n3A_353 = arith.select %gt3A_346, %get3A_343, %broadcast_in_dim3A_3 : vector<16xi1>, vector<16xi32>
      %add3A_354 = arith.addi %add3A_327, %select_n3A_353 : vector<16xi32>
      %scan3A_355 = arith.constant 6 : i32
      %scan3A_356 = arith.addi %scan3A_196, %scan3A_355 : i32
      %mul3A_357 = arith.constant 16 : i32
      %mul3A_358 = arith.muli %scan3A_356, %mul3A_357 : i32
      %get3A_359 = arith.constant 0 : i32
      %get3A_360 = arith.index_cast %get3A_359 : i32 to index
      %get3A_361 = arith.index_cast %mul3A_358 : i32 to index
      %get3A_362 = tpu.vector_load %arg5[%get3A_360, %get3A_361] {strides = array<i32>} : memref<2x4608xf32, #tpu.memory_space<vmem>>, vector<1x16xf32>,
      %get3A_363 = vector.shape_cast %get3A_362 : vector<1x16xf32> to vector<16xf32>
      %mul3A_364 = arith.constant 16 : i32
      %mul3A_365 = arith.muli %scan3A_356, %mul3A_364 : i32
      %get3A_366 = arith.constant 0 : i32
      %get3A_367 = arith.index_cast %get3A_366 : i32 to index
      %get3A_368 = arith.index_cast %mul3A_365 : i32 to index
      %get3A_369 = tpu.vector_load %arg6[%get3A_367, %get3A_368] {strides = array<i32>} : memref<2x4608xi32, #tpu.memory_space<vmem>>, vector<1x16xi32>,
      %get3A_370 = vector.shape_cast %get3A_369 : vector<1x16xi32> to vector<16xi32>
      %gt3A_371 = arith.constant 5.000000e-01 : f32
      %gt3A_372 = vector.broadcast %gt3A_371 : f32 to vector<16xf32>
      %gt3A_373 = arith.cmpf ogt, %get3A_363, %gt3A_372 : vector<16xf32>
      %jit3A_374 = arith.constant 1 : i32
      %jit3A_375 = arith.constant 0 : i32
      %broadcast_in_dim3A_376 = vector.broadcast %jit3A_374 : i32 to vector<16xi32>
      %broadcast_in_dim3A_377 = vector.broadcast %jit3A_375 : i32 to vector<16xi32>
      %select_n3A_378 = arith.select %gt3A_373, %broadcast_in_dim3A_376, %broadcast_in_dim3A_377 : vector<16xi1>, vector<16xi32>
      %add3A_379 = arith.addi %add3A_352, %select_n3A_378 : vector<16xi32>
      %select_n3A_380 = arith.select %gt3A_373, %get3A_370, %broadcast_in_dim3A_3 : vector<16xi1>, vector<16xi32>
      %add3A_381 = arith.addi %add3A_354, %select_n3A_380 : vector<16xi32>
      %scan3A_382 = arith.constant 7 : i32
      %scan3A_383 = arith.addi %scan3A_196, %scan3A_382 : i32
      %mul3A_384 = arith.constant 16 : i32
      %mul3A_385 = arith.muli %scan3A_383, %mul3A_384 : i32
      %get3A_386 = arith.constant 0 : i32
      %get3A_387 = arith.index_cast %get3A_386 : i32 to index
      %get3A_388 = arith.index_cast %mul3A_385 : i32 to index
      %get3A_389 = tpu.vector_load %arg5[%get3A_387, %get3A_388] {strides = array<i32>} : memref<2x4608xf32, #tpu.memory_space<vmem>>, vector<1x16xf32>,
      %get3A_390 = vector.shape_cast %get3A_389 : vector<1x16xf32> to vector<16xf32>
      %mul3A_391 = arith.constant 16 : i32
      %mul3A_392 = arith.muli %scan3A_383, %mul3A_391 : i32
      %get3A_393 = arith.constant 0 : i32
      %get3A_394 = arith.index_cast %get3A_393 : i32 to index
      %get3A_395 = arith.index_cast %mul3A_392 : i32 to index
      %get3A_396 = tpu.vector_load %arg6[%get3A_394, %get3A_395] {strides = array<i32>} : memref<2x4608xi32, #tpu.memory_space<vmem>>, vector<1x16xi32>,
      %get3A_397 = vector.shape_cast %get3A_396 : vector<1x16xi32> to vector<16xi32>
      %gt3A_398 = arith.constant 5.000000e-01 : f32
      %gt3A_399 = vector.broadcast %gt3A_398 : f32 to vector<16xf32>
      %gt3A_400 = arith.cmpf ogt, %get3A_390, %gt3A_399 : vector<16xf32>
      %jit3A_401 = arith.constant 1 : i32
      %jit3A_402 = arith.constant 0 : i32
      %broadcast_in_dim3A_403 = vector.broadcast %jit3A_401 : i32 to vector<16xi32>
      %broadcast_in_dim3A_404 = vector.broadcast %jit3A_402 : i32 to vector<16xi32>
      %select_n3A_405 = arith.select %gt3A_400, %broadcast_in_dim3A_403, %broadcast_in_dim3A_404 : vector<16xi1>, vector<16xi32>
      %add3A_406 = arith.addi %add3A_379, %select_n3A_405 : vector<16xi32>
      %select_n3A_407 = arith.select %gt3A_400, %get3A_397, %broadcast_in_dim3A_3 : vector<16xi1>, vector<16xi32>
      %add3A_408 = arith.addi %add3A_381, %select_n3A_407 : vector<16xi32>
      %scan3A_409 = arith.constant 8 : i32
      %scan3A_410 = arith.addi %scan3A_196, %scan3A_409 : i32
      %mul3A_411 = arith.constant 16 : i32
      %mul3A_412 = arith.muli %scan3A_410, %mul3A_411 : i32
      %get3A_413 = arith.constant 0 : i32
      %get3A_414 = arith.index_cast %get3A_413 : i32 to index
      %get3A_415 = arith.index_cast %mul3A_412 : i32 to index
      %get3A_416 = tpu.vector_load %arg5[%get3A_414, %get3A_415] {strides = array<i32>} : memref<2x4608xf32, #tpu.memory_space<vmem>>, vector<1x16xf32>,
      %get3A_417 = vector.shape_cast %get3A_416 : vector<1x16xf32> to vector<16xf32>
      %mul3A_418 = arith.constant 16 : i32
      %mul3A_419 = arith.muli %scan3A_410, %mul3A_418 : i32
      %get3A_420 = arith.constant 0 : i32
      %get3A_421 = arith.index_cast %get3A_420 : i32 to index
      %get3A_422 = arith.index_cast %mul3A_419 : i32 to index
      %get3A_423 = tpu.vector_load %arg6[%get3A_421, %get3A_422] {strides = array<i32>} : memref<2x4608xi32, #tpu.memory_space<vmem>>, vector<1x16xi32>,
      %get3A_424 = vector.shape_cast %get3A_423 : vector<1x16xi32> to vector<16xi32>
      %gt3A_425 = arith.constant 5.000000e-01 : f32
      %gt3A_426 = vector.broadcast %gt3A_425 : f32 to vector<16xf32>
      %gt3A_427 = arith.cmpf ogt, %get3A_417, %gt3A_426 : vector<16xf32>
      %jit3A_428 = arith.constant 1 : i32
      %jit3A_429 = arith.constant 0 : i32
      %broadcast_in_dim3A_430 = vector.broadcast %jit3A_428 : i32 to vector<16xi32>
      %broadcast_in_dim3A_431 = vector.broadcast %jit3A_429 : i32 to vector<16xi32>
      %select_n3A_432 = arith.select %gt3A_427, %broadcast_in_dim3A_430, %broadcast_in_dim3A_431 : vector<16xi1>, vector<16xi32>
      %add3A_433 = arith.addi %add3A_406, %select_n3A_432 : vector<16xi32>
      %select_n3A_434 = arith.select %gt3A_427, %get3A_424, %broadcast_in_dim3A_3 : vector<16xi1>, vector<16xi32>
      %add3A_435 = arith.addi %add3A_408, %select_n3A_434 : vector<16xi32>
      %scan3A_436 = arith.constant 9 : i32
      %scan3A_437 = arith.addi %scan3A_196, %scan3A_436 : i32
      %mul3A_438 = arith.constant 16 : i32
      %mul3A_439 = arith.muli %scan3A_437, %mul3A_438 : i32
      %get3A_440 = arith.constant 0 : i32
      %get3A_441 = arith.index_cast %get3A_440 : i32 to index
      %get3A_442 = arith.index_cast %mul3A_439 : i32 to index
      %get3A_443 = tpu.vector_load %arg5[%get3A_441, %get3A_442] {strides = array<i32>} : memref<2x4608xf32, #tpu.memory_space<vmem>>, vector<1x16xf32>,
      %get3A_444 = vector.shape_cast %get3A_443 : vector<1x16xf32> to vector<16xf32>
      %mul3A_445 = arith.constant 16 : i32
      %mul3A_446 = arith.muli %scan3A_437, %mul3A_445 : i32
      %get3A_447 = arith.constant 0 : i32
      %get3A_448 = arith.index_cast %get3A_447 : i32 to index
      %get3A_449 = arith.index_cast %mul3A_446 : i32 to index
      %get3A_450 = tpu.vector_load %arg6[%get3A_448, %get3A_449] {strides = array<i32>} : memref<2x4608xi32, #tpu.memory_space<vmem>>, vector<1x16xi32>,
      %get3A_451 = vector.shape_cast %get3A_450 : vector<1x16xi32> to vector<16xi32>
      %gt3A_452 = arith.constant 5.000000e-01 : f32
      %gt3A_453 = vector.broadcast %gt3A_452 : f32 to vector<16xf32>
      %gt3A_454 = arith.cmpf ogt, %get3A_444, %gt3A_453 : vector<16xf32>
      %jit3A_455 = arith.constant 1 : i32
      %jit3A_456 = arith.constant 0 : i32
      %broadcast_in_dim3A_457 = vector.broadcast %jit3A_455 : i32 to vector<16xi32>
      %broadcast_in_dim3A_458 = vector.broadcast %jit3A_456 : i32 to vector<16xi32>
      %select_n3A_459 = arith.select %gt3A_454, %broadcast_in_dim3A_457, %broadcast_in_dim3A_458 : vector<16xi1>, vector<16xi32>
      %add3A_460 = arith.addi %add3A_433, %select_n3A_459 : vector<16xi32>
      %select_n3A_461 = arith.select %gt3A_454, %get3A_451, %broadcast_in_dim3A_3 : vector<16xi1>, vector<16xi32>
      %add3A_462 = arith.addi %add3A_435, %select_n3A_461 : vector<16xi32>
      %scan3A_463 = arith.constant 10 : i32
      %scan3A_464 = arith.addi %scan3A_196, %scan3A_463 : i32
      %mul3A_465 = arith.constant 16 : i32
      %mul3A_466 = arith.muli %scan3A_464, %mul3A_465 : i32
      %get3A_467 = arith.constant 0 : i32
      %get3A_468 = arith.index_cast %get3A_467 : i32 to index
      %get3A_469 = arith.index_cast %mul3A_466 : i32 to index
      %get3A_470 = tpu.vector_load %arg5[%get3A_468, %get3A_469] {strides = array<i32>} : memref<2x4608xf32, #tpu.memory_space<vmem>>, vector<1x16xf32>,
      %get3A_471 = vector.shape_cast %get3A_470 : vector<1x16xf32> to vector<16xf32>
      %mul3A_472 = arith.constant 16 : i32
      %mul3A_473 = arith.muli %scan3A_464, %mul3A_472 : i32
      %get3A_474 = arith.constant 0 : i32
      %get3A_475 = arith.index_cast %get3A_474 : i32 to index
      %get3A_476 = arith.index_cast %mul3A_473 : i32 to index
      %get3A_477 = tpu.vector_load %arg6[%get3A_475, %get3A_476] {strides = array<i32>} : memref<2x4608xi32, #tpu.memory_space<vmem>>, vector<1x16xi32>,
      %get3A_478 = vector.shape_cast %get3A_477 : vector<1x16xi32> to vector<16xi32>
      %gt3A_479 = arith.constant 5.000000e-01 : f32
      %gt3A_480 = vector.broadcast %gt3A_479 : f32 to vector<16xf32>
      %gt3A_481 = arith.cmpf ogt, %get3A_471, %gt3A_480 : vector<16xf32>
      %jit3A_482 = arith.constant 1 : i32
      %jit3A_483 = arith.constant 0 : i32
      %broadcast_in_dim3A_484 = vector.broadcast %jit3A_482 : i32 to vector<16xi32>
      %broadcast_in_dim3A_485 = vector.broadcast %jit3A_483 : i32 to vector<16xi32>
      %select_n3A_486 = arith.select %gt3A_481, %broadcast_in_dim3A_484, %broadcast_in_dim3A_485 : vector<16xi1>, vector<16xi32>
      %add3A_487 = arith.addi %add3A_460, %select_n3A_486 : vector<16xi32>
      %select_n3A_488 = arith.select %gt3A_481, %get3A_478, %broadcast_in_dim3A_3 : vector<16xi1>, vector<16xi32>
      %add3A_489 = arith.addi %add3A_462, %select_n3A_488 : vector<16xi32>
      %scan3A_490 = arith.constant 11 : i32
      %scan3A_491 = arith.addi %scan3A_196, %scan3A_490 : i32
      %mul3A_492 = arith.constant 16 : i32
      %mul3A_493 = arith.muli %scan3A_491, %mul3A_492 : i32
      %get3A_494 = arith.constant 0 : i32
      %get3A_495 = arith.index_cast %get3A_494 : i32 to index
      %get3A_496 = arith.index_cast %mul3A_493 : i32 to index
      %get3A_497 = tpu.vector_load %arg5[%get3A_495, %get3A_496] {strides = array<i32>} : memref<2x4608xf32, #tpu.memory_space<vmem>>, vector<1x16xf32>,
      %get3A_498 = vector.shape_cast %get3A_497 : vector<1x16xf32> to vector<16xf32>
      %mul3A_499 = arith.constant 16 : i32
      %mul3A_500 = arith.muli %scan3A_491, %mul3A_499 : i32
      %get3A_501 = arith.constant 0 : i32
      %get3A_502 = arith.index_cast %get3A_501 : i32 to index
      %get3A_503 = arith.index_cast %mul3A_500 : i32 to index
      %get3A_504 = tpu.vector_load %arg6[%get3A_502, %get3A_503] {strides = array<i32>} : memref<2x4608xi32, #tpu.memory_space<vmem>>, vector<1x16xi32>,
      %get3A_505 = vector.shape_cast %get3A_504 : vector<1x16xi32> to vector<16xi32>
      %gt3A_506 = arith.constant 5.000000e-01 : f32
      %gt3A_507 = vector.broadcast %gt3A_506 : f32 to vector<16xf32>
      %gt3A_508 = arith.cmpf ogt, %get3A_498, %gt3A_507 : vector<16xf32>
      %jit3A_509 = arith.constant 1 : i32
      %jit3A_510 = arith.constant 0 : i32
      %broadcast_in_dim3A_511 = vector.broadcast %jit3A_509 : i32 to vector<16xi32>
      %broadcast_in_dim3A_512 = vector.broadcast %jit3A_510 : i32 to vector<16xi32>
      %select_n3A_513 = arith.select %gt3A_508, %broadcast_in_dim3A_511, %broadcast_in_dim3A_512 : vector<16xi1>, vector<16xi32>
      %add3A_514 = arith.addi %add3A_487, %select_n3A_513 : vector<16xi32>
      %select_n3A_515 = arith.select %gt3A_508, %get3A_505, %broadcast_in_dim3A_3 : vector<16xi1>, vector<16xi32>
      %add3A_516 = arith.addi %add3A_489, %select_n3A_515 : vector<16xi32>
      %scan3A_517 = arith.constant 12 : i32
      %scan3A_518 = arith.addi %scan3A_196, %scan3A_517 : i32
      %mul3A_519 = arith.constant 16 : i32
      %mul3A_520 = arith.muli %scan3A_518, %mul3A_519 : i32
      %get3A_521 = arith.constant 0 : i32
      %get3A_522 = arith.index_cast %get3A_521 : i32 to index
      %get3A_523 = arith.index_cast %mul3A_520 : i32 to index
      %get3A_524 = tpu.vector_load %arg5[%get3A_522, %get3A_523] {strides = array<i32>} : memref<2x4608xf32, #tpu.memory_space<vmem>>, vector<1x16xf32>,
      %get3A_525 = vector.shape_cast %get3A_524 : vector<1x16xf32> to vector<16xf32>
      %mul3A_526 = arith.constant 16 : i32
      %mul3A_527 = arith.muli %scan3A_518, %mul3A_526 : i32
      %get3A_528 = arith.constant 0 : i32
      %get3A_529 = arith.index_cast %get3A_528 : i32 to index
      %get3A_530 = arith.index_cast %mul3A_527 : i32 to index
      %get3A_531 = tpu.vector_load %arg6[%get3A_529, %get3A_530] {strides = array<i32>} : memref<2x4608xi32, #tpu.memory_space<vmem>>, vector<1x16xi32>,
      %get3A_532 = vector.shape_cast %get3A_531 : vector<1x16xi32> to vector<16xi32>
      %gt3A_533 = arith.constant 5.000000e-01 : f32
      %gt3A_534 = vector.broadcast %gt3A_533 : f32 to vector<16xf32>
      %gt3A_535 = arith.cmpf ogt, %get3A_525, %gt3A_534 : vector<16xf32>
      %jit3A_536 = arith.constant 1 : i32
      %jit3A_537 = arith.constant 0 : i32
      %broadcast_in_dim3A_538 = vector.broadcast %jit3A_536 : i32 to vector<16xi32>
      %broadcast_in_dim3A_539 = vector.broadcast %jit3A_537 : i32 to vector<16xi32>
      %select_n3A_540 = arith.select %gt3A_535, %broadcast_in_dim3A_538, %broadcast_in_dim3A_539 : vector<16xi1>, vector<16xi32>
      %add3A_541 = arith.addi %add3A_514, %select_n3A_540 : vector<16xi32>
      %select_n3A_542 = arith.select %gt3A_535, %get3A_532, %broadcast_in_dim3A_3 : vector<16xi1>, vector<16xi32>
      %add3A_543 = arith.addi %add3A_516, %select_n3A_542 : vector<16xi32>
      %scan3A_544 = arith.constant 13 : i32
      %scan3A_545 = arith.addi %scan3A_196, %scan3A_544 : i32
      %mul3A_546 = arith.constant 16 : i32
      %mul3A_547 = arith.muli %scan3A_545, %mul3A_546 : i32
      %get3A_548 = arith.constant 0 : i32
      %get3A_549 = arith.index_cast %get3A_548 : i32 to index
      %get3A_550 = arith.index_cast %mul3A_547 : i32 to index
      %get3A_551 = tpu.vector_load %arg5[%get3A_549, %get3A_550] {strides = array<i32>} : memref<2x4608xf32, #tpu.memory_space<vmem>>, vector<1x16xf32>,
      %get3A_552 = vector.shape_cast %get3A_551 : vector<1x16xf32> to vector<16xf32>
      %mul3A_553 = arith.constant 16 : i32
      %mul3A_554 = arith.muli %scan3A_545, %mul3A_553 : i32
      %get3A_555 = arith.constant 0 : i32
      %get3A_556 = arith.index_cast %get3A_555 : i32 to index
      %get3A_557 = arith.index_cast %mul3A_554 : i32 to index
      %get3A_558 = tpu.vector_load %arg6[%get3A_556, %get3A_557] {strides = array<i32>} : memref<2x4608xi32, #tpu.memory_space<vmem>>, vector<1x16xi32>,
      %get3A_559 = vector.shape_cast %get3A_558 : vector<1x16xi32> to vector<16xi32>
      %gt3A_560 = arith.constant 5.000000e-01 : f32
      %gt3A_561 = vector.broadcast %gt3A_560 : f32 to vector<16xf32>
      %gt3A_562 = arith.cmpf ogt, %get3A_552, %gt3A_561 : vector<16xf32>
      %jit3A_563 = arith.constant 1 : i32
      %jit3A_564 = arith.constant 0 : i32
      %broadcast_in_dim3A_565 = vector.broadcast %jit3A_563 : i32 to vector<16xi32>
      %broadcast_in_dim3A_566 = vector.broadcast %jit3A_564 : i32 to vector<16xi32>
      %select_n3A_567 = arith.select %gt3A_562, %broadcast_in_dim3A_565, %broadcast_in_dim3A_566 : vector<16xi1>, vector<16xi32>
      %add3A_568 = arith.addi %add3A_541, %select_n3A_567 : vector<16xi32>
      %select_n3A_569 = arith.select %gt3A_562, %get3A_559, %broadcast_in_dim3A_3 : vector<16xi1>, vector<16xi32>
      %add3A_570 = arith.addi %add3A_543, %select_n3A_569 : vector<16xi32>
      %scan3A_571 = arith.constant 14 : i32
      %scan3A_572 = arith.addi %scan3A_196, %scan3A_571 : i32
      %mul3A_573 = arith.constant 16 : i32
      %mul3A_574 = arith.muli %scan3A_572, %mul3A_573 : i32
      %get3A_575 = arith.constant 0 : i32
      %get3A_576 = arith.index_cast %get3A_575 : i32 to index
      %get3A_577 = arith.index_cast %mul3A_574 : i32 to index
      %get3A_578 = tpu.vector_load %arg5[%get3A_576, %get3A_577] {strides = array<i32>} : memref<2x4608xf32, #tpu.memory_space<vmem>>, vector<1x16xf32>,
      %get3A_579 = vector.shape_cast %get3A_578 : vector<1x16xf32> to vector<16xf32>
      %mul3A_580 = arith.constant 16 : i32
      %mul3A_581 = arith.muli %scan3A_572, %mul3A_580 : i32
      %get3A_582 = arith.constant 0 : i32
      %get3A_583 = arith.index_cast %get3A_582 : i32 to index
      %get3A_584 = arith.index_cast %mul3A_581 : i32 to index
      %get3A_585 = tpu.vector_load %arg6[%get3A_583, %get3A_584] {strides = array<i32>} : memref<2x4608xi32, #tpu.memory_space<vmem>>, vector<1x16xi32>,
      %get3A_586 = vector.shape_cast %get3A_585 : vector<1x16xi32> to vector<16xi32>
      %gt3A_587 = arith.constant 5.000000e-01 : f32
      %gt3A_588 = vector.broadcast %gt3A_587 : f32 to vector<16xf32>
      %gt3A_589 = arith.cmpf ogt, %get3A_579, %gt3A_588 : vector<16xf32>
      %jit3A_590 = arith.constant 1 : i32
      %jit3A_591 = arith.constant 0 : i32
      %broadcast_in_dim3A_592 = vector.broadcast %jit3A_590 : i32 to vector<16xi32>
      %broadcast_in_dim3A_593 = vector.broadcast %jit3A_591 : i32 to vector<16xi32>
      %select_n3A_594 = arith.select %gt3A_589, %broadcast_in_dim3A_592, %broadcast_in_dim3A_593 : vector<16xi1>, vector<16xi32>
      %add3A_595 = arith.addi %add3A_568, %select_n3A_594 : vector<16xi32>
      %select_n3A_596 = arith.select %gt3A_589, %get3A_586, %broadcast_in_dim3A_3 : vector<16xi1>, vector<16xi32>
      %add3A_597 = arith.addi %add3A_570, %select_n3A_596 : vector<16xi32>
      %scan3A_598 = arith.constant 15 : i32
      %scan3A_599 = arith.addi %scan3A_196, %scan3A_598 : i32
      %mul3A_600 = arith.constant 16 : i32
      %mul3A_601 = arith.muli %scan3A_599, %mul3A_600 : i32
      %get3A_602 = arith.constant 0 : i32
      %get3A_603 = arith.index_cast %get3A_602 : i32 to index
      %get3A_604 = arith.index_cast %mul3A_601 : i32 to index
      %get3A_605 = tpu.vector_load %arg5[%get3A_603, %get3A_604] {strides = array<i32>} : memref<2x4608xf32, #tpu.memory_space<vmem>>, vector<1x16xf32>,
      %get3A_606 = vector.shape_cast %get3A_605 : vector<1x16xf32> to vector<16xf32>
      %mul3A_607 = arith.constant 16 : i32
      %mul3A_608 = arith.muli %scan3A_599, %mul3A_607 : i32
      %get3A_609 = arith.constant 0 : i32
      %get3A_610 = arith.index_cast %get3A_609 : i32 to index
      %get3A_611 = arith.index_cast %mul3A_608 : i32 to index
      %get3A_612 = tpu.vector_load %arg6[%get3A_610, %get3A_611] {strides = array<i32>} : memref<2x4608xi32, #tpu.memory_space<vmem>>, vector<1x16xi32>,
      %get3A_613 = vector.shape_cast %get3A_612 : vector<1x16xi32> to vector<16xi32>
      %gt3A_614 = arith.constant 5.000000e-01 : f32
      %gt3A_615 = vector.broadcast %gt3A_614 : f32 to vector<16xf32>
      %gt3A_616 = arith.cmpf ogt, %get3A_606, %gt3A_615 : vector<16xf32>
      %jit3A_617 = arith.constant 1 : i32
      %jit3A_618 = arith.constant 0 : i32
      %broadcast_in_dim3A_619 = vector.broadcast %jit3A_617 : i32 to vector<16xi32>
      %broadcast_in_dim3A_620 = vector.broadcast %jit3A_618 : i32 to vector<16xi32>
      %select_n3A_621 = arith.select %gt3A_616, %broadcast_in_dim3A_619, %broadcast_in_dim3A_620 : vector<16xi1>, vector<16xi32>
      %add3A_622 = arith.addi %add3A_595, %select_n3A_621 : vector<16xi32>
      %select_n3A_623 = arith.select %gt3A_616, %get3A_613, %broadcast_in_dim3A_3 : vector<16xi1>, vector<16xi32>
      %add3A_624 = arith.addi %add3A_597, %select_n3A_623 : vector<16xi32>
      scf.yield %add3A_622, %add3A_624 : vector<16xi32>, vector<16xi32>
    }
    %scan3A_160 = arith.constant 288 : i32
    %dma_wait3A_161 = arith.constant 1 : i32
    %dma_wait3A_162 = arith.constant 0 : i32
    %dma_wait3A_163 = tpu.memref_slice %arg5[%dma_wait3A_161, %dma_wait3A_162] : memref<2x4608xf32, #tpu.memory_space<vmem>> -> memref<1x4608xf32, #tpu.memory_space<vmem>>
    %dma_wait3A_164 = tpu.memref_squeeze %dma_wait3A_163 : memref<1x4608xf32, #tpu.memory_space<vmem>> -> memref<4608xf32, #tpu.memory_space<vmem>>
    %dma_wait3A_165 = tpu.memref_slice %arg2[%add3A_116] : memref<589824xf32, #tpu.memory_space<hbm>> -> memref<4608xf32, #tpu.memory_space<hbm>>
    %dma_wait3A_166 = arith.constant 0 : i32
    %dma_wait3A_167 = tpu.memref_slice %arg5[%dma_wait3A_161, %dma_wait3A_166] : memref<2x4608xf32, #tpu.memory_space<vmem>> -> memref<1x4608xf32, #tpu.memory_space<vmem>>
    %dma_wait3A_168 = tpu.memref_squeeze %dma_wait3A_167 : memref<1x4608xf32, #tpu.memory_space<vmem>> -> memref<4608xf32, #tpu.memory_space<vmem>>
    %dma_wait3A_169 = tpu.memref_slice %arg2[%add3A_116] : memref<589824xf32, #tpu.memory_space<hbm>> -> memref<4608xf32, #tpu.memory_space<hbm>>
    tpu.wait_dma2 semaphore(%arg9 : memref<!tpu.dma_semaphore, #tpu.memory_space<semaphore_mem>>) src(%dma_wait3A_169 : memref<4608xf32, #tpu.memory_space<hbm>>) dst(%dma_wait3A_168 : memref<4608xf32, #tpu.memory_space<vmem>>)
    %dma_wait3A_170 = arith.constant 1 : i32
    %dma_wait3A_171 = arith.constant 0 : i32
    %dma_wait3A_172 = tpu.memref_slice %arg6[%dma_wait3A_170, %dma_wait3A_171] : memref<2x4608xi32, #tpu.memory_space<vmem>> -> memref<1x4608xi32, #tpu.memory_space<vmem>>
    %dma_wait3A_173 = tpu.memref_squeeze %dma_wait3A_172 : memref<1x4608xi32, #tpu.memory_space<vmem>> -> memref<4608xi32, #tpu.memory_space<vmem>>
    %dma_wait3A_174 = tpu.memref_slice %arg3[%add3A_127] : memref<589824xi32, #tpu.memory_space<hbm>> -> memref<4608xi32, #tpu.memory_space<hbm>>
    %dma_wait3A_175 = arith.constant 0 : i32
    %dma_wait3A_176 = tpu.memref_slice %arg6[%dma_wait3A_170, %dma_wait3A_175] : memref<2x4608xi32, #tpu.memory_space<vmem>> -> memref<1x4608xi32, #tpu.memory_space<vmem>>
    %dma_wait3A_177 = tpu.memref_squeeze %dma_wait3A_176 : memref<1x4608xi32, #tpu.memory_space<vmem>> -> memref<4608xi32, #tpu.memory_space<vmem>>
    %dma_wait3A_178 = tpu.memref_slice %arg3[%add3A_127] : memref<589824xi32, #tpu.memory_space<hbm>> -> memref<4608xi32, #tpu.memory_space<hbm>>
    tpu.wait_dma2 semaphore(%arg11 : memref<!tpu.dma_semaphore, #tpu.memory_space<semaphore_mem>>) src(%dma_wait3A_178 : memref<4608xi32, #tpu.memory_space<hbm>>) dst(%dma_wait3A_177 : memref<4608xi32, #tpu.memory_space<vmem>>)
    %scan3A_179 = arith.constant 0 : i32
    %scan3A_180 = arith.constant 288 : i32
    %scan3A_181 = arith.addi %scan3A_179, %scan3A_180 : i32
    %scan3A_182 = arith.constant 16 : i32
    %scan3A_183:2 = scf.for %scan3A_196 = %scan3A_179 to %scan3A_181 step %scan3A_182 iter_args(%scan3A_197 = %scan3A_159#0, %scan3A_198 = %scan3A_159#1) -> (vector<16xi32>, vector<16xi32>)  : i32 {
      %mul3A_199 = arith.constant 16 : i32
      %mul3A_200 = arith.muli %scan3A_196, %mul3A_199 : i32
      %get3A = arith.constant 1 : i32
      %get3A_201 = arith.index_cast %get3A : i32 to index
      %get3A_202 = arith.index_cast %mul3A_200 : i32 to index
      %get3A_203 = tpu.vector_load %arg5[%get3A_201, %get3A_202] {strides = array<i32>} : memref<2x4608xf32, #tpu.memory_space<vmem>>, vector<1x16xf32>,
      %get3A_204 = vector.shape_cast %get3A_203 : vector<1x16xf32> to vector<16xf32>
      %mul3A_205 = arith.constant 16 : i32
      %mul3A_206 = arith.muli %scan3A_196, %mul3A_205 : i32
      %get3A_207 = arith.constant 1 : i32
      %get3A_208 = arith.index_cast %get3A_207 : i32 to index
      %get3A_209 = arith.index_cast %mul3A_206 : i32 to index
      %get3A_210 = tpu.vector_load %arg6[%get3A_208, %get3A_209] {strides = array<i32>} : memref<2x4608xi32, #tpu.memory_space<vmem>>, vector<1x16xi32>,
      %get3A_211 = vector.shape_cast %get3A_210 : vector<1x16xi32> to vector<16xi32>
      %gt3A = arith.constant 5.000000e-01 : f32
      %gt3A_212 = vector.broadcast %gt3A : f32 to vector<16xf32>
      %gt3A_213 = arith.cmpf ogt, %get3A_204, %gt3A_212 : vector<16xf32>
      %jit3A = arith.constant 1 : i32
      %jit3A_214 = arith.constant 0 : i32
      %broadcast_in_dim3A_215 = vector.broadcast %jit3A : i32 to vector<16xi32>
      %broadcast_in_dim3A_216 = vector.broadcast %jit3A_214 : i32 to vector<16xi32>
      %select_n3A = arith.select %gt3A_213, %broadcast_in_dim3A_215, %broadcast_in_dim3A_216 : vector<16xi1>, vector<16xi32>
      %add3A_217 = arith.addi %scan3A_197, %select_n3A : vector<16xi32>
      %select_n3A_218 = arith.select %gt3A_213, %get3A_211, %broadcast_in_dim3A_3 : vector<16xi1>, vector<16xi32>
      %add3A_219 = arith.addi %scan3A_198, %select_n3A_218 : vector<16xi32>
      %scan3A_220 = arith.constant 1 : i32
      %scan3A_221 = arith.addi %scan3A_196, %scan3A_220 : i32
      %mul3A_222 = arith.constant 16 : i32
      %mul3A_223 = arith.muli %scan3A_221, %mul3A_222 : i32
      %get3A_224 = arith.constant 1 : i32
      %get3A_225 = arith.index_cast %get3A_224 : i32 to index
      %get3A_226 = arith.index_cast %mul3A_223 : i32 to index
      %get3A_227 = tpu.vector_load %arg5[%get3A_225, %get3A_226] {strides = array<i32>} : memref<2x4608xf32, #tpu.memory_space<vmem>>, vector<1x16xf32>,
      %get3A_228 = vector.shape_cast %get3A_227 : vector<1x16xf32> to vector<16xf32>
      %mul3A_229 = arith.constant 16 : i32
      %mul3A_230 = arith.muli %scan3A_221, %mul3A_229 : i32
      %get3A_231 = arith.constant 1 : i32
      %get3A_232 = arith.index_cast %get3A_231 : i32 to index
      %get3A_233 = arith.index_cast %mul3A_230 : i32 to index
      %get3A_234 = tpu.vector_load %arg6[%get3A_232, %get3A_233] {strides = array<i32>} : memref<2x4608xi32, #tpu.memory_space<vmem>>, vector<1x16xi32>,
      %get3A_235 = vector.shape_cast %get3A_234 : vector<1x16xi32> to vector<16xi32>
      %gt3A_236 = arith.constant 5.000000e-01 : f32
      %gt3A_237 = vector.broadcast %gt3A_236 : f32 to vector<16xf32>
      %gt3A_238 = arith.cmpf ogt, %get3A_228, %gt3A_237 : vector<16xf32>
      %jit3A_239 = arith.constant 1 : i32
      %jit3A_240 = arith.constant 0 : i32
      %broadcast_in_dim3A_241 = vector.broadcast %jit3A_239 : i32 to vector<16xi32>
      %broadcast_in_dim3A_242 = vector.broadcast %jit3A_240 : i32 to vector<16xi32>
      %select_n3A_243 = arith.select %gt3A_238, %broadcast_in_dim3A_241, %broadcast_in_dim3A_242 : vector<16xi1>, vector<16xi32>
      %add3A_244 = arith.addi %add3A_217, %select_n3A_243 : vector<16xi32>
      %select_n3A_245 = arith.select %gt3A_238, %get3A_235, %broadcast_in_dim3A_3 : vector<16xi1>, vector<16xi32>
      %add3A_246 = arith.addi %add3A_219, %select_n3A_245 : vector<16xi32>
      %scan3A_247 = arith.constant 2 : i32
      %scan3A_248 = arith.addi %scan3A_196, %scan3A_247 : i32
      %mul3A_249 = arith.constant 16 : i32
      %mul3A_250 = arith.muli %scan3A_248, %mul3A_249 : i32
      %get3A_251 = arith.constant 1 : i32
      %get3A_252 = arith.index_cast %get3A_251 : i32 to index
      %get3A_253 = arith.index_cast %mul3A_250 : i32 to index
      %get3A_254 = tpu.vector_load %arg5[%get3A_252, %get3A_253] {strides = array<i32>} : memref<2x4608xf32, #tpu.memory_space<vmem>>, vector<1x16xf32>,
      %get3A_255 = vector.shape_cast %get3A_254 : vector<1x16xf32> to vector<16xf32>
      %mul3A_256 = arith.constant 16 : i32
      %mul3A_257 = arith.muli %scan3A_248, %mul3A_256 : i32
      %get3A_258 = arith.constant 1 : i32
      %get3A_259 = arith.index_cast %get3A_258 : i32 to index
      %get3A_260 = arith.index_cast %mul3A_257 : i32 to index
      %get3A_261 = tpu.vector_load %arg6[%get3A_259, %get3A_260] {strides = array<i32>} : memref<2x4608xi32, #tpu.memory_space<vmem>>, vector<1x16xi32>,
      %get3A_262 = vector.shape_cast %get3A_261 : vector<1x16xi32> to vector<16xi32>
      %gt3A_263 = arith.constant 5.000000e-01 : f32
      %gt3A_264 = vector.broadcast %gt3A_263 : f32 to vector<16xf32>
      %gt3A_265 = arith.cmpf ogt, %get3A_255, %gt3A_264 : vector<16xf32>
      %jit3A_266 = arith.constant 1 : i32
      %jit3A_267 = arith.constant 0 : i32
      %broadcast_in_dim3A_268 = vector.broadcast %jit3A_266 : i32 to vector<16xi32>
      %broadcast_in_dim3A_269 = vector.broadcast %jit3A_267 : i32 to vector<16xi32>
      %select_n3A_270 = arith.select %gt3A_265, %broadcast_in_dim3A_268, %broadcast_in_dim3A_269 : vector<16xi1>, vector<16xi32>
      %add3A_271 = arith.addi %add3A_244, %select_n3A_270 : vector<16xi32>
      %select_n3A_272 = arith.select %gt3A_265, %get3A_262, %broadcast_in_dim3A_3 : vector<16xi1>, vector<16xi32>
      %add3A_273 = arith.addi %add3A_246, %select_n3A_272 : vector<16xi32>
      %scan3A_274 = arith.constant 3 : i32
      %scan3A_275 = arith.addi %scan3A_196, %scan3A_274 : i32
      %mul3A_276 = arith.constant 16 : i32
      %mul3A_277 = arith.muli %scan3A_275, %mul3A_276 : i32
      %get3A_278 = arith.constant 1 : i32
      %get3A_279 = arith.index_cast %get3A_278 : i32 to index
      %get3A_280 = arith.index_cast %mul3A_277 : i32 to index
      %get3A_281 = tpu.vector_load %arg5[%get3A_279, %get3A_280] {strides = array<i32>} : memref<2x4608xf32, #tpu.memory_space<vmem>>, vector<1x16xf32>,
      %get3A_282 = vector.shape_cast %get3A_281 : vector<1x16xf32> to vector<16xf32>
      %mul3A_283 = arith.constant 16 : i32
      %mul3A_284 = arith.muli %scan3A_275, %mul3A_283 : i32
      %get3A_285 = arith.constant 1 : i32
      %get3A_286 = arith.index_cast %get3A_285 : i32 to index
      %get3A_287 = arith.index_cast %mul3A_284 : i32 to index
      %get3A_288 = tpu.vector_load %arg6[%get3A_286, %get3A_287] {strides = array<i32>} : memref<2x4608xi32, #tpu.memory_space<vmem>>, vector<1x16xi32>,
      %get3A_289 = vector.shape_cast %get3A_288 : vector<1x16xi32> to vector<16xi32>
      %gt3A_290 = arith.constant 5.000000e-01 : f32
      %gt3A_291 = vector.broadcast %gt3A_290 : f32 to vector<16xf32>
      %gt3A_292 = arith.cmpf ogt, %get3A_282, %gt3A_291 : vector<16xf32>
      %jit3A_293 = arith.constant 1 : i32
      %jit3A_294 = arith.constant 0 : i32
      %broadcast_in_dim3A_295 = vector.broadcast %jit3A_293 : i32 to vector<16xi32>
      %broadcast_in_dim3A_296 = vector.broadcast %jit3A_294 : i32 to vector<16xi32>
      %select_n3A_297 = arith.select %gt3A_292, %broadcast_in_dim3A_295, %broadcast_in_dim3A_296 : vector<16xi1>, vector<16xi32>
      %add3A_298 = arith.addi %add3A_271, %select_n3A_297 : vector<16xi32>
      %select_n3A_299 = arith.select %gt3A_292, %get3A_289, %broadcast_in_dim3A_3 : vector<16xi1>, vector<16xi32>
      %add3A_300 = arith.addi %add3A_273, %select_n3A_299 : vector<16xi32>
      %scan3A_301 = arith.constant 4 : i32
      %scan3A_302 = arith.addi %scan3A_196, %scan3A_301 : i32
      %mul3A_303 = arith.constant 16 : i32
      %mul3A_304 = arith.muli %scan3A_302, %mul3A_303 : i32
      %get3A_305 = arith.constant 1 : i32
      %get3A_306 = arith.index_cast %get3A_305 : i32 to index
      %get3A_307 = arith.index_cast %mul3A_304 : i32 to index
      %get3A_308 = tpu.vector_load %arg5[%get3A_306, %get3A_307] {strides = array<i32>} : memref<2x4608xf32, #tpu.memory_space<vmem>>, vector<1x16xf32>,
      %get3A_309 = vector.shape_cast %get3A_308 : vector<1x16xf32> to vector<16xf32>
      %mul3A_310 = arith.constant 16 : i32
      %mul3A_311 = arith.muli %scan3A_302, %mul3A_310 : i32
      %get3A_312 = arith.constant 1 : i32
      %get3A_313 = arith.index_cast %get3A_312 : i32 to index
      %get3A_314 = arith.index_cast %mul3A_311 : i32 to index
      %get3A_315 = tpu.vector_load %arg6[%get3A_313, %get3A_314] {strides = array<i32>} : memref<2x4608xi32, #tpu.memory_space<vmem>>, vector<1x16xi32>,
      %get3A_316 = vector.shape_cast %get3A_315 : vector<1x16xi32> to vector<16xi32>
      %gt3A_317 = arith.constant 5.000000e-01 : f32
      %gt3A_318 = vector.broadcast %gt3A_317 : f32 to vector<16xf32>
      %gt3A_319 = arith.cmpf ogt, %get3A_309, %gt3A_318 : vector<16xf32>
      %jit3A_320 = arith.constant 1 : i32
      %jit3A_321 = arith.constant 0 : i32
      %broadcast_in_dim3A_322 = vector.broadcast %jit3A_320 : i32 to vector<16xi32>
      %broadcast_in_dim3A_323 = vector.broadcast %jit3A_321 : i32 to vector<16xi32>
      %select_n3A_324 = arith.select %gt3A_319, %broadcast_in_dim3A_322, %broadcast_in_dim3A_323 : vector<16xi1>, vector<16xi32>
      %add3A_325 = arith.addi %add3A_298, %select_n3A_324 : vector<16xi32>
      %select_n3A_326 = arith.select %gt3A_319, %get3A_316, %broadcast_in_dim3A_3 : vector<16xi1>, vector<16xi32>
      %add3A_327 = arith.addi %add3A_300, %select_n3A_326 : vector<16xi32>
      %scan3A_328 = arith.constant 5 : i32
      %scan3A_329 = arith.addi %scan3A_196, %scan3A_328 : i32
      %mul3A_330 = arith.constant 16 : i32
      %mul3A_331 = arith.muli %scan3A_329, %mul3A_330 : i32
      %get3A_332 = arith.constant 1 : i32
      %get3A_333 = arith.index_cast %get3A_332 : i32 to index
      %get3A_334 = arith.index_cast %mul3A_331 : i32 to index
      %get3A_335 = tpu.vector_load %arg5[%get3A_333, %get3A_334] {strides = array<i32>} : memref<2x4608xf32, #tpu.memory_space<vmem>>, vector<1x16xf32>,
      %get3A_336 = vector.shape_cast %get3A_335 : vector<1x16xf32> to vector<16xf32>
      %mul3A_337 = arith.constant 16 : i32
      %mul3A_338 = arith.muli %scan3A_329, %mul3A_337 : i32
      %get3A_339 = arith.constant 1 : i32
      %get3A_340 = arith.index_cast %get3A_339 : i32 to index
      %get3A_341 = arith.index_cast %mul3A_338 : i32 to index
      %get3A_342 = tpu.vector_load %arg6[%get3A_340, %get3A_341] {strides = array<i32>} : memref<2x4608xi32, #tpu.memory_space<vmem>>, vector<1x16xi32>,
      %get3A_343 = vector.shape_cast %get3A_342 : vector<1x16xi32> to vector<16xi32>
      %gt3A_344 = arith.constant 5.000000e-01 : f32
      %gt3A_345 = vector.broadcast %gt3A_344 : f32 to vector<16xf32>
      %gt3A_346 = arith.cmpf ogt, %get3A_336, %gt3A_345 : vector<16xf32>
      %jit3A_347 = arith.constant 1 : i32
      %jit3A_348 = arith.constant 0 : i32
      %broadcast_in_dim3A_349 = vector.broadcast %jit3A_347 : i32 to vector<16xi32>
      %broadcast_in_dim3A_350 = vector.broadcast %jit3A_348 : i32 to vector<16xi32>
      %select_n3A_351 = arith.select %gt3A_346, %broadcast_in_dim3A_349, %broadcast_in_dim3A_350 : vector<16xi1>, vector<16xi32>
      %add3A_352 = arith.addi %add3A_325, %select_n3A_351 : vector<16xi32>
      %select_n3A_353 = arith.select %gt3A_346, %get3A_343, %broadcast_in_dim3A_3 : vector<16xi1>, vector<16xi32>
      %add3A_354 = arith.addi %add3A_327, %select_n3A_353 : vector<16xi32>
      %scan3A_355 = arith.constant 6 : i32
      %scan3A_356 = arith.addi %scan3A_196, %scan3A_355 : i32
      %mul3A_357 = arith.constant 16 : i32
      %mul3A_358 = arith.muli %scan3A_356, %mul3A_357 : i32
      %get3A_359 = arith.constant 1 : i32
      %get3A_360 = arith.index_cast %get3A_359 : i32 to index
      %get3A_361 = arith.index_cast %mul3A_358 : i32 to index
      %get3A_362 = tpu.vector_load %arg5[%get3A_360, %get3A_361] {strides = array<i32>} : memref<2x4608xf32, #tpu.memory_space<vmem>>, vector<1x16xf32>,
      %get3A_363 = vector.shape_cast %get3A_362 : vector<1x16xf32> to vector<16xf32>
      %mul3A_364 = arith.constant 16 : i32
      %mul3A_365 = arith.muli %scan3A_356, %mul3A_364 : i32
      %get3A_366 = arith.constant 1 : i32
      %get3A_367 = arith.index_cast %get3A_366 : i32 to index
      %get3A_368 = arith.index_cast %mul3A_365 : i32 to index
      %get3A_369 = tpu.vector_load %arg6[%get3A_367, %get3A_368] {strides = array<i32>} : memref<2x4608xi32, #tpu.memory_space<vmem>>, vector<1x16xi32>,
      %get3A_370 = vector.shape_cast %get3A_369 : vector<1x16xi32> to vector<16xi32>
      %gt3A_371 = arith.constant 5.000000e-01 : f32
      %gt3A_372 = vector.broadcast %gt3A_371 : f32 to vector<16xf32>
      %gt3A_373 = arith.cmpf ogt, %get3A_363, %gt3A_372 : vector<16xf32>
      %jit3A_374 = arith.constant 1 : i32
      %jit3A_375 = arith.constant 0 : i32
      %broadcast_in_dim3A_376 = vector.broadcast %jit3A_374 : i32 to vector<16xi32>
      %broadcast_in_dim3A_377 = vector.broadcast %jit3A_375 : i32 to vector<16xi32>
      %select_n3A_378 = arith.select %gt3A_373, %broadcast_in_dim3A_376, %broadcast_in_dim3A_377 : vector<16xi1>, vector<16xi32>
      %add3A_379 = arith.addi %add3A_352, %select_n3A_378 : vector<16xi32>
      %select_n3A_380 = arith.select %gt3A_373, %get3A_370, %broadcast_in_dim3A_3 : vector<16xi1>, vector<16xi32>
      %add3A_381 = arith.addi %add3A_354, %select_n3A_380 : vector<16xi32>
      %scan3A_382 = arith.constant 7 : i32
      %scan3A_383 = arith.addi %scan3A_196, %scan3A_382 : i32
      %mul3A_384 = arith.constant 16 : i32
      %mul3A_385 = arith.muli %scan3A_383, %mul3A_384 : i32
      %get3A_386 = arith.constant 1 : i32
      %get3A_387 = arith.index_cast %get3A_386 : i32 to index
      %get3A_388 = arith.index_cast %mul3A_385 : i32 to index
      %get3A_389 = tpu.vector_load %arg5[%get3A_387, %get3A_388] {strides = array<i32>} : memref<2x4608xf32, #tpu.memory_space<vmem>>, vector<1x16xf32>,
      %get3A_390 = vector.shape_cast %get3A_389 : vector<1x16xf32> to vector<16xf32>
      %mul3A_391 = arith.constant 16 : i32
      %mul3A_392 = arith.muli %scan3A_383, %mul3A_391 : i32
      %get3A_393 = arith.constant 1 : i32
      %get3A_394 = arith.index_cast %get3A_393 : i32 to index
      %get3A_395 = arith.index_cast %mul3A_392 : i32 to index
      %get3A_396 = tpu.vector_load %arg6[%get3A_394, %get3A_395] {strides = array<i32>} : memref<2x4608xi32, #tpu.memory_space<vmem>>, vector<1x16xi32>,
      %get3A_397 = vector.shape_cast %get3A_396 : vector<1x16xi32> to vector<16xi32>
      %gt3A_398 = arith.constant 5.000000e-01 : f32
      %gt3A_399 = vector.broadcast %gt3A_398 : f32 to vector<16xf32>
      %gt3A_400 = arith.cmpf ogt, %get3A_390, %gt3A_399 : vector<16xf32>
      %jit3A_401 = arith.constant 1 : i32
      %jit3A_402 = arith.constant 0 : i32
      %broadcast_in_dim3A_403 = vector.broadcast %jit3A_401 : i32 to vector<16xi32>
      %broadcast_in_dim3A_404 = vector.broadcast %jit3A_402 : i32 to vector<16xi32>
      %select_n3A_405 = arith.select %gt3A_400, %broadcast_in_dim3A_403, %broadcast_in_dim3A_404 : vector<16xi1>, vector<16xi32>
      %add3A_406 = arith.addi %add3A_379, %select_n3A_405 : vector<16xi32>
      %select_n3A_407 = arith.select %gt3A_400, %get3A_397, %broadcast_in_dim3A_3 : vector<16xi1>, vector<16xi32>
      %add3A_408 = arith.addi %add3A_381, %select_n3A_407 : vector<16xi32>
      %scan3A_409 = arith.constant 8 : i32
      %scan3A_410 = arith.addi %scan3A_196, %scan3A_409 : i32
      %mul3A_411 = arith.constant 16 : i32
      %mul3A_412 = arith.muli %scan3A_410, %mul3A_411 : i32
      %get3A_413 = arith.constant 1 : i32
      %get3A_414 = arith.index_cast %get3A_413 : i32 to index
      %get3A_415 = arith.index_cast %mul3A_412 : i32 to index
      %get3A_416 = tpu.vector_load %arg5[%get3A_414, %get3A_415] {strides = array<i32>} : memref<2x4608xf32, #tpu.memory_space<vmem>>, vector<1x16xf32>,
      %get3A_417 = vector.shape_cast %get3A_416 : vector<1x16xf32> to vector<16xf32>
      %mul3A_418 = arith.constant 16 : i32
      %mul3A_419 = arith.muli %scan3A_410, %mul3A_418 : i32
      %get3A_420 = arith.constant 1 : i32
      %get3A_421 = arith.index_cast %get3A_420 : i32 to index
      %get3A_422 = arith.index_cast %mul3A_419 : i32 to index
      %get3A_423 = tpu.vector_load %arg6[%get3A_421, %get3A_422] {strides = array<i32>} : memref<2x4608xi32, #tpu.memory_space<vmem>>, vector<1x16xi32>,
      %get3A_424 = vector.shape_cast %get3A_423 : vector<1x16xi32> to vector<16xi32>
      %gt3A_425 = arith.constant 5.000000e-01 : f32
      %gt3A_426 = vector.broadcast %gt3A_425 : f32 to vector<16xf32>
      %gt3A_427 = arith.cmpf ogt, %get3A_417, %gt3A_426 : vector<16xf32>
      %jit3A_428 = arith.constant 1 : i32
      %jit3A_429 = arith.constant 0 : i32
      %broadcast_in_dim3A_430 = vector.broadcast %jit3A_428 : i32 to vector<16xi32>
      %broadcast_in_dim3A_431 = vector.broadcast %jit3A_429 : i32 to vector<16xi32>
      %select_n3A_432 = arith.select %gt3A_427, %broadcast_in_dim3A_430, %broadcast_in_dim3A_431 : vector<16xi1>, vector<16xi32>
      %add3A_433 = arith.addi %add3A_406, %select_n3A_432 : vector<16xi32>
      %select_n3A_434 = arith.select %gt3A_427, %get3A_424, %broadcast_in_dim3A_3 : vector<16xi1>, vector<16xi32>
      %add3A_435 = arith.addi %add3A_408, %select_n3A_434 : vector<16xi32>
      %scan3A_436 = arith.constant 9 : i32
      %scan3A_437 = arith.addi %scan3A_196, %scan3A_436 : i32
      %mul3A_438 = arith.constant 16 : i32
      %mul3A_439 = arith.muli %scan3A_437, %mul3A_438 : i32
      %get3A_440 = arith.constant 1 : i32
      %get3A_441 = arith.index_cast %get3A_440 : i32 to index
      %get3A_442 = arith.index_cast %mul3A_439 : i32 to index
      %get3A_443 = tpu.vector_load %arg5[%get3A_441, %get3A_442] {strides = array<i32>} : memref<2x4608xf32, #tpu.memory_space<vmem>>, vector<1x16xf32>,
      %get3A_444 = vector.shape_cast %get3A_443 : vector<1x16xf32> to vector<16xf32>
      %mul3A_445 = arith.constant 16 : i32
      %mul3A_446 = arith.muli %scan3A_437, %mul3A_445 : i32
      %get3A_447 = arith.constant 1 : i32
      %get3A_448 = arith.index_cast %get3A_447 : i32 to index
      %get3A_449 = arith.index_cast %mul3A_446 : i32 to index
      %get3A_450 = tpu.vector_load %arg6[%get3A_448, %get3A_449] {strides = array<i32>} : memref<2x4608xi32, #tpu.memory_space<vmem>>, vector<1x16xi32>,
      %get3A_451 = vector.shape_cast %get3A_450 : vector<1x16xi32> to vector<16xi32>
      %gt3A_452 = arith.constant 5.000000e-01 : f32
      %gt3A_453 = vector.broadcast %gt3A_452 : f32 to vector<16xf32>
      %gt3A_454 = arith.cmpf ogt, %get3A_444, %gt3A_453 : vector<16xf32>
      %jit3A_455 = arith.constant 1 : i32
      %jit3A_456 = arith.constant 0 : i32
      %broadcast_in_dim3A_457 = vector.broadcast %jit3A_455 : i32 to vector<16xi32>
      %broadcast_in_dim3A_458 = vector.broadcast %jit3A_456 : i32 to vector<16xi32>
      %select_n3A_459 = arith.select %gt3A_454, %broadcast_in_dim3A_457, %broadcast_in_dim3A_458 : vector<16xi1>, vector<16xi32>
      %add3A_460 = arith.addi %add3A_433, %select_n3A_459 : vector<16xi32>
      %select_n3A_461 = arith.select %gt3A_454, %get3A_451, %broadcast_in_dim3A_3 : vector<16xi1>, vector<16xi32>
      %add3A_462 = arith.addi %add3A_435, %select_n3A_461 : vector<16xi32>
      %scan3A_463 = arith.constant 10 : i32
      %scan3A_464 = arith.addi %scan3A_196, %scan3A_463 : i32
      %mul3A_465 = arith.constant 16 : i32
      %mul3A_466 = arith.muli %scan3A_464, %mul3A_465 : i32
      %get3A_467 = arith.constant 1 : i32
      %get3A_468 = arith.index_cast %get3A_467 : i32 to index
      %get3A_469 = arith.index_cast %mul3A_466 : i32 to index
      %get3A_470 = tpu.vector_load %arg5[%get3A_468, %get3A_469] {strides = array<i32>} : memref<2x4608xf32, #tpu.memory_space<vmem>>, vector<1x16xf32>,
      %get3A_471 = vector.shape_cast %get3A_470 : vector<1x16xf32> to vector<16xf32>
      %mul3A_472 = arith.constant 16 : i32
      %mul3A_473 = arith.muli %scan3A_464, %mul3A_472 : i32
      %get3A_474 = arith.constant 1 : i32
      %get3A_475 = arith.index_cast %get3A_474 : i32 to index
      %get3A_476 = arith.index_cast %mul3A_473 : i32 to index
      %get3A_477 = tpu.vector_load %arg6[%get3A_475, %get3A_476] {strides = array<i32>} : memref<2x4608xi32, #tpu.memory_space<vmem>>, vector<1x16xi32>,
      %get3A_478 = vector.shape_cast %get3A_477 : vector<1x16xi32> to vector<16xi32>
      %gt3A_479 = arith.constant 5.000000e-01 : f32
      %gt3A_480 = vector.broadcast %gt3A_479 : f32 to vector<16xf32>
      %gt3A_481 = arith.cmpf ogt, %get3A_471, %gt3A_480 : vector<16xf32>
      %jit3A_482 = arith.constant 1 : i32
      %jit3A_483 = arith.constant 0 : i32
      %broadcast_in_dim3A_484 = vector.broadcast %jit3A_482 : i32 to vector<16xi32>
      %broadcast_in_dim3A_485 = vector.broadcast %jit3A_483 : i32 to vector<16xi32>
      %select_n3A_486 = arith.select %gt3A_481, %broadcast_in_dim3A_484, %broadcast_in_dim3A_485 : vector<16xi1>, vector<16xi32>
      %add3A_487 = arith.addi %add3A_460, %select_n3A_486 : vector<16xi32>
      %select_n3A_488 = arith.select %gt3A_481, %get3A_478, %broadcast_in_dim3A_3 : vector<16xi1>, vector<16xi32>
      %add3A_489 = arith.addi %add3A_462, %select_n3A_488 : vector<16xi32>
      %scan3A_490 = arith.constant 11 : i32
      %scan3A_491 = arith.addi %scan3A_196, %scan3A_490 : i32
      %mul3A_492 = arith.constant 16 : i32
      %mul3A_493 = arith.muli %scan3A_491, %mul3A_492 : i32
      %get3A_494 = arith.constant 1 : i32
      %get3A_495 = arith.index_cast %get3A_494 : i32 to index
      %get3A_496 = arith.index_cast %mul3A_493 : i32 to index
      %get3A_497 = tpu.vector_load %arg5[%get3A_495, %get3A_496] {strides = array<i32>} : memref<2x4608xf32, #tpu.memory_space<vmem>>, vector<1x16xf32>,
      %get3A_498 = vector.shape_cast %get3A_497 : vector<1x16xf32> to vector<16xf32>
      %mul3A_499 = arith.constant 16 : i32
      %mul3A_500 = arith.muli %scan3A_491, %mul3A_499 : i32
      %get3A_501 = arith.constant 1 : i32
      %get3A_502 = arith.index_cast %get3A_501 : i32 to index
      %get3A_503 = arith.index_cast %mul3A_500 : i32 to index
      %get3A_504 = tpu.vector_load %arg6[%get3A_502, %get3A_503] {strides = array<i32>} : memref<2x4608xi32, #tpu.memory_space<vmem>>, vector<1x16xi32>,
      %get3A_505 = vector.shape_cast %get3A_504 : vector<1x16xi32> to vector<16xi32>
      %gt3A_506 = arith.constant 5.000000e-01 : f32
      %gt3A_507 = vector.broadcast %gt3A_506 : f32 to vector<16xf32>
      %gt3A_508 = arith.cmpf ogt, %get3A_498, %gt3A_507 : vector<16xf32>
      %jit3A_509 = arith.constant 1 : i32
      %jit3A_510 = arith.constant 0 : i32
      %broadcast_in_dim3A_511 = vector.broadcast %jit3A_509 : i32 to vector<16xi32>
      %broadcast_in_dim3A_512 = vector.broadcast %jit3A_510 : i32 to vector<16xi32>
      %select_n3A_513 = arith.select %gt3A_508, %broadcast_in_dim3A_511, %broadcast_in_dim3A_512 : vector<16xi1>, vector<16xi32>
      %add3A_514 = arith.addi %add3A_487, %select_n3A_513 : vector<16xi32>
      %select_n3A_515 = arith.select %gt3A_508, %get3A_505, %broadcast_in_dim3A_3 : vector<16xi1>, vector<16xi32>
      %add3A_516 = arith.addi %add3A_489, %select_n3A_515 : vector<16xi32>
      %scan3A_517 = arith.constant 12 : i32
      %scan3A_518 = arith.addi %scan3A_196, %scan3A_517 : i32
      %mul3A_519 = arith.constant 16 : i32
      %mul3A_520 = arith.muli %scan3A_518, %mul3A_519 : i32
      %get3A_521 = arith.constant 1 : i32
      %get3A_522 = arith.index_cast %get3A_521 : i32 to index
      %get3A_523 = arith.index_cast %mul3A_520 : i32 to index
      %get3A_524 = tpu.vector_load %arg5[%get3A_522, %get3A_523] {strides = array<i32>} : memref<2x4608xf32, #tpu.memory_space<vmem>>, vector<1x16xf32>,
      %get3A_525 = vector.shape_cast %get3A_524 : vector<1x16xf32> to vector<16xf32>
      %mul3A_526 = arith.constant 16 : i32
      %mul3A_527 = arith.muli %scan3A_518, %mul3A_526 : i32
      %get3A_528 = arith.constant 1 : i32
      %get3A_529 = arith.index_cast %get3A_528 : i32 to index
      %get3A_530 = arith.index_cast %mul3A_527 : i32 to index
      %get3A_531 = tpu.vector_load %arg6[%get3A_529, %get3A_530] {strides = array<i32>} : memref<2x4608xi32, #tpu.memory_space<vmem>>, vector<1x16xi32>,
      %get3A_532 = vector.shape_cast %get3A_531 : vector<1x16xi32> to vector<16xi32>
      %gt3A_533 = arith.constant 5.000000e-01 : f32
      %gt3A_534 = vector.broadcast %gt3A_533 : f32 to vector<16xf32>
      %gt3A_535 = arith.cmpf ogt, %get3A_525, %gt3A_534 : vector<16xf32>
      %jit3A_536 = arith.constant 1 : i32
      %jit3A_537 = arith.constant 0 : i32
      %broadcast_in_dim3A_538 = vector.broadcast %jit3A_536 : i32 to vector<16xi32>
      %broadcast_in_dim3A_539 = vector.broadcast %jit3A_537 : i32 to vector<16xi32>
      %select_n3A_540 = arith.select %gt3A_535, %broadcast_in_dim3A_538, %broadcast_in_dim3A_539 : vector<16xi1>, vector<16xi32>
      %add3A_541 = arith.addi %add3A_514, %select_n3A_540 : vector<16xi32>
      %select_n3A_542 = arith.select %gt3A_535, %get3A_532, %broadcast_in_dim3A_3 : vector<16xi1>, vector<16xi32>
      %add3A_543 = arith.addi %add3A_516, %select_n3A_542 : vector<16xi32>
      %scan3A_544 = arith.constant 13 : i32
      %scan3A_545 = arith.addi %scan3A_196, %scan3A_544 : i32
      %mul3A_546 = arith.constant 16 : i32
      %mul3A_547 = arith.muli %scan3A_545, %mul3A_546 : i32
      %get3A_548 = arith.constant 1 : i32
      %get3A_549 = arith.index_cast %get3A_548 : i32 to index
      %get3A_550 = arith.index_cast %mul3A_547 : i32 to index
      %get3A_551 = tpu.vector_load %arg5[%get3A_549, %get3A_550] {strides = array<i32>} : memref<2x4608xf32, #tpu.memory_space<vmem>>, vector<1x16xf32>,
      %get3A_552 = vector.shape_cast %get3A_551 : vector<1x16xf32> to vector<16xf32>
      %mul3A_553 = arith.constant 16 : i32
      %mul3A_554 = arith.muli %scan3A_545, %mul3A_553 : i32
      %get3A_555 = arith.constant 1 : i32
      %get3A_556 = arith.index_cast %get3A_555 : i32 to index
      %get3A_557 = arith.index_cast %mul3A_554 : i32 to index
      %get3A_558 = tpu.vector_load %arg6[%get3A_556, %get3A_557] {strides = array<i32>} : memref<2x4608xi32, #tpu.memory_space<vmem>>, vector<1x16xi32>,
      %get3A_559 = vector.shape_cast %get3A_558 : vector<1x16xi32> to vector<16xi32>
      %gt3A_560 = arith.constant 5.000000e-01 : f32
      %gt3A_561 = vector.broadcast %gt3A_560 : f32 to vector<16xf32>
      %gt3A_562 = arith.cmpf ogt, %get3A_552, %gt3A_561 : vector<16xf32>
      %jit3A_563 = arith.constant 1 : i32
      %jit3A_564 = arith.constant 0 : i32
      %broadcast_in_dim3A_565 = vector.broadcast %jit3A_563 : i32 to vector<16xi32>
      %broadcast_in_dim3A_566 = vector.broadcast %jit3A_564 : i32 to vector<16xi32>
      %select_n3A_567 = arith.select %gt3A_562, %broadcast_in_dim3A_565, %broadcast_in_dim3A_566 : vector<16xi1>, vector<16xi32>
      %add3A_568 = arith.addi %add3A_541, %select_n3A_567 : vector<16xi32>
      %select_n3A_569 = arith.select %gt3A_562, %get3A_559, %broadcast_in_dim3A_3 : vector<16xi1>, vector<16xi32>
      %add3A_570 = arith.addi %add3A_543, %select_n3A_569 : vector<16xi32>
      %scan3A_571 = arith.constant 14 : i32
      %scan3A_572 = arith.addi %scan3A_196, %scan3A_571 : i32
      %mul3A_573 = arith.constant 16 : i32
      %mul3A_574 = arith.muli %scan3A_572, %mul3A_573 : i32
      %get3A_575 = arith.constant 1 : i32
      %get3A_576 = arith.index_cast %get3A_575 : i32 to index
      %get3A_577 = arith.index_cast %mul3A_574 : i32 to index
      %get3A_578 = tpu.vector_load %arg5[%get3A_576, %get3A_577] {strides = array<i32>} : memref<2x4608xf32, #tpu.memory_space<vmem>>, vector<1x16xf32>,
      %get3A_579 = vector.shape_cast %get3A_578 : vector<1x16xf32> to vector<16xf32>
      %mul3A_580 = arith.constant 16 : i32
      %mul3A_581 = arith.muli %scan3A_572, %mul3A_580 : i32
      %get3A_582 = arith.constant 1 : i32
      %get3A_583 = arith.index_cast %get3A_582 : i32 to index
      %get3A_584 = arith.index_cast %mul3A_581 : i32 to index
      %get3A_585 = tpu.vector_load %arg6[%get3A_583, %get3A_584] {strides = array<i32>} : memref<2x4608xi32, #tpu.memory_space<vmem>>, vector<1x16xi32>,
      %get3A_586 = vector.shape_cast %get3A_585 : vector<1x16xi32> to vector<16xi32>
      %gt3A_587 = arith.constant 5.000000e-01 : f32
      %gt3A_588 = vector.broadcast %gt3A_587 : f32 to vector<16xf32>
      %gt3A_589 = arith.cmpf ogt, %get3A_579, %gt3A_588 : vector<16xf32>
      %jit3A_590 = arith.constant 1 : i32
      %jit3A_591 = arith.constant 0 : i32
      %broadcast_in_dim3A_592 = vector.broadcast %jit3A_590 : i32 to vector<16xi32>
      %broadcast_in_dim3A_593 = vector.broadcast %jit3A_591 : i32 to vector<16xi32>
      %select_n3A_594 = arith.select %gt3A_589, %broadcast_in_dim3A_592, %broadcast_in_dim3A_593 : vector<16xi1>, vector<16xi32>
      %add3A_595 = arith.addi %add3A_568, %select_n3A_594 : vector<16xi32>
      %select_n3A_596 = arith.select %gt3A_589, %get3A_586, %broadcast_in_dim3A_3 : vector<16xi1>, vector<16xi32>
      %add3A_597 = arith.addi %add3A_570, %select_n3A_596 : vector<16xi32>
      %scan3A_598 = arith.constant 15 : i32
      %scan3A_599 = arith.addi %scan3A_196, %scan3A_598 : i32
      %mul3A_600 = arith.constant 16 : i32
      %mul3A_601 = arith.muli %scan3A_599, %mul3A_600 : i32
      %get3A_602 = arith.constant 1 : i32
      %get3A_603 = arith.index_cast %get3A_602 : i32 to index
      %get3A_604 = arith.index_cast %mul3A_601 : i32 to index
      %get3A_605 = tpu.vector_load %arg5[%get3A_603, %get3A_604] {strides = array<i32>} : memref<2x4608xf32, #tpu.memory_space<vmem>>, vector<1x16xf32>,
      %get3A_606 = vector.shape_cast %get3A_605 : vector<1x16xf32> to vector<16xf32>
      %mul3A_607 = arith.constant 16 : i32
      %mul3A_608 = arith.muli %scan3A_599, %mul3A_607 : i32
      %get3A_609 = arith.constant 1 : i32
      %get3A_610 = arith.index_cast %get3A_609 : i32 to index
      %get3A_611 = arith.index_cast %mul3A_608 : i32 to index
      %get3A_612 = tpu.vector_load %arg6[%get3A_610, %get3A_611] {strides = array<i32>} : memref<2x4608xi32, #tpu.memory_space<vmem>>, vector<1x16xi32>,
      %get3A_613 = vector.shape_cast %get3A_612 : vector<1x16xi32> to vector<16xi32>
      %gt3A_614 = arith.constant 5.000000e-01 : f32
      %gt3A_615 = vector.broadcast %gt3A_614 : f32 to vector<16xf32>
      %gt3A_616 = arith.cmpf ogt, %get3A_606, %gt3A_615 : vector<16xf32>
      %jit3A_617 = arith.constant 1 : i32
      %jit3A_618 = arith.constant 0 : i32
      %broadcast_in_dim3A_619 = vector.broadcast %jit3A_617 : i32 to vector<16xi32>
      %broadcast_in_dim3A_620 = vector.broadcast %jit3A_618 : i32 to vector<16xi32>
      %select_n3A_621 = arith.select %gt3A_616, %broadcast_in_dim3A_619, %broadcast_in_dim3A_620 : vector<16xi1>, vector<16xi32>
      %add3A_622 = arith.addi %add3A_595, %select_n3A_621 : vector<16xi32>
      %select_n3A_623 = arith.select %gt3A_616, %get3A_613, %broadcast_in_dim3A_3 : vector<16xi1>, vector<16xi32>
      %add3A_624 = arith.addi %add3A_597, %select_n3A_623 : vector<16xi32>
      scf.yield %add3A_622, %add3A_624 : vector<16xi32>, vector<16xi32>
    }
    %scan3A_184 = arith.constant 288 : i32
    %swap3A = arith.constant 0 : i32
    %swap3A_185 = arith.index_cast %swap3A : i32 to index
    %swap3A_186 = arith.constant 0 : index
    %swap3A_187 = tpu.vector_load %arg7[%swap3A_185, %swap3A_186] {strides = array<i32>} : memref<2x16xi32, #tpu.memory_space<vmem>>, vector<1x16xi32>,
    %swap3A_188 = vector.shape_cast %swap3A_187 : vector<1x16xi32> to vector<16xi32>
    %swap3A_189 = vector.shape_cast %scan3A_183#0 : vector<16xi32> to vector<1x16xi32>
    tpu.vector_store %arg7[%swap3A_185, %swap3A_186], %swap3A_189 {strides = array<i32>} : memref<2x16xi32, #tpu.memory_space<vmem>>, vector<1x16xi32>,
    %swap3A_190 = arith.constant 1 : i32
    %swap3A_191 = arith.index_cast %swap3A_190 : i32 to index
    %swap3A_192 = arith.constant 0 : index
    %swap3A_193 = tpu.vector_load %arg7[%swap3A_191, %swap3A_192] {strides = array<i32>} : memref<2x16xi32, #tpu.memory_space<vmem>>, vector<1x16xi32>,
    %swap3A_194 = vector.shape_cast %swap3A_193 : vector<1x16xi32> to vector<16xi32>
    %swap3A_195 = vector.shape_cast %scan3A_183#1 : vector<16xi32> to vector<1x16xi32>
    tpu.vector_store %arg7[%swap3A_191, %swap3A_192], %swap3A_195 {strides = array<i32>} : memref<2x16xi32, #tpu.memory_space<vmem>>, vector<1x16xi32>,
    "tpu.region"() ({
      %run_scoped3A = tpu.sem_alloc : memref<!tpu.dma_semaphore, #tpu.memory_space<semaphore_mem>>
      %dma_start3A_196 = arith.constant 0 : i32
      %dma_start3A_197 = arith.constant 0 : i32
      %dma_start3A_198 = tpu.memref_slice %arg4[%add3A, %dma_start3A_196, %dma_start3A_197] : memref<32x2x16xi32, #tpu.memory_space<hbm>> -> memref<1x2x16xi32, #tpu.memory_space<hbm>>
      %dma_start3A_199 = tpu.memref_squeeze %dma_start3A_198 : memref<1x2x16xi32, #tpu.memory_space<hbm>> -> memref<2x16xi32, #tpu.memory_space<hbm>>
      %dma_start3A_200 = arith.constant 0 : i32
      %dma_start3A_201 = arith.constant 0 : i32
      %dma_start3A_202 = tpu.memref_slice %arg4[%add3A, %dma_start3A_200, %dma_start3A_201] : memref<32x2x16xi32, #tpu.memory_space<hbm>> -> memref<1x2x16xi32, #tpu.memory_space<hbm>>
      %dma_start3A_203 = tpu.memref_squeeze %dma_start3A_202 : memref<1x2x16xi32, #tpu.memory_space<hbm>> -> memref<2x16xi32, #tpu.memory_space<hbm>>
      tpu.enqueue_dma source(%arg7 : memref<2x16xi32, #tpu.memory_space<vmem>>) target(%dma_start3A_203 : memref<2x16xi32, #tpu.memory_space<hbm>>) target_semaphore(%run_scoped3A : memref<!tpu.dma_semaphore, #tpu.memory_space<semaphore_mem>>)
      %dma_wait3A_204 = arith.constant 0 : i32
      %dma_wait3A_205 = arith.constant 0 : i32
      %dma_wait3A_206 = tpu.memref_slice %arg4[%add3A, %dma_wait3A_204, %dma_wait3A_205] : memref<32x2x16xi32, #tpu.memory_space<hbm>> -> memref<1x2x16xi32, #tpu.memory_space<hbm>>
      %dma_wait3A_207 = tpu.memref_squeeze %dma_wait3A_206 : memref<1x2x16xi32, #tpu.memory_space<hbm>> -> memref<2x16xi32, #tpu.memory_space<hbm>>
      %dma_wait3A_208 = arith.constant 0 : i32
      %dma_wait3A_209 = arith.constant 0 : i32
      %dma_wait3A_210 = tpu.memref_slice %arg4[%add3A, %dma_wait3A_208, %dma_wait3A_209] : memref<32x2x16xi32, #tpu.memory_space<hbm>> -> memref<1x2x16xi32, #tpu.memory_space<hbm>>
      %dma_wait3A_211 = tpu.memref_squeeze %dma_wait3A_210 : memref<1x2x16xi32, #tpu.memory_space<hbm>> -> memref<2x16xi32, #tpu.memory_space<hbm>>
      tpu.wait_dma2 semaphore(%run_scoped3A : memref<!tpu.dma_semaphore, #tpu.memory_space<semaphore_mem>>) src(%arg7 : memref<2x16xi32, #tpu.memory_space<vmem>>) dst(%dma_wait3A_211 : memref<2x16xi32, #tpu.memory_space<hbm>>)
      tpu.yield
    }) : () -> ()
    return
  }
}

</mosaic_0001>

<sc_bundles>
// kernel: kernel.3.cloned.1.call-start
scs
__scs_entry_jumppad:
0x0: {  	(pc) =	sbr.rel $0x88, $3  }
0x1: {  	(tag) =	ssettag $0x0;
	lr =	simm.s32 $0x1  }
0x2: {  	[smem:$0x3F9F] =	sst lr;
	_ =	strace $0xD0000000  }
0x3: {  	_ = 	snop  }
0x4: {  	_ = 	snop  }
0x5: {  	_ = 	snop  }
0x6: {  	_ = 	snop  }
0x7: {  	_ = 	snop  }
__scs_overlays_trampoline_lowered:
0x8: {  	[smem:$0x3FAE] =	sst s0  }
0x9: {  	[smem:$0x3FAF] =	sst s1  }
0xa: {  	[smem:$0x3FB0] =	sst s2  }
0xb: {  	[smem:$0x3FB1] =	sst s3  }
0xc: {  	[smem:$0x3FB2] =	sst s4  }
0xd: {  	[smem:$0x3FB3] =	sst s5  }
0xe: {  	[smem:$0x3FB4] =	sst s6  }
0xf: {  	[smem:$0x3FB5] =	sst s7  }
0x10: {  	[smem:$0x3FB6] =	sst s8  }
0x11: {  	[smem:$0x3FB7] =	sst s9;
	s0 =	simm.s32 @!p0 $0x0  }
0x12: {  	s1 =	sld [smem:$0x3F9D];
	s0 =	simm.s32 @p0 $0x1  }
0x13: {  	[smem:$0x3FB8] =	sst s0;
	s0 =	simm.s32 @!p1 $0x0  }
0x14: {  	s2 =	sld [smem:$0x3F9C];
	s0 =	simm.s32 @p1 $0x1  }
0x15: {  	[smem:$0x3FB9] =	sst s0;
	s0 =	simm.s32 @!p2 $0x0  }
0x16: {  	s3 =	sld [smem:$0x3FDB];
	s0 =	simm.s32 @p2 $0x1  }
0x17: {  	s4 =	simm.s32 $0x1BF5;
	[smem:$0x3FBB] =	sst s0  }
0x18: {  	s0 =	sld [smem:$0x3F9E];
	_ =	swait.ge [sflag:s4], $0x0  }
0x19: {  	s7 =	sld [smem:$0x3F9F]  }
0x1a: {  	s8 =	sadd.s32 $0xFFFFE003, lr  }
0x1b: {  	s9 =	sadd.s32 $0xFFFFFEF7, lr;
	s5 =	simm.s32 $0xFFFFFFFF;
	p2 =	slt.u32 s8, $0xFFFFF086  }
0x1c: {  	p1 =	slt.u32 s9, $0xF7A;
	s5 =	simm.s32 @!p2 $0x0  }
0x1d: {  	s5 =	simm.s32 @p1 $0x1;
	p0 =	seq.s32 s7, s2  }
0x1e: {  	s7 =	smul.u32 @!p0 $0xF7A, s2;
	p2 =	seq.s32 @!p0 s5, $0x0  }
0x1f: {  	s9 =	smul.u32 $0xF7A, s1;
	s8 =	simm.s32 @!p0 $0x1BF5;
	p2 =	por !p2, p0  }
0x20: {  	[sflag:s8] =	ssyncset.s32 @!p0 $0xFFFFF086;
	s6 =	sadd.s32 @!p0 s3, s7;
	s7 =	simm.s32 @!p0 $0x108  }
0x21: {  	s3 =	sadd.s32 s3, s9;
	s6 =	sadd.s32 @!p0 $0x88, s6;
	s7 =	simm.s32 @p2 $0x1082  }
0x22: {  	[simem:s7], [sflag:s8] =	dma.local @!p0 [hbm:s6], $0xF7A  }
0x23: {  	s9 =	sor.u32 $0xD0000000, s2;
	s6 =	simm.s32 $0x108;
	_ =	swait.ge @!p0 [sflag:s8], $0x0  }
0x24: {  	s3 =	sadd.s32 $0x88, s3;
	s6 =	simm.s32 @!p1 $0x1082;
	[sflag:s4] =	ssyncset.s32 $0xFFFFF086  }
0x25: {  	[simem:s6], [sflag:s4] =	dma.local [hbm:s3], $0xF7A  }
0x26: {  	[smem:$0x3F9F] =	sst s1;
	(tag) =	ssettag s2;
	_ =	strace s9  }
0x27: {  	s1 =	sld [smem:$0x3FAF]  }
0x28: {  	s2 =	sld [smem:$0x3FB0]  }
0x29: {  	s4 =	sld [smem:$0x3FB2]  }
0x2a: {  	p0 =	seq.s32 s5, $0x0;
	s5 =	sld [smem:$0x3FB3]  }
0x2b: {  	s6 =	sld [smem:$0x3FB4]  }
0x2c: {  	s7 =	sld [smem:$0x3FB5]  }
0x2d: {  	s3 =	simm.s32 $0x108;
	s8 =	sld [smem:$0x3FB6]  }
0x2e: {  	s3 =	simm.s32 @!p0 $0x1082;
	s9 =	sld [smem:$0x3FB7]  }
0x2f: {  	lr =	sadd.s32 s0, s3;
	s0 =	sld [smem:$0x3FAE]  }
0x30: {  	s3 =	sld [smem:$0x3FB1]  }
0x31: {  	[smem:$0x3FBA] =	sst s10  }
0x32: {  	s10 =	sld [smem:$0x3FB8];
	_ =	sdelay $0x3  }
0x33: {  	p0 =	seq.s32 s10, $0x1;
	s10 =	sld [smem:$0x3FBA];
	_ =	sdelay $0x3  }
0x34: {  	[smem:$0x3FBA] =	sst s10  }
0x35: {  	s10 =	sld [smem:$0x3FB9];
	_ =	sdelay $0x3  }
0x36: {  	p1 =	seq.s32 s10, $0x1;
	s10 =	sld [smem:$0x3FBA];
	_ =	sdelay $0x3  }
0x37: {  	[smem:$0x3FBA] =	sst s10  }
0x38: {  	s10 =	sld [smem:$0x3FBB]  }
0x39: {  	_ = 	snop;
	(pc) =	sbr.ind lr, $3  }
0x3a: {  	_ = 	snop  }
0x3b: {  	_ = 	snop  }
0x3c: {  	p2 =	seq.s32 s10, $0x1;
	s10 =	sld [smem:$0x3FBA]  }
0x3d: {  	_ =	shalt  }
0x3e: {  	_ =	shalt  }
0x3f: {  	_ =	shalt  }
0x40: {  	_ =	shalt  }
0x41: {  	_ =	shalt  }
0x42: {  	_ =	shalt  }
0x43: {  	_ =	shalt  }
0x44: {  	_ =	shalt  }
0x45: {  	_ =	shalt  }
0x46: {  	_ =	shalt  }
0x47: {  	_ =	shalt  }
0x48: {  	_ =	shalt  }
0x49: {  	_ =	shalt  }
0x4a: {  	_ =	shalt  }
0x4b: {  	_ =	shalt  }
0x4c: {  	_ =	shalt  }
0x4d: {  	_ =	shalt  }
0x4e: {  	_ =	shalt  }
0x4f: {  	_ =	shalt  }
0x50: {  	_ =	shalt  }
0x51: {  	_ =	shalt  }
0x52: {  	_ =	shalt  }
0x53: {  	_ =	shalt  }
0x54: {  	_ =	shalt  }
0x55: {  	_ =	shalt  }
0x56: {  	_ =	shalt  }
0x57: {  	_ =	shalt  }
0x58: {  	_ =	shalt  }
0x59: {  	_ =	shalt  }
0x5a: {  	_ =	shalt  }
0x5b: {  	_ =	shalt  }
0x5c: {  	_ =	shalt  }
0x5d: {  	_ =	shalt  }
0x5e: {  	_ =	shalt  }
0x5f: {  	_ =	shalt  }
0x60: {  	_ =	shalt  }
0x61: {  	_ =	shalt  }
0x62: {  	_ =	shalt  }
0x63: {  	_ =	shalt  }
0x64: {  	_ =	shalt  }
0x65: {  	_ =	shalt  }
0x66: {  	_ =	shalt  }
0x67: {  	_ =	shalt  }
0x68: {  	_ =	shalt  }
0x69: {  	_ =	shalt  }
0x6a: {  	_ =	shalt  }
0x6b: {  	_ =	shalt  }
0x6c: {  	_ =	shalt  }
0x6d: {  	_ =	shalt  }
0x6e: {  	_ =	shalt  }
0x6f: {  	_ =	shalt  }
0x70: {  	_ =	shalt  }
0x71: {  	_ =	shalt  }
0x72: {  	_ =	shalt  }
0x73: {  	_ =	shalt  }
0x74: {  	_ =	shalt  }
0x75: {  	_ =	shalt  }
0x76: {  	_ =	shalt  }
0x77: {  	_ =	shalt  }
0x78: {  	_ =	shalt  }
0x79: {  	_ =	shalt  }
0x7a: {  	_ =	shalt  }
0x7b: {  	_ =	shalt  }
0x7c: {  	_ =	shalt  }
0x7d: {  	_ =	shalt  }
0x7e: {  	_ =	shalt  }
0x7f: {  	_ =	shalt  }
0x80: {  	_ =	shalt  }
0x81: {  	_ =	shalt  }
0x82: {  	_ =	shalt  }
0x83: {  	_ =	shalt  }
0x84: {  	_ =	shalt  }
0x85: {  	_ =	shalt  }
0x86: {  	_ =	shalt  }
0x87: {  	_ =	shalt  }
.Lfunc_end0:
.L_simem_size_0:
called_computation_lowered:
.L_overlay_start_0:
0x88: {  	s2 =	sld [smem:$0x3FD9]  }
0x89: {  	s3 =	sld [smem:$0x3FFE];
	_ =	sdelay $0x1  }
0x8a: {  	s1 =	srdreg.scid  }
0x8b: {  	s0 =	sand.u32 $0x1, s1  }
0x8c: {  	s16 =	sshll.u32 s0, $0xA;
	s2 =	sadd.s32 s3, s2  }
0x8d: {  	s2 =	sadd.s32 s2, s16  }
0x8e: {  	[smem:$0x3FC6] =	sst s2  }
0x8f: {  	_ = 	snop  }
0x90: {  	(tm) =	ssettm $0x1  }
0x91: {  	s17 =	sld [smem:$0x3FFB];
	_ =	sdelay $0x3  }
0x92: {  	_ =	strace s17  }
0x93: {  	s2 =	sld [smem:$0x3FFC];
	_ =	sdelay $0x3  }
0x94: {  	_ =	strace s2  }
0x95: {  	s2 =	sld [smem:$0x3FFD];
	_ =	sdelay $0x3  }
0x96: {  	_ =	strace s2  }
0x97: {  	_ =	strace $0x8FFFFFFF  }
0x98: {  	s18 =	sld [smem:$0x3FDB];
	_ =	sdelay $0x1  }
0x99: {  	s19 =	simm.s32 $_scs_section_size  }
0x9a: {  	s4 =	simm.s32 $_size__tile_overlayer_lowered;
	s5 =	simm.s32 $_tile_overlayer_lowered  }
0x9b: {  	s22 =	simm.s32 $0x1BFF;
	s21 =	sshll.u32 s5, $0x1;
	s2 =	sadd.s32 s19, s18  }
0x9c: {  	s6 =	simm.s32 $0x0;
	s20 =	sshll.u32 s4, $0x1;
	s4 =	sadd.s32 s21, s2  }
0x9d: {  	[timem:s6], [sflag:s22] =	dma.local [hbm:s4], s20  }
0x9e: {  	_ =	swait.ge [sflag:s22], s20  }
0x9f: {  	s3 =	ssub.s32 $0x0, s20;
	[sflag:s22] =	ssyncset.done $0x0  }
0xa0: {  	[sflag:s22] =	ssyncadd.s32 s3;
	_ =	sdelay $0x1  }
0xa1: {  	s23 =	simm.s32 $0x1B8B  }
0xa2: {  	_ =	swait.ge [sflag:s23], $0x1  }
0xa3: {  	[sflag:s23] =	ssyncset.done $0x0  }
0xa4: {  	s25 =	simm.s32 $0x1B8E;
	s24 =	sld [smem:$0x3FFE];
	[sflag:s23] =	ssyncadd.s32 $0xFFFFFFFF  }
0xa5: {  	s26 =	simm.s32 $execute0_lowered;
	[smem:$0x3FD2] =	sst s25  }
0xa6: {  	s4 =	sshll.u32 s26, $0x1;
	_ =	strace $0x80000046;
	[dreg:$0x1] =	wrdreg $0xFFFFFFFF  }
0xa7: {  	s28 =	simm.s32 $_size_execute0_lowered;
	s2 =	sadd.s32 s2, s4;
	[dreg:$0x0] =	wrdreg $0x0  }
0xa8: {  	s4 =	sshll.u32 s28, $0x1;
	[dreg:$0x2] =	wrdreg s2  }
0xa9: {  	[dreg:$0x3] =	wrdreg s4  }
0xaa: {  	[dreg:$0x4] =	wrdreg $0xC0  }
0xab: {  	_ =	task [dreg:s6], $0x5FFFF  }
0xac: {  	[dreg:$0x1] =	wrdreg $0xFFFFFFFF  }
0xad: {  	[dreg:$0x0] =	wrdreg $0x60  }
0xae: {  	[dreg:$0x2] =	wrdreg s24  }
0xaf: {  	[dreg:$0x3] =	wrdreg $0x9  }
0xb0: {  	_ =	task.clear_ibuf [dreg:s6], $0x4FFFF;
	_ =	strace $0x90000046  }
0xb1: {  	s29 =	simm.s32 $0x9;
	_ =	strace $0x80000048  }
0xb2: {  	_ =	swait.ge [sflag:s29], $0x1  }
0xb3: {  	[sflag:s29] =	ssyncadd.s32 $0xFFFFFFFF  }
0xb4: {  	_ =	strace $0x90000048  }
0xb5: {  	_ =	sfence  }
0xb6: {  	s30 =	sld [smem:$0x0];
	_ =	sdelay $0x2  }
0xb7: {  	s31 =	sshll.u32 s1, $0xD;
	s1 =	sshrl.u32 s1, $0x2  }
0xb8: {  	s3 =	sand.u32 $0x4000, s31;
	s1 =	sadd.s32 s1, s30  }
0xb9: {  	s0 =	sor.u32 s3, s0;
	s1 =	sshll.u32 s1, $0x11  }
0xba: {  	s0 =	sor.u32 s1, s0  }
0xbb: {  	s0 =	sadd.s32 $0x8F2B, s0  }
0xbc: {  	[sflag:s0] =	ssyncadd.remote.s32 $0x1  }
0xbd: {  	_ =	sfence.sel $0xFFFF  }
0xbe: {  	[dreg:$0x0] =	wrdreg $0xFFFFFFFF;
	(pc) =	sbr.abs _section_cstart, $3  }
0xbf: {  	[dreg:$0x1] =	wrdreg $0xFFFFFFFF  }
0xc0: {  	_ =	task.clear_ibuf [dreg:s6], $0x2FFFF;
	_ =	strace $0x9FFFFFFF  }
0xc1: {  	(tm) =	ssettm $0x7FFFFFFF  }
tec
execute0_lowered:
.L_overlay_start_1:
0x0: {  	(tag) =	ssettag $0x1  }
0x1: {  	s9 =	rddreg [dreg:$0x0]  }
0x2: {  	s0 =	rddreg [dreg:$0x1]  }
0x3: {  	s3 =	srdreg.scid;
	s1 =	stileid.u32;
	s2 =	simm.s32 $0x0  }
0x4: {  	s15 =	simm.s32 $0x2;
	s16 =	simm.s32 $0x4;
	s17 =	simm.s32 $0x4800  }
0x5: {  	s18 =	simm.s32 $0x5;
	s3 =	sand.u32 $0x1, s3;
	s4 =	sshll.u32 s1, $0x1  }
0x6: {  	s19 =	simm.s32 $0x0;
	[smem:$0x7FF] =	sst s2;
	s4 =	sor.u32 s3, s4  }
0x7: {  	s10 =	sadd.s32 $0x12000, s9;
	s3 =	ssub.s32 $0x2, s3;
	s5 =	smul.u32 $0x4800, s4  }
0x8: {  	_ =	strace $0x80000047;
	s4 =	sshll.u32 s4, $0x5;
	s31 =	sshrl.u32 s3, $0x1  }
0x9: {  	s11 =	sadd.s32 s4, s9;
	s12 =	ssub.s32 s3, s31;
	s8 =	sshrl.u32 s5, $0x3  }
0xa: {  	s11 =	sadd.s32 $0x24000, s11;
	s12 =	smax.u32 s12, $0x1;
	s3 =	sadd.s32 s9, s8  }
0xb: {  	s6 =	sadd.s32 $0x240, s8;
	s4 =	sadd.s32 s10, s8;
	s13 =	sadd.s32 $0x480, s8  }
0xc: {  	s14 =	sadd.s32 $0x6C0, s8;
	s5 =	sadd.s32 s9, s6;
	s6 =	sadd.s32 s10, s6  }
0xd: {  	s7 =	sadd.s32 s9, s13;
	s8 =	sadd.s32 s10, s13;
	s9 =	sadd.s32 s9, s14  }
0xe: {  	v0 =	vimm.s32 $0x0;
	s10 =	sadd.s32 s10, s14;
	s13 =	simm.s32 $0x1;
	s14 =	simm.s32 $0x3  }
.LBB2_1:
0xf: {  	s20 =	simm.s32 $0x10  }
0x10: {  	s23 =	sadd.s32 $0x0, s3;
	s21 =	simm.s32 $0x100;
	s22 =	simm.s32 $0x0  }
.LBB2_2:
0x11: {  	[tilespmem:s22], [sflag:$0x1] =	stream.linear.gather [hbm4b:s23+s2], $0x80, $0x38;
	[tilespmem:$0x4900] =	vst v63  }
0x12: {  	s23 =	smov.u32 s20;
	s22 =	smov.u32 s21;
	p0 =	sne.s32 s20, $0x230  }
.Ltmp0:
0x13: {  	s20 =	sadd.s32 $0x10, s20;
	(pc) =	sbr.rel @p0 .LBB2_2-.Ltmp0, $2  }
0x14: {  	_ =	sdelay $0x2  }
0x15: {  	s21 =	sadd.s32 $0x100, s21;
	s23 =	sadd.s32 s23, s3  }
0x16: {  	[tilespmem:s22], [sflag:$0x1] =	stream.linear.gather [hbm4b:s23+s2], $0x80, $0x38;
	[tilespmem:$0x4900] =	vst v63  }
0x17: {  	s20 =	simm.s32 $0x2400  }
0x18: {  	s21 =	simm.s32 $0x10;
	s23 =	sadd.s32 $0x0, s4;
	s22 =	simm.s32 $0x2500  }
.LBB2_4:
0x19: {  	[tilespmem:s20], [sflag:$0x3] =	stream.linear.gather [hbm4b:s23+s2], $0x80, $0x38;
	[tilespmem:$0x4900] =	vst v63  }
0x1a: {  	s23 =	smov.u32 s21;
	s20 =	smov.u32 s22;
	p0 =	sne.s32 s21, $0x230  }
.Ltmp1:
0x1b: {  	s21 =	sadd.s32 $0x10, s21;
	(pc) =	sbr.rel @p0 .LBB2_4-.Ltmp1, $2  }
0x1c: {  	_ =	sdelay $0x2  }
0x1d: {  	s22 =	sadd.s32 $0x100, s22;
	s23 =	sadd.s32 s23, s4  }
0x1e: {  	[tilespmem:s20], [sflag:$0x3] =	stream.linear.gather [hbm4b:s23+s2], $0x80, $0x38;
	[tilespmem:$0x4900] =	vst v63  }
0x1f: {  	s20 =	simm.s32 $0x80  }
0x20: {  	s21 =	simm.s32 $0x10;
	s23 =	sadd.s32 $0x0, s5;
	s22 =	simm.s32 $0x180  }
.LBB2_6:
0x21: {  	[tilespmem:s20], [sflag:$0x2] =	stream.linear.gather [hbm4b:s23+s2], $0x80, $0x38;
	[tilespmem:$0x4900] =	vst v63  }
0x22: {  	s23 =	smov.u32 s21;
	s20 =	smov.u32 s22;
	p0 =	sne.s32 s21, $0x230  }
.Ltmp2:
0x23: {  	s21 =	sadd.s32 $0x10, s21;
	(pc) =	sbr.rel @p0 .LBB2_6-.Ltmp2, $2  }
0x24: {  	_ =	sdelay $0x2  }
0x25: {  	s22 =	sadd.s32 $0x100, s22;
	s23 =	sadd.s32 s23, s5  }
0x26: {  	[tilespmem:s20], [sflag:$0x2] =	stream.linear.gather [hbm4b:s23+s2], $0x80, $0x38;
	[tilespmem:$0x4900] =	vst v63  }
0x27: {  	s20 =	simm.s32 $0x2480  }
0x28: {  	s21 =	simm.s32 $0x10;
	s23 =	sadd.s32 $0x0, s6;
	s22 =	simm.s32 $0x2580  }
.LBB2_8:
0x29: {  	[tilespmem:s20], [sflag:$0x4] =	stream.linear.gather [hbm4b:s23+s2], $0x80, $0x38;
	[tilespmem:$0x4900] =	vst v63  }
0x2a: {  	s23 =	smov.u32 s21;
	s20 =	smov.u32 s22;
	p0 =	sne.s32 s21, $0x230  }
.Ltmp3:
0x2b: {  	s21 =	sadd.s32 $0x10, s21;
	(pc) =	sbr.rel @p0 .LBB2_8-.Ltmp3, $2  }
0x2c: {  	_ =	sdelay $0x2  }
0x2d: {  	s22 =	sadd.s32 $0x100, s22;
	s23 =	sadd.s32 s23, s6  }
0x2e: {  	[tilespmem:s20], [sflag:$0x4] =	stream.linear.gather [hbm4b:s23+s2], $0x80, $0x38;
	[tilespmem:$0x4900] =	vst v63  }
0x2f: {  	_ =	swait.ge [sflag:s13], $0x1200  }
0x30: {  	[sflag:s13] =	ssyncset.done $0x0  }
0x31: {  	[sflag:s13] =	ssyncadd.s32 $0xFFFFEE00  }
0x32: {  	_ =	swait.ge [sflag:s14], $0x1200  }
0x33: {  	[sflag:s14] =	ssyncset.done $0x0  }
0x34: {  	s21 =	simm.s32 $0x100;
	[sflag:s14] =	ssyncadd.s32 $0xFFFFEE00  }
0x35: {  	s20 =	simm.s32 $0x2500;
	v1 =	vld [tilespmem:s21+$0x30]  }
0x36: {  	v2 =	vld [tilespmem:s20+$0xFFFFFF00]  }
0x37: {  	v3 =	vld [tilespmem:s21+$0xFFFFFF00]  }
0x38: {  	v4 =	vld [tilespmem:s21+$0xFFFFFF10]  }
0x39: {  	v5 =	vld [tilespmem:s21+$0xFFFFFF20]  }
0x3a: {  	v6 =	vld [tilespmem:s21+$0xFFFFFF30]  }
0x3b: {  	v7 =	vld [tilespmem:s21+$0xFFFFFF40]  }
0x3c: {  	v8 =	vld [tilespmem:s21+$0xFFFFFF50]  }
0x3d: {  	v9 =	vld [tilespmem:s21+$0xFFFFFF60]  }
0x3e: {  	v11 =	vld [tilespmem:s21+$0x0]  }
0x3f: {  	v10 =	vld [tilespmem:s21+$0xFFFFFF70]  }
0x40: {  	v12 =	vld [tilespmem:s21+$0x20]  }
0x41: {  	v13 =	vimm.s32 $0x0;
	v15 =	vld [tilespmem:s20+$0xFFFFFF70];
	vm5 =	vgt.f32 v7, $5.000000000e-01;
	vm2 =	vgt.f32 v8, $5.000000000e-01  }
0x42: {  	v16 =	vld [tilespmem:s20+$0x0];
	vm6 =	vgt.f32 v6, $5.000000000e-01;
	vm3 =	vgt.f32 v9, $5.000000000e-01;
	vm1 =	vgt.f32 v1, $5.000000000e-01  }
0x43: {  	v7 =	vld [tilespmem:s20+$0xFFFFFF10];
	vm7 =	vgt.f32 v4, $5.000000000e-01;
	vm0 =	vgt.f32 v3, $5.000000000e-01;
	vm4 =	vgt.f32 v11, $5.000000000e-01  }
0x44: {  	v8 =	vld [tilespmem:s20+$0xFFFFFF20];
	vm8 =	vgt.f32 v5, $5.000000000e-01;
	vm9 =	vgt.f32 v10, $5.000000000e-01;
	v6 =	vsel vm5, $0x1, v0  }
0x45: {  	v9 =	vld [tilespmem:s20+$0xFFFFFF40];
	v1 =	vsel vm1, $0x1, v0;
	v3 =	vsel vm7, $0x1, v0;
	v2 =	vnsel vm0, $0x0, v2  }
0x46: {  	v4 =	vld [tilespmem:s20+$0xFFFFFF30];
	v10 =	vsel vm0, $0x1, v0;
	vm0 =	vgt.f32 v12, $5.000000000e-01;
	v12 =	vsel vm6, $0x1, v0  }
0x47: {  	v11 =	vld [tilespmem:s20+$0xFFFFFF60];
	v14 =	vsel vm3, $0x1, v0;
	v17 =	vsel vm4, $0x1, v0;
	v10 =	vadd.s32 v10, v13  }
0x48: {  	v5 =	vld [tilespmem:s20+$0xFFFFFF50];
	v2 =	vadd.s32 v13, v2;
	v13 =	vsel vm8, $0x1, v0;
	v3 =	vadd.s32 v3, v10  }
0x49: {  	v18 =	vsel vm9, $0x1, v0;
	v10 =	vld [tilespmem:s20+$0x20];
	v3 =	vadd.s32 v13, v3;
	v7 =	vnsel vm7, $0x0, v7  }
0x4a: {  	v13 =	vsel vm2, $0x1, v0;
	v2 =	vadd.s32 v7, v2;
	v7 =	vnsel vm5, $0x0, v9;
	v9 =	vld [tilespmem:s21+$0x10]  }
0x4b: {  	v19 =	vld [tilespmem:s20+$0x10];
	v8 =	vnsel vm8, $0x0, v8;
	v4 =	vnsel vm6, $0x0, v4;
	v3 =	vadd.s32 v12, v3  }
0x4c: {  	v3 =	vadd.s32 v6, v3;
	v2 =	vadd.s32 v8, v2;
	v8 =	vnsel vm3, $0x0, v11;
	v11 =	vld [tilespmem:s20+$0x30]  }
0x4d: {  	v5 =	vnsel vm2, $0x0, v5;
	v12 =	vld [tilespmem:s21+$0x40];
	v6 =	vadd.s32 v13, v3;
	v2 =	vadd.s32 v4, v2  }
0x4e: {  	v63 =	vld [tilespmem:s20+$0x40];
	v4 =	vnsel vm9, $0x0, v15;
	v10 =	vnsel vm0, $0x0, v10;
	v2 =	vadd.s32 v7, v2  }
0x4f: {  	v3 =	vld [tilespmem:s20+$0x50];
	v6 =	vadd.s32 v14, v6;
	v5 =	vadd.s32 v5, v2;
	vm2 =	vgt.f32 v9, $5.000000000e-01  }
0x50: {  	v7 =	vnsel vm4, $0x0, v16;
	v2 =	vld [tilespmem:s21+$0x50];
	v5 =	vadd.s32 v8, v5;
	v15 =	vsel vm2, $0x1, v0  }
0x51: {  	v8 =	vnsel vm2, $0x0, v19;
	v4 =	vadd.s32 v4, v5;
	v9 =	vnsel vm1, $0x0, v11;
	v5 =	vld [tilespmem:s21+$0x60]  }
0x52: {  	v11 =	vadd.s32 v18, v6;
	vm1 =	vgt.f32 v12, $5.000000000e-01;
	v6 =	vld [tilespmem:s20+$0x60];
	v4 =	vadd.s32 v7, v4  }
0x53: {  	v11 =	vadd.s32 v17, v11;
	v7 =	vld [tilespmem:s21+$0x70];
	v4 =	vadd.s32 v8, v4;
	v8 =	vsel vm1, $0x1, v0  }
0x54: {  	s22 =	simm.s32 $0x300;
	s21 =	simm.s32 $0x0;
	v11 =	vadd.s32 v15, v11;
	v12 =	vadd.s32 v10, v4;
	v10 =	vnsel vm1, $0x0, v63;
	v4 =	vld [tilespmem:s20+$0x70]  }
.LBB2_10:
0x55: {  	v13 =	vld [tilespmem:s22+$0x30];
	s21 =	sadd.s32 $0x10, s21;
	v14 =	vsel vm0, $0x1, v0;
	v9 =	vadd.s32 v9, v12;
	vm0 =	vgt.f32 v2, $5.000000000e-01;
	s20 =	sadd.s32 $0x200, s20  }
0x56: {  	v2 =	vld [tilespmem:s20+$0xFFFFFF00];
	p0 =	slt.u32 s21, $0x110;
	v11 =	vadd.s32 v14, v11;
	v12 =	vsel vm0, $0x1, v0;
	v3 =	vnsel vm0, $0x0, v3  }
0x57: {  	v9 =	vadd.s32 v10, v9;
	vm0 =	vgt.f32 v5, $5.000000000e-01;
	v14 =	vld [tilespmem:s22+$0xFFFFFF00];
	v1 =	vadd.s32 v1, v11  }
0x58: {  	v6 =	vnsel vm0, $0x0, v6;
	v5 =	vld [tilespmem:s22+$0xFFFFFF10];
	v1 =	vadd.s32 v8, v1;
	v8 =	vsel vm0, $0x1, v0  }
0x59: {  	v3 =	vadd.s32 v3, v9;
	vm0 =	vgt.f32 v7, $5.000000000e-01;
	v10 =	vld [tilespmem:s22+$0xFFFFFF20];
	v1 =	vadd.s32 v12, v1  }
0x5a: {  	v3 =	vadd.s32 v6, v3;
	v6 =	vsel vm0, $0x1, v0;
	v7 =	vld [tilespmem:s22+$0xFFFFFF30];
	v1 =	vadd.s32 v8, v1  }
0x5b: {  	v8 =	vld [tilespmem:s22+$0xFFFFFF40];
	v6 =	vadd.s32 v6, v1;
	v1 =	vnsel vm0, $0x0, v4  }
0x5c: {  	v4 =	vld [tilespmem:s22+$0xFFFFFF50];
	v3 =	vadd.s32 v1, v3  }
0x5d: {  	v1 =	vld [tilespmem:s22+$0xFFFFFF60]  }
0x5e: {  	v9 =	vld [tilespmem:s22+$0xFFFFFF70]  }
0x5f: {  	v11 =	vld [tilespmem:s22+$0x0]  }
0x60: {  	vm5 =	vgt.f32 v8, $5.000000000e-01;
	v8 =	vld [tilespmem:s22+$0x20]  }
0x61: {  	v12 =	vld [tilespmem:s20+$0xFFFFFF10];
	vm2 =	vgt.f32 v4, $5.000000000e-01  }
0x62: {  	vm1 =	vgt.f32 v13, $5.000000000e-01;
	vm7 =	vgt.f32 v7, $5.000000000e-01;
	v4 =	vld [tilespmem:s20+$0xFFFFFF20];
	vm3 =	vgt.f32 v1, $5.000000000e-01  }
0x63: {  	vm8 =	vgt.f32 v5, $5.000000000e-01;
	v7 =	vsel vm5, $0x1, v0;
	v1 =	vsel vm1, $0x1, v0;
	v5 =	vld [tilespmem:s20+$0xFFFFFF30]  }
0x64: {  	vm0 =	vgt.f32 v14, $5.000000000e-01;
	v13 =	vsel vm8, $0x1, v0;
	v14 =	vld [tilespmem:s20+$0xFFFFFF40];
	vm4 =	vgt.f32 v11, $5.000000000e-01  }
0x65: {  	v2 =	vnsel vm0, $0x0, v2;
	vm9 =	vgt.f32 v10, $5.000000000e-01;
	vm6 =	vgt.f32 v9, $5.000000000e-01;
	v10 =	vld [tilespmem:s20+$0xFFFFFF50]  }
0x66: {  	v2 =	vadd.s32 v3, v2;
	v9 =	vsel vm0, $0x1, v0;
	vm0 =	vgt.f32 v8, $5.000000000e-01;
	v3 =	vld [tilespmem:s20+$0xFFFFFF60]  }
0x67: {  	v11 =	vsel vm3, $0x1, v0;
	v8 =	vsel vm7, $0x1, v0;
	v4 =	vnsel vm9, $0x0, v4;
	v15 =	vld [tilespmem:s20+$0xFFFFFF70]  }
0x68: {  	v17 =	vsel vm4, $0x1, v0;
	v12 =	vnsel vm8, $0x0, v12;
	v5 =	vnsel vm7, $0x0, v5;
	v16 =	vld [tilespmem:s20+$0x0]  }
0x69: {  	v6 =	vadd.s32 v9, v6;
	v2 =	vadd.s32 v12, v2;
	v9 =	vnsel vm5, $0x0, v14;
	v12 =	vld [tilespmem:s22+$0x10]  }
0x6a: {  	v18 =	vsel vm6, $0x1, v0;
	v14 =	vsel vm9, $0x1, v0;
	v10 =	vnsel vm2, $0x0, v10;
	v19 =	vld [tilespmem:s20+$0x10]  }
0x6b: {  	v6 =	vadd.s32 v13, v6;
	v2 =	vadd.s32 v4, v2;
	v3 =	vnsel vm3, $0x0, v3;
	v4 =	vld [tilespmem:s20+$0x20]  }
0x6c: {  	v2 =	vadd.s32 v5, v2;
	v6 =	vadd.s32 v14, v6;
	v5 =	vnsel vm6, $0x0, v15;
	v13 =	vld [tilespmem:s20+$0x30]  }
0x6d: {  	v2 =	vadd.s32 v9, v2;
	v6 =	vadd.s32 v8, v6;
	v8 =	vnsel vm4, $0x0, v16;
	v14 =	vld [tilespmem:s22+$0x40]  }
0x6e: {  	v9 =	vsel vm2, $0x1, v0;
	v10 =	vadd.s32 v10, v2;
	vm2 =	vgt.f32 v12, $5.000000000e-01;
	v2 =	vld [tilespmem:s22+$0x50]  }
0x6f: {  	v6 =	vadd.s32 v7, v6;
	v7 =	vadd.s32 v3, v10;
	v10 =	vsel vm2, $0x1, v0;
	v15 =	vld [tilespmem:s20+$0x40]  }
.Ltmp4:
0x70: {  	v6 =	vadd.s32 v9, v6;
	v12 =	vnsel vm2, $0x0, v19;
	v4 =	vnsel vm0, $0x0, v4;
	v3 =	vld [tilespmem:s20+$0x50];
	(pc) =	sbr.rel @p0 .LBB2_10-.Ltmp4, $4  }
0x71: {  	v7 =	vadd.s32 v5, v7;
	v6 =	vadd.s32 v11, v6;
	v9 =	vnsel vm1, $0x0, v13;
	v5 =	vld [tilespmem:s22+$0x60]  }
0x72: {  	v7 =	vadd.s32 v8, v7;
	v11 =	vadd.s32 v18, v6;
	vm1 =	vgt.f32 v14, $5.000000000e-01;
	v6 =	vld [tilespmem:s20+$0x60]  }
0x73: {  	v11 =	vadd.s32 v17, v11;
	v12 =	vadd.s32 v12, v7;
	v8 =	vsel vm1, $0x1, v0;
	v7 =	vld [tilespmem:s22+$0x70]  }
0x74: {  	v11 =	vadd.s32 v10, v11;
	v12 =	vadd.s32 v4, v12;
	s22 =	sadd.s32 $0x200, s22;
	v10 =	vnsel vm1, $0x0, v15;
	v4 =	vld [tilespmem:s20+$0x70]  }
0x75: {  	v13 =	vsel vm0, $0x1, v0  }
0x76: {  	v9 =	vadd.s32 v9, v12;
	vm13 =	vgt.f32 v2, $5.000000000e-01;
	v2 =	vadd.s32 v13, v11  }
0x77: {  	v63 =	vsel vm13, $0x1, v0;
	v3 =	vnsel vm13, $0x0, v3;
	vm14 =	vgt.f32 v5, $5.000000000e-01  }
0x78: {  	v1 =	vadd.s32 v1, v2;
	v2 =	vadd.s32 v10, v9;
	v5 =	vsel vm14, $0x1, v0  }
0x79: {  	v6 =	vnsel vm14, $0x0, v6;
	v1 =	vadd.s32 v8, v1;
	v2 =	vadd.s32 v3, v2  }
0x7a: {  	vm15 =	vgt.f32 v7, $5.000000000e-01;
	v1 =	vadd.s32 v63, v1;
	v3 =	vadd.s32 v6, v2  }
0x7b: {  	s20 =	simm.s32 $0x0;
	v2 =	vsel vm15, $0x1, v0;
	v4 =	vnsel vm15, $0x0, v4;
	v1 =	vadd.s32 v5, v1  }
0x7c: {  	s21 =	simm.s32 $0x10;
	s23 =	sadd.s32 $0x0, s7;
	s22 =	simm.s32 $0x100;
	v3 =	vadd.s32 v4, v3;
	v2 =	vadd.s32 v2, v1  }
.LBB2_12:
0x7d: {  	[tilespmem:s20], [sflag:$0x1] =	stream.linear.gather [hbm4b:s23+s2], $0x80, $0x38;
	[tilespmem:$0x4900] =	vst v63  }
0x7e: {  	s23 =	smov.u32 s21;
	s20 =	smov.u32 s22;
	p0 =	sne.s32 s21, $0x230  }
.Ltmp5:
0x7f: {  	s21 =	sadd.s32 $0x10, s21;
	(pc) =	sbr.rel @p0 .LBB2_12-.Ltmp5, $2  }
0x80: {  	_ =	sdelay $0x2  }
0x81: {  	s22 =	sadd.s32 $0x100, s22;
	s23 =	sadd.s32 s23, s7  }
0x82: {  	[tilespmem:s20], [sflag:$0x1] =	stream.linear.gather [hbm4b:s23+s2], $0x80, $0x38;
	[tilespmem:$0x4900] =	vst v63  }
0x83: {  	s20 =	simm.s32 $0x2400  }
0x84: {  	s21 =	simm.s32 $0x10;
	s23 =	sadd.s32 $0x0, s8;
	s22 =	simm.s32 $0x2500  }
.LBB2_14:
0x85: {  	[tilespmem:s20], [sflag:$0x3] =	stream.linear.gather [hbm4b:s23+s2], $0x80, $0x38;
	[tilespmem:$0x4900] =	vst v63  }
0x86: {  	s23 =	smov.u32 s21;
	s20 =	smov.u32 s22;
	p0 =	sne.s32 s21, $0x230  }
.Ltmp6:
0x87: {  	s21 =	sadd.s32 $0x10, s21;
	(pc) =	sbr.rel @p0 .LBB2_14-.Ltmp6, $2  }
0x88: {  	_ =	sdelay $0x2  }
0x89: {  	s22 =	sadd.s32 $0x100, s22;
	s23 =	sadd.s32 s23, s8  }
0x8a: {  	[tilespmem:s20], [sflag:$0x3] =	stream.linear.gather [hbm4b:s23+s2], $0x80, $0x38;
	[tilespmem:$0x4900] =	vst v63  }
0x8b: {  	_ =	swait.ge [sflag:s15], $0x1200  }
0x8c: {  	[sflag:s15] =	ssyncset.done $0x0  }
0x8d: {  	[sflag:s15] =	ssyncadd.s32 $0xFFFFEE00  }
0x8e: {  	_ =	swait.ge [sflag:s16], $0x1200  }
0x8f: {  	[sflag:s16] =	ssyncset.done $0x0  }
0x90: {  	s21 =	simm.s32 $0x180;
	[sflag:s16] =	ssyncadd.s32 $0xFFFFEE00  }
0x91: {  	s20 =	simm.s32 $0x2580;
	v1 =	vld [tilespmem:s21+$0x30]  }
0x92: {  	v4 =	vld [tilespmem:s20+$0xFFFFFF00]  }
0x93: {  	v5 =	vld [tilespmem:s21+$0xFFFFFF00]  }
0x94: {  	v6 =	vld [tilespmem:s21+$0xFFFFFF10]  }
0x95: {  	v7 =	vld [tilespmem:s21+$0xFFFFFF20]  }
0x96: {  	v8 =	vld [tilespmem:s21+$0xFFFFFF30]  }
0x97: {  	v9 =	vld [tilespmem:s21+$0xFFFFFF40]  }
0x98: {  	v10 =	vld [tilespmem:s21+$0xFFFFFF50]  }
0x99: {  	v11 =	vld [tilespmem:s21+$0xFFFFFF60]  }
0x9a: {  	v13 =	vld [tilespmem:s21+$0x0]  }
0x9b: {  	v12 =	vld [tilespmem:s21+$0xFFFFFF70]  }
0x9c: {  	v14 =	vld [tilespmem:s21+$0x20]  }
0x9d: {  	v15 =	vld [tilespmem:s20+$0xFFFFFF70];
	vm5 =	vgt.f32 v9, $5.000000000e-01;
	vm2 =	vgt.f32 v10, $5.000000000e-01  }
0x9e: {  	v9 =	vld [tilespmem:s20+$0xFFFFFF10];
	vm6 =	vgt.f32 v8, $5.000000000e-01;
	vm3 =	vgt.f32 v11, $5.000000000e-01;
	vm1 =	vgt.f32 v1, $5.000000000e-01  }
0x9f: {  	v10 =	vld [tilespmem:s20+$0xFFFFFF20];
	vm7 =	vgt.f32 v6, $5.000000000e-01;
	vm0 =	vgt.f32 v5, $5.000000000e-01;
	vm4 =	vgt.f32 v13, $5.000000000e-01  }
0xa0: {  	v6 =	vld [tilespmem:s20+$0xFFFFFF30];
	vm8 =	vgt.f32 v7, $5.000000000e-01;
	vm9 =	vgt.f32 v12, $5.000000000e-01;
	v8 =	vsel vm5, $0x1, v0  }
0xa1: {  	v11 =	vld [tilespmem:s20+$0xFFFFFF40];
	v1 =	vsel vm1, $0x1, v0;
	v5 =	vsel vm7, $0x1, v0;
	v4 =	vnsel vm0, $0x0, v4  }
0xa2: {  	v7 =	vld [tilespmem:s20+$0xFFFFFF50];
	v12 =	vsel vm0, $0x1, v0;
	vm0 =	vgt.f32 v14, $5.000000000e-01;
	v13 =	vsel vm6, $0x1, v0  }
0xa3: {  	v16 =	vld [tilespmem:s20+$0x0];
	v14 =	vsel vm3, $0x1, v0;
	v17 =	vsel vm4, $0x1, v0;
	v2 =	vadd.s32 v12, v2  }
0xa4: {  	v3 =	vadd.s32 v3, v4;
	v4 =	vld [tilespmem:s20+$0xFFFFFF60];
	v12 =	vsel vm8, $0x1, v0;
	v2 =	vadd.s32 v5, v2  }
0xa5: {  	v18 =	vsel vm9, $0x1, v0;
	v5 =	vld [tilespmem:s20+$0x20];
	v2 =	vadd.s32 v12, v2;
	v9 =	vnsel vm7, $0x0, v9  }
0xa6: {  	v10 =	vnsel vm8, $0x0, v10;
	v3 =	vadd.s32 v9, v3;
	v9 =	vnsel vm5, $0x0, v11;
	v11 =	vld [tilespmem:s21+$0x10]  }
0xa7: {  	v19 =	vld [tilespmem:s20+$0x10];
	v6 =	vnsel vm6, $0x0, v6;
	v7 =	vnsel vm2, $0x0, v7;
	v3 =	vadd.s32 v10, v3  }
0xa8: {  	v12 =	vadd.s32 v13, v2;
	v13 =	vnsel vm4, $0x0, v16;
	v10 =	vld [tilespmem:s20+$0x30];
	v3 =	vadd.s32 v6, v3  }
0xa9: {  	v8 =	vadd.s32 v8, v12;
	v6 =	vnsel vm9, $0x0, v15;
	v15 =	vld [tilespmem:s21+$0x40];
	v2 =	vadd.s32 v9, v3  }
0xaa: {  	v63 =	vld [tilespmem:s20+$0x40];
	v4 =	vnsel vm3, $0x0, v4;
	v12 =	vnsel vm0, $0x0, v5;
	v7 =	vadd.s32 v7, v2  }
0xab: {  	v5 =	vld [tilespmem:s21+$0x60];
	v3 =	vsel vm2, $0x1, v0;
	vm2 =	vgt.f32 v11, $5.000000000e-01;
	v4 =	vadd.s32 v4, v7  }
0xac: {  	v2 =	vld [tilespmem:s21+$0x50];
	v7 =	vadd.s32 v3, v8;
	v11 =	vsel vm2, $0x1, v0;
	v8 =	vnsel vm2, $0x0, v19  }
0xad: {  	v3 =	vld [tilespmem:s20+$0x50];
	v7 =	vadd.s32 v14, v7;
	v4 =	vadd.s32 v6, v4;
	v9 =	vnsel vm1, $0x0, v10  }
0xae: {  	v6 =	vld [tilespmem:s20+$0x60];
	v7 =	vadd.s32 v18, v7;
	v4 =	vadd.s32 v13, v4;
	vm1 =	vgt.f32 v15, $5.000000000e-01  }
0xaf: {  	v10 =	vadd.s32 v17, v7;
	v4 =	vadd.s32 v8, v4;
	v8 =	vsel vm1, $0x1, v0;
	v7 =	vld [tilespmem:s21+$0x70]  }
0xb0: {  	s22 =	simm.s32 $0x380;
	s21 =	simm.s32 $0x0;
	v11 =	vadd.s32 v11, v10;
	v12 =	vadd.s32 v12, v4;
	v10 =	vnsel vm1, $0x0, v63;
	v4 =	vld [tilespmem:s20+$0x70]  }
.LBB2_16:
0xb1: {  	v13 =	vld [tilespmem:s22+$0x30];
	s21 =	sadd.s32 $0x10, s21;
	v14 =	vsel vm0, $0x1, v0;
	v9 =	vadd.s32 v9, v12;
	vm0 =	vgt.f32 v2, $5.000000000e-01;
	s20 =	sadd.s32 $0x200, s20  }
0xb2: {  	v2 =	vld [tilespmem:s20+$0xFFFFFF00];
	p0 =	slt.u32 s21, $0x110;
	v11 =	vadd.s32 v14, v11;
	v12 =	vsel vm0, $0x1, v0;
	v3 =	vnsel vm0, $0x0, v3  }
0xb3: {  	v9 =	vadd.s32 v10, v9;
	vm0 =	vgt.f32 v5, $5.000000000e-01;
	v14 =	vld [tilespmem:s22+$0xFFFFFF00];
	v1 =	vadd.s32 v1, v11  }
0xb4: {  	v6 =	vnsel vm0, $0x0, v6;
	v5 =	vld [tilespmem:s22+$0xFFFFFF10];
	v1 =	vadd.s32 v8, v1;
	v8 =	vsel vm0, $0x1, v0  }
0xb5: {  	v3 =	vadd.s32 v3, v9;
	vm0 =	vgt.f32 v7, $5.000000000e-01;
	v10 =	vld [tilespmem:s22+$0xFFFFFF20];
	v1 =	vadd.s32 v12, v1  }
0xb6: {  	v3 =	vadd.s32 v6, v3;
	v6 =	vsel vm0, $0x1, v0;
	v7 =	vld [tilespmem:s22+$0xFFFFFF30];
	v1 =	vadd.s32 v8, v1  }
0xb7: {  	v8 =	vld [tilespmem:s22+$0xFFFFFF40];
	v6 =	vadd.s32 v6, v1;
	v1 =	vnsel vm0, $0x0, v4  }
0xb8: {  	v4 =	vld [tilespmem:s22+$0xFFFFFF50];
	v3 =	vadd.s32 v1, v3  }
0xb9: {  	v1 =	vld [tilespmem:s22+$0xFFFFFF60]  }
0xba: {  	v9 =	vld [tilespmem:s22+$0xFFFFFF70]  }
0xbb: {  	v11 =	vld [tilespmem:s22+$0x0]  }
0xbc: {  	vm5 =	vgt.f32 v8, $5.000000000e-01;
	v8 =	vld [tilespmem:s22+$0x20]  }
0xbd: {  	v12 =	vld [tilespmem:s20+$0xFFFFFF10];
	vm2 =	vgt.f32 v4, $5.000000000e-01  }
0xbe: {  	vm1 =	vgt.f32 v13, $5.000000000e-01;
	vm7 =	vgt.f32 v7, $5.000000000e-01;
	v4 =	vld [tilespmem:s20+$0xFFFFFF20];
	vm3 =	vgt.f32 v1, $5.000000000e-01  }
0xbf: {  	vm8 =	vgt.f32 v5, $5.000000000e-01;
	v7 =	vsel vm5, $0x1, v0;
	v1 =	vsel vm1, $0x1, v0;
	v5 =	vld [tilespmem:s20+$0xFFFFFF30]  }
0xc0: {  	vm0 =	vgt.f32 v14, $5.000000000e-01;
	v13 =	vsel vm8, $0x1, v0;
	v14 =	vld [tilespmem:s20+$0xFFFFFF40];
	vm4 =	vgt.f32 v11, $5.000000000e-01  }
0xc1: {  	v2 =	vnsel vm0, $0x0, v2;
	vm9 =	vgt.f32 v10, $5.000000000e-01;
	vm6 =	vgt.f32 v9, $5.000000000e-01;
	v10 =	vld [tilespmem:s20+$0xFFFFFF50]  }
0xc2: {  	v2 =	vadd.s32 v3, v2;
	v9 =	vsel vm0, $0x1, v0;
	vm0 =	vgt.f32 v8, $5.000000000e-01;
	v3 =	vld [tilespmem:s20+$0xFFFFFF60]  }
0xc3: {  	v11 =	vsel vm3, $0x1, v0;
	v8 =	vsel vm7, $0x1, v0;
	v4 =	vnsel vm9, $0x0, v4;
	v15 =	vld [tilespmem:s20+$0xFFFFFF70]  }
0xc4: {  	v17 =	vsel vm4, $0x1, v0;
	v12 =	vnsel vm8, $0x0, v12;
	v5 =	vnsel vm7, $0x0, v5;
	v16 =	vld [tilespmem:s20+$0x0]  }
0xc5: {  	v6 =	vadd.s32 v9, v6;
	v2 =	vadd.s32 v12, v2;
	v9 =	vnsel vm5, $0x0, v14;
	v12 =	vld [tilespmem:s22+$0x10]  }
0xc6: {  	v18 =	vsel vm6, $0x1, v0;
	v14 =	vsel vm9, $0x1, v0;
	v10 =	vnsel vm2, $0x0, v10;
	v19 =	vld [tilespmem:s20+$0x10]  }
0xc7: {  	v6 =	vadd.s32 v13, v6;
	v2 =	vadd.s32 v4, v2;
	v3 =	vnsel vm3, $0x0, v3;
	v4 =	vld [tilespmem:s20+$0x20]  }
0xc8: {  	v2 =	vadd.s32 v5, v2;
	v6 =	vadd.s32 v14, v6;
	v5 =	vnsel vm6, $0x0, v15;
	v13 =	vld [tilespmem:s20+$0x30]  }
0xc9: {  	v2 =	vadd.s32 v9, v2;
	v6 =	vadd.s32 v8, v6;
	v8 =	vnsel vm4, $0x0, v16;
	v14 =	vld [tilespmem:s22+$0x40]  }
0xca: {  	v9 =	vsel vm2, $0x1, v0;
	v10 =	vadd.s32 v10, v2;
	vm2 =	vgt.f32 v12, $5.000000000e-01;
	v2 =	vld [tilespmem:s22+$0x50]  }
0xcb: {  	v6 =	vadd.s32 v7, v6;
	v7 =	vadd.s32 v3, v10;
	v10 =	vsel vm2, $0x1, v0;
	v15 =	vld [tilespmem:s20+$0x40]  }
.Ltmp7:
0xcc: {  	v6 =	vadd.s32 v9, v6;
	v12 =	vnsel vm2, $0x0, v19;
	v4 =	vnsel vm0, $0x0, v4;
	v3 =	vld [tilespmem:s20+$0x50];
	(pc) =	sbr.rel @p0 .LBB2_16-.Ltmp7, $4  }
0xcd: {  	v7 =	vadd.s32 v5, v7;
	v6 =	vadd.s32 v11, v6;
	v9 =	vnsel vm1, $0x0, v13;
	v5 =	vld [tilespmem:s22+$0x60]  }
0xce: {  	v7 =	vadd.s32 v8, v7;
	v11 =	vadd.s32 v18, v6;
	vm1 =	vgt.f32 v14, $5.000000000e-01;
	v6 =	vld [tilespmem:s20+$0x60]  }
0xcf: {  	v11 =	vadd.s32 v17, v11;
	v12 =	vadd.s32 v12, v7;
	v8 =	vsel vm1, $0x1, v0;
	v7 =	vld [tilespmem:s22+$0x70]  }
0xd0: {  	v11 =	vadd.s32 v10, v11;
	v12 =	vadd.s32 v4, v12;
	s22 =	sadd.s32 $0x200, s22;
	v10 =	vnsel vm1, $0x0, v15;
	v4 =	vld [tilespmem:s20+$0x70]  }
0xd1: {  	v13 =	vsel vm0, $0x1, v0  }
0xd2: {  	v9 =	vadd.s32 v9, v12;
	vm13 =	vgt.f32 v2, $5.000000000e-01;
	v2 =	vadd.s32 v13, v11  }
0xd3: {  	v63 =	vsel vm13, $0x1, v0;
	v3 =	vnsel vm13, $0x0, v3;
	vm14 =	vgt.f32 v5, $5.000000000e-01  }
0xd4: {  	v1 =	vadd.s32 v1, v2;
	v2 =	vadd.s32 v10, v9;
	v5 =	vsel vm14, $0x1, v0  }
0xd5: {  	v6 =	vnsel vm14, $0x0, v6;
	v1 =	vadd.s32 v8, v1;
	v2 =	vadd.s32 v3, v2  }
0xd6: {  	vm15 =	vgt.f32 v7, $5.000000000e-01;
	v1 =	vadd.s32 v63, v1;
	v3 =	vadd.s32 v6, v2  }
0xd7: {  	s20 =	simm.s32 $0x80;
	v2 =	vsel vm15, $0x1, v0;
	v4 =	vnsel vm15, $0x0, v4;
	v1 =	vadd.s32 v5, v1  }
0xd8: {  	s21 =	simm.s32 $0x10;
	s23 =	sadd.s32 $0x0, s9;
	s22 =	simm.s32 $0x180;
	v3 =	vadd.s32 v4, v3;
	v2 =	vadd.s32 v2, v1  }
.LBB2_18:
0xd9: {  	[tilespmem:s20], [sflag:$0x2] =	stream.linear.gather [hbm4b:s23+s2], $0x80, $0x38;
	[tilespmem:$0x4900] =	vst v63  }
0xda: {  	s23 =	smov.u32 s21;
	s20 =	smov.u32 s22;
	p0 =	sne.s32 s21, $0x230  }
.Ltmp8:
0xdb: {  	s21 =	sadd.s32 $0x10, s21;
	(pc) =	sbr.rel @p0 .LBB2_18-.Ltmp8, $2  }
0xdc: {  	_ =	sdelay $0x2  }
0xdd: {  	s22 =	sadd.s32 $0x100, s22;
	s23 =	sadd.s32 s23, s9  }
0xde: {  	[tilespmem:s20], [sflag:$0x2] =	stream.linear.gather [hbm4b:s23+s2], $0x80, $0x38;
	[tilespmem:$0x4900] =	vst v63  }
0xdf: {  	s20 =	simm.s32 $0x2480  }
0xe0: {  	s21 =	simm.s32 $0x10;
	s23 =	sadd.s32 $0x0, s10;
	s22 =	simm.s32 $0x2580  }
.LBB2_20:
0xe1: {  	[tilespmem:s20], [sflag:$0x4] =	stream.linear.gather [hbm4b:s23+s2], $0x80, $0x38;
	[tilespmem:$0x4900] =	vst v63  }
0xe2: {  	s23 =	smov.u32 s21;
	s20 =	smov.u32 s22;
	p0 =	sne.s32 s21, $0x230  }
.Ltmp9:
0xe3: {  	s21 =	sadd.s32 $0x10, s21;
	(pc) =	sbr.rel @p0 .LBB2_20-.Ltmp9, $2  }
0xe4: {  	_ =	sdelay $0x2  }
0xe5: {  	s22 =	sadd.s32 $0x100, s22;
	s23 =	sadd.s32 s23, s10  }
0xe6: {  	[tilespmem:s20], [sflag:$0x4] =	stream.linear.gather [hbm4b:s23+s2], $0x80, $0x38;
	[tilespmem:$0x4900] =	vst v63  }
0xe7: {  	_ =	swait.ge [sflag:s13], $0x1200  }
0xe8: {  	[sflag:s13] =	ssyncset.done $0x0  }
0xe9: {  	[sflag:s13] =	ssyncadd.s32 $0xFFFFEE00  }
0xea: {  	_ =	swait.ge [sflag:s14], $0x1200  }
0xeb: {  	[sflag:s14] =	ssyncset.done $0x0  }
0xec: {  	s21 =	simm.s32 $0x100;
	[sflag:s14] =	ssyncadd.s32 $0xFFFFEE00  }
0xed: {  	s20 =	simm.s32 $0x2500;
	v1 =	vld [tilespmem:s21+$0x30]  }
0xee: {  	v4 =	vld [tilespmem:s20+$0xFFFFFF00]  }
0xef: {  	v5 =	vld [tilespmem:s21+$0xFFFFFF00]  }
0xf0: {  	v6 =	vld [tilespmem:s21+$0xFFFFFF10]  }
0xf1: {  	v7 =	vld [tilespmem:s21+$0xFFFFFF20]  }
0xf2: {  	v8 =	vld [tilespmem:s21+$0xFFFFFF30]  }
0xf3: {  	v9 =	vld [tilespmem:s21+$0xFFFFFF40]  }
0xf4: {  	v10 =	vld [tilespmem:s21+$0xFFFFFF50]  }
0xf5: {  	v11 =	vld [tilespmem:s21+$0xFFFFFF60]  }
0xf6: {  	v13 =	vld [tilespmem:s21+$0x0]  }
0xf7: {  	v12 =	vld [tilespmem:s21+$0xFFFFFF70]  }
0xf8: {  	v14 =	vld [tilespmem:s21+$0x20]  }
0xf9: {  	v15 =	vld [tilespmem:s20+$0xFFFFFF70];
	vm5 =	vgt.f32 v9, $5.000000000e-01;
	vm2 =	vgt.f32 v10, $5.000000000e-01  }
0xfa: {  	v9 =	vld [tilespmem:s20+$0xFFFFFF10];
	vm6 =	vgt.f32 v8, $5.000000000e-01;
	vm3 =	vgt.f32 v11, $5.000000000e-01;
	vm1 =	vgt.f32 v1, $5.000000000e-01  }
0xfb: {  	v10 =	vld [tilespmem:s20+$0xFFFFFF20];
	vm7 =	vgt.f32 v6, $5.000000000e-01;
	vm0 =	vgt.f32 v5, $5.000000000e-01;
	vm4 =	vgt.f32 v13, $5.000000000e-01  }
0xfc: {  	v6 =	vld [tilespmem:s20+$0xFFFFFF30];
	vm8 =	vgt.f32 v7, $5.000000000e-01;
	vm9 =	vgt.f32 v12, $5.000000000e-01;
	v8 =	vsel vm5, $0x1, v0  }
0xfd: {  	v11 =	vld [tilespmem:s20+$0xFFFFFF40];
	v1 =	vsel vm1, $0x1, v0;
	v5 =	vsel vm7, $0x1, v0;
	v4 =	vnsel vm0, $0x0, v4  }
0xfe: {  	v7 =	vld [tilespmem:s20+$0xFFFFFF50];
	v12 =	vsel vm0, $0x1, v0;
	vm0 =	vgt.f32 v14, $5.000000000e-01;
	v13 =	vsel vm6, $0x1, v0  }
0xff: {  	v14 =	vsel vm3, $0x1, v0;
	v3 =	vadd.s32 v3, v4;
	v4 =	vld [tilespmem:s20+$0xFFFFFF60];
	v2 =	vadd.s32 v12, v2  }
0x100: {  	v17 =	vsel vm4, $0x1, v0;
	v12 =	vsel vm8, $0x1, v0;
	v2 =	vadd.s32 v5, v2;
	v5 =	vld [tilespmem:s20+$0x20]  }
0x101: {  	v16 =	vld [tilespmem:s20+$0x0];
	v18 =	vsel vm9, $0x1, v0;
	v2 =	vadd.s32 v12, v2;
	v9 =	vnsel vm7, $0x0, v9  }
0x102: {  	v10 =	vnsel vm8, $0x0, v10;
	v3 =	vadd.s32 v9, v3;
	v9 =	vnsel vm5, $0x0, v11;
	v11 =	vld [tilespmem:s21+$0x10]  }
0x103: {  	v19 =	vld [tilespmem:s20+$0x10];
	v6 =	vnsel vm6, $0x0, v6;
	v7 =	vnsel vm2, $0x0, v7;
	v12 =	vadd.s32 v13, v2  }
0x104: {  	v8 =	vadd.s32 v8, v12;
	v3 =	vadd.s32 v10, v3;
	v4 =	vnsel vm3, $0x0, v4;
	v10 =	vld [tilespmem:s20+$0x30]  }
0x105: {  	v13 =	vld [tilespmem:s21+$0x40];
	v3 =	vadd.s32 v6, v3;
	v6 =	vnsel vm9, $0x0, v15;
	v63 =	vnsel vm0, $0x0, v5  }
0x106: {  	v15 =	vld [tilespmem:s20+$0x40];
	v2 =	vadd.s32 v9, v3;
	v3 =	vnsel vm4, $0x0, v16;
	v9 =	vsel vm2, $0x1, v0  }
0x107: {  	v7 =	vadd.s32 v7, v2;
	v2 =	vld [tilespmem:s21+$0x50];
	v8 =	vadd.s32 v9, v8;
	vm2 =	vgt.f32 v11, $5.000000000e-01  }
0x108: {  	v7 =	vadd.s32 v4, v7;
	v4 =	vld [tilespmem:s20+$0x50];
	v5 =	vadd.s32 v14, v8;
	v11 =	vsel vm2, $0x1, v0  }
0x109: {  	v12 =	vnsel vm2, $0x0, v19;
	v7 =	vadd.s32 v6, v7;
	v9 =	vnsel vm1, $0x0, v10;
	v6 =	vld [tilespmem:s21+$0x60]  }
0x10a: {  	v8 =	vadd.s32 v18, v5;
	vm1 =	vgt.f32 v13, $5.000000000e-01;
	v5 =	vld [tilespmem:s20+$0x60];
	v3 =	vadd.s32 v3, v7  }
0x10b: {  	v10 =	vadd.s32 v17, v8;
	v8 =	vsel vm1, $0x1, v0;
	v7 =	vld [tilespmem:s21+$0x70];
	v3 =	vadd.s32 v12, v3  }
0x10c: {  	s22 =	simm.s32 $0x300;
	s21 =	simm.s32 $0x0;
	v11 =	vadd.s32 v11, v10;
	v10 =	vnsel vm1, $0x0, v15;
	v12 =	vadd.s32 v63, v3;
	v3 =	vld [tilespmem:s20+$0x70]  }
.LBB2_22:
0x10d: {  	v13 =	vld [tilespmem:s22+$0x30];
	s21 =	sadd.s32 $0x10, s21;
	v14 =	vsel vm0, $0x1, v0;
	v9 =	vadd.s32 v9, v12;
	vm0 =	vgt.f32 v2, $5.000000000e-01;
	s20 =	sadd.s32 $0x200, s20  }
0x10e: {  	v2 =	vld [tilespmem:s20+$0xFFFFFF00];
	p0 =	slt.u32 s21, $0x110;
	v11 =	vadd.s32 v14, v11;
	v12 =	vsel vm0, $0x1, v0;
	v4 =	vnsel vm0, $0x0, v4  }
0x10f: {  	v9 =	vadd.s32 v10, v9;
	vm0 =	vgt.f32 v6, $5.000000000e-01;
	v14 =	vld [tilespmem:s22+$0xFFFFFF00];
	v1 =	vadd.s32 v1, v11  }
0x110: {  	v5 =	vnsel vm0, $0x0, v5;
	v6 =	vld [tilespmem:s22+$0xFFFFFF10];
	v1 =	vadd.s32 v8, v1;
	v8 =	vsel vm0, $0x1, v0  }
0x111: {  	v4 =	vadd.s32 v4, v9;
	vm0 =	vgt.f32 v7, $5.000000000e-01;
	v10 =	vld [tilespmem:s22+$0xFFFFFF20];
	v1 =	vadd.s32 v12, v1  }
0x112: {  	v4 =	vadd.s32 v5, v4;
	v5 =	vsel vm0, $0x1, v0;
	v7 =	vld [tilespmem:s22+$0xFFFFFF30];
	v1 =	vadd.s32 v8, v1  }
0x113: {  	v8 =	vld [tilespmem:s22+$0xFFFFFF40];
	v5 =	vadd.s32 v5, v1;
	v1 =	vnsel vm0, $0x0, v3  }
0x114: {  	v3 =	vld [tilespmem:s22+$0xFFFFFF50];
	v4 =	vadd.s32 v1, v4  }
0x115: {  	v1 =	vld [tilespmem:s22+$0xFFFFFF60]  }
0x116: {  	v9 =	vld [tilespmem:s22+$0xFFFFFF70]  }
0x117: {  	v11 =	vld [tilespmem:s22+$0x0]  }
0x118: {  	vm5 =	vgt.f32 v8, $5.000000000e-01;
	v8 =	vld [tilespmem:s22+$0x20]  }
0x119: {  	v12 =	vld [tilespmem:s20+$0xFFFFFF10];
	vm2 =	vgt.f32 v3, $5.000000000e-01  }
0x11a: {  	vm1 =	vgt.f32 v13, $5.000000000e-01;
	vm7 =	vgt.f32 v7, $5.000000000e-01;
	v3 =	vld [tilespmem:s20+$0xFFFFFF20];
	vm3 =	vgt.f32 v1, $5.000000000e-01  }
0x11b: {  	vm8 =	vgt.f32 v6, $5.000000000e-01;
	v7 =	vsel vm5, $0x1, v0;
	v1 =	vsel vm1, $0x1, v0;
	v6 =	vld [tilespmem:s20+$0xFFFFFF30]  }
0x11c: {  	vm0 =	vgt.f32 v14, $5.000000000e-01;
	v13 =	vsel vm8, $0x1, v0;
	v14 =	vld [tilespmem:s20+$0xFFFFFF40];
	vm4 =	vgt.f32 v11, $5.000000000e-01  }
0x11d: {  	v2 =	vnsel vm0, $0x0, v2;
	vm9 =	vgt.f32 v10, $5.000000000e-01;
	vm6 =	vgt.f32 v9, $5.000000000e-01;
	v10 =	vld [tilespmem:s20+$0xFFFFFF50]  }
0x11e: {  	v2 =	vadd.s32 v4, v2;
	v9 =	vsel vm0, $0x1, v0;
	vm0 =	vgt.f32 v8, $5.000000000e-01;
	v4 =	vld [tilespmem:s20+$0xFFFFFF60]  }
0x11f: {  	v11 =	vsel vm3, $0x1, v0;
	v8 =	vsel vm7, $0x1, v0;
	v3 =	vnsel vm9, $0x0, v3;
	v15 =	vld [tilespmem:s20+$0xFFFFFF70]  }
0x120: {  	v17 =	vsel vm4, $0x1, v0;
	v12 =	vnsel vm8, $0x0, v12;
	v6 =	vnsel vm7, $0x0, v6;
	v16 =	vld [tilespmem:s20+$0x0]  }
0x121: {  	v5 =	vadd.s32 v9, v5;
	v2 =	vadd.s32 v12, v2;
	v9 =	vnsel vm5, $0x0, v14;
	v12 =	vld [tilespmem:s22+$0x10]  }
0x122: {  	v18 =	vsel vm6, $0x1, v0;
	v14 =	vsel vm9, $0x1, v0;
	v10 =	vnsel vm2, $0x0, v10;
	v19 =	vld [tilespmem:s20+$0x10]  }
0x123: {  	v5 =	vadd.s32 v13, v5;
	v2 =	vadd.s32 v3, v2;
	v3 =	vnsel vm3, $0x0, v4;
	v4 =	vld [tilespmem:s20+$0x20]  }
0x124: {  	v2 =	vadd.s32 v6, v2;
	v5 =	vadd.s32 v14, v5;
	v6 =	vnsel vm6, $0x0, v15;
	v13 =	vld [tilespmem:s20+$0x30]  }
0x125: {  	v2 =	vadd.s32 v9, v2;
	v5 =	vadd.s32 v8, v5;
	v8 =	vnsel vm4, $0x0, v16;
	v14 =	vld [tilespmem:s22+$0x40]  }
0x126: {  	v9 =	vsel vm2, $0x1, v0;
	v10 =	vadd.s32 v10, v2;
	vm2 =	vgt.f32 v12, $5.000000000e-01;
	v2 =	vld [tilespmem:s22+$0x50]  }
0x127: {  	v5 =	vadd.s32 v7, v5;
	v3 =	vadd.s32 v3, v10;
	v10 =	vsel vm2, $0x1, v0;
	v15 =	vld [tilespmem:s20+$0x40]  }
.Ltmp10:
0x128: {  	v5 =	vadd.s32 v9, v5;
	v7 =	vnsel vm2, $0x0, v19;
	v12 =	vnsel vm0, $0x0, v4;
	v4 =	vld [tilespmem:s20+$0x50];
	(pc) =	sbr.rel @p0 .LBB2_22-.Ltmp10, $4  }
0x129: {  	v3 =	vadd.s32 v6, v3;
	v5 =	vadd.s32 v11, v5;
	v9 =	vnsel vm1, $0x0, v13;
	v6 =	vld [tilespmem:s22+$0x60]  }
0x12a: {  	v3 =	vadd.s32 v8, v3;
	v11 =	vadd.s32 v18, v5;
	vm1 =	vgt.f32 v14, $5.000000000e-01;
	v5 =	vld [tilespmem:s20+$0x60]  }
0x12b: {  	v11 =	vadd.s32 v17, v11;
	v3 =	vadd.s32 v7, v3;
	v8 =	vsel vm1, $0x1, v0;
	v7 =	vld [tilespmem:s22+$0x70]  }
0x12c: {  	v11 =	vadd.s32 v10, v11;
	v12 =	vadd.s32 v12, v3;
	s22 =	sadd.s32 $0x200, s22;
	v10 =	vnsel vm1, $0x0, v15;
	v3 =	vld [tilespmem:s20+$0x70]  }
0x12d: {  	_ =	swait.ge [sflag:s15], $0x1200  }
0x12e: {  	[sflag:s15] =	ssyncset.done $0x0  }
0x12f: {  	[sflag:s15] =	ssyncadd.s32 $0xFFFFEE00  }
0x130: {  	_ =	swait.ge [sflag:s16], $0x1200  }
0x131: {  	[sflag:s16] =	ssyncset.done $0x0  }
0x132: {  	s21 =	simm.s32 $0x180;
	[sflag:s16] =	ssyncadd.s32 $0xFFFFEE00  }
0x133: {  	s20 =	simm.s32 $0x2580;
	v13 =	vld [tilespmem:s21+$0x30]  }
0x134: {  	v14 =	vld [tilespmem:s20+$0xFFFFFF00]  }
0x135: {  	v15 =	vld [tilespmem:s21+$0xFFFFFF00]  }
0x136: {  	v16 =	vld [tilespmem:s21+$0xFFFFFF10]  }
0x137: {  	v17 =	vld [tilespmem:s21+$0xFFFFFF20]  }
0x138: {  	v18 =	vsel vm0, $0x1, v0;
	vm0 =	vgt.f32 v2, $5.000000000e-01;
	v9 =	vadd.s32 v9, v12;
	v2 =	vld [tilespmem:s21+$0xFFFFFF30]  }
0x139: {  	v11 =	vadd.s32 v18, v11;
	v12 =	vsel vm0, $0x1, v0;
	v4 =	vnsel vm0, $0x0, v4;
	v60 =	vld [tilespmem:s21+$0xFFFFFF40]  }
0x13a: {  	vm0 =	vgt.f32 v6, $5.000000000e-01;
	v9 =	vadd.s32 v10, v9;
	v1 =	vadd.s32 v1, v11;
	v6 =	vld [tilespmem:s21+$0xFFFFFF50]  }
0x13b: {  	v5 =	vnsel vm0, $0x0, v5;
	v4 =	vadd.s32 v4, v9;
	v1 =	vadd.s32 v8, v1;
	v10 =	vld [tilespmem:s21+$0xFFFFFF60]  }
0x13c: {  	v8 =	vsel vm0, $0x1, v0;
	vm0 =	vgt.f32 v7, $5.000000000e-01;
	v1 =	vadd.s32 v12, v1;
	v9 =	vld [tilespmem:s21+$0x0]  }
0x13d: {  	v1 =	vadd.s32 v8, v1;
	v8 =	vsel vm0, $0x1, v0;
	v7 =	vld [tilespmem:s21+$0xFFFFFF70]  }
0x13e: {  	v4 =	vadd.s32 v5, v4;
	v5 =	vadd.s32 v8, v1;
	v1 =	vnsel vm0, $0x0, v3;
	v3 =	vld [tilespmem:s21+$0x20]  }
0x13f: {  	v8 =	vld [tilespmem:s20+$0xFFFFFF10];
	v4 =	vadd.s32 v1, v4;
	vm5 =	vgt.f32 v60, $5.000000000e-01;
	vm2 =	vgt.f32 v6, $5.000000000e-01  }
0x140: {  	v12 =	vld [tilespmem:s20+$0xFFFFFF40];
	vm6 =	vgt.f32 v2, $5.000000000e-01;
	vm3 =	vgt.f32 v10, $5.000000000e-01;
	vm1 =	vgt.f32 v13, $5.000000000e-01  }
0x141: {  	v61 =	vld [tilespmem:s20+$0x0];
	vm7 =	vgt.f32 v16, $5.000000000e-01;
	vm0 =	vgt.f32 v15, $5.000000000e-01;
	vm4 =	vgt.f32 v9, $5.000000000e-01  }
0x142: {  	v6 =	vld [tilespmem:s20+$0xFFFFFF20];
	vm8 =	vgt.f32 v17, $5.000000000e-01;
	vm9 =	vgt.f32 v7, $5.000000000e-01;
	v10 =	vsel vm5, $0x1, v0  }
0x143: {  	v2 =	vld [tilespmem:s20+$0xFFFFFF30];
	v1 =	vsel vm1, $0x1, v0;
	v11 =	vsel vm7, $0x1, v0;
	v9 =	vnsel vm0, $0x0, v14  }
0x144: {  	v13 =	vld [tilespmem:s20+$0xFFFFFF50];
	v7 =	vsel vm0, $0x1, v0;
	vm0 =	vgt.f32 v3, $5.000000000e-01;
	v14 =	vsel vm3, $0x1, v0  }
0x145: {  	v8 =	vnsel vm7, $0x0, v8;
	v62 =	vsel vm4, $0x1, v0;
	v4 =	vadd.s32 v4, v9;
	v9 =	vld [tilespmem:s20+$0xFFFFFF60]  }
0x146: {  	v19 =	vld [tilespmem:s20+$0x10];
	v63 =	vsel vm9, $0x1, v0;
	v5 =	vadd.s32 v7, v5;
	v7 =	vnsel vm5, $0x0, v12  }
0x147: {  	v15 =	vld [tilespmem:s20+$0xFFFFFF70];
	v12 =	vsel vm8, $0x1, v0;
	v4 =	vadd.s32 v8, v4;
	v5 =	vadd.s32 v11, v5  }
0x148: {  	v8 =	vld [tilespmem:s21+$0x10];
	v5 =	vadd.s32 v12, v5;
	v12 =	vsel vm2, $0x1, v0;
	v3 =	vnsel vm8, $0x0, v6  }
0x149: {  	v11 =	vld [tilespmem:s20+$0x30];
	v6 =	vsel vm6, $0x1, v0;
	v2 =	vnsel vm6, $0x0, v2;
	v3 =	vadd.s32 v3, v4  }
0x14a: {  	v13 =	vnsel vm2, $0x0, v13;
	v4 =	vnsel vm3, $0x0, v9;
	v9 =	vld [tilespmem:s20+$0x20];
	v2 =	vadd.s32 v2, v3  }
0x14b: {  	v5 =	vadd.s32 v6, v5;
	v6 =	vnsel vm4, $0x0, v61;
	v2 =	vadd.s32 v7, v2;
	v7 =	vld [tilespmem:s21+$0x40]  }
0x14c: {  	v3 =	vnsel vm9, $0x0, v15;
	v5 =	vadd.s32 v10, v5;
	v13 =	vadd.s32 v13, v2;
	v2 =	vld [tilespmem:s21+$0x50]  }
0x14d: {  	vm2 =	vgt.f32 v8, $5.000000000e-01;
	v5 =	vadd.s32 v12, v5;
	v8 =	vadd.s32 v4, v13;
	v13 =	vld [tilespmem:s20+$0x40]  }
0x14e: {  	v10 =	vsel vm2, $0x1, v0;
	v12 =	vnsel vm2, $0x0, v19;
	v14 =	vadd.s32 v14, v5;
	v5 =	vld [tilespmem:s21+$0x60]  }
0x14f: {  	v4 =	vld [tilespmem:s20+$0x50];
	v3 =	vadd.s32 v3, v8;
	v8 =	vadd.s32 v63, v14;
	v15 =	vnsel vm0, $0x0, v9  }
0x150: {  	v9 =	vnsel vm1, $0x0, v11;
	v3 =	vadd.s32 v6, v3;
	v6 =	vld [tilespmem:s20+$0x60];
	v11 =	vadd.s32 v62, v8  }
0x151: {  	vm1 =	vgt.f32 v7, $5.000000000e-01;
	v3 =	vadd.s32 v12, v3;
	v7 =	vld [tilespmem:s21+$0x70];
	v11 =	vadd.s32 v10, v11  }
0x152: {  	s22 =	simm.s32 $0x380;
	s21 =	simm.s32 $0x0;
	v8 =	vsel vm1, $0x1, v0;
	v12 =	vadd.s32 v15, v3;
	v3 =	vld [tilespmem:s20+$0x70];
	v10 =	vnsel vm1, $0x0, v13  }
.LBB2_24:
0x153: {  	v13 =	vld [tilespmem:s22+$0x30];
	s21 =	sadd.s32 $0x10, s21;
	v14 =	vsel vm0, $0x1, v0;
	v9 =	vadd.s32 v9, v12;
	vm0 =	vgt.f32 v2, $5.000000000e-01;
	s20 =	sadd.s32 $0x200, s20  }
0x154: {  	v2 =	vld [tilespmem:s20+$0xFFFFFF00];
	p0 =	slt.u32 s21, $0x110;
	v11 =	vadd.s32 v14, v11;
	v12 =	vsel vm0, $0x1, v0;
	v4 =	vnsel vm0, $0x0, v4  }
0x155: {  	v9 =	vadd.s32 v10, v9;
	vm0 =	vgt.f32 v5, $5.000000000e-01;
	v14 =	vld [tilespmem:s22+$0xFFFFFF00];
	v1 =	vadd.s32 v1, v11  }
0x156: {  	v6 =	vnsel vm0, $0x0, v6;
	v5 =	vld [tilespmem:s22+$0xFFFFFF10];
	v1 =	vadd.s32 v8, v1;
	v8 =	vsel vm0, $0x1, v0  }
0x157: {  	v4 =	vadd.s32 v4, v9;
	vm0 =	vgt.f32 v7, $5.000000000e-01;
	v10 =	vld [tilespmem:s22+$0xFFFFFF20];
	v1 =	vadd.s32 v12, v1  }
0x158: {  	v4 =	vadd.s32 v6, v4;
	v6 =	vsel vm0, $0x1, v0;
	v7 =	vld [tilespmem:s22+$0xFFFFFF30];
	v1 =	vadd.s32 v8, v1  }
0x159: {  	v8 =	vld [tilespmem:s22+$0xFFFFFF40];
	v6 =	vadd.s32 v6, v1;
	v1 =	vnsel vm0, $0x0, v3  }
0x15a: {  	v3 =	vld [tilespmem:s22+$0xFFFFFF50];
	v4 =	vadd.s32 v1, v4  }
0x15b: {  	v1 =	vld [tilespmem:s22+$0xFFFFFF60]  }
0x15c: {  	v9 =	vld [tilespmem:s22+$0xFFFFFF70]  }
0x15d: {  	v11 =	vld [tilespmem:s22+$0x0]  }
0x15e: {  	vm5 =	vgt.f32 v8, $5.000000000e-01;
	v8 =	vld [tilespmem:s22+$0x20]  }
0x15f: {  	v12 =	vld [tilespmem:s20+$0xFFFFFF10];
	vm2 =	vgt.f32 v3, $5.000000000e-01  }
0x160: {  	vm1 =	vgt.f32 v13, $5.000000000e-01;
	vm7 =	vgt.f32 v7, $5.000000000e-01;
	v3 =	vld [tilespmem:s20+$0xFFFFFF20];
	vm3 =	vgt.f32 v1, $5.000000000e-01  }
0x161: {  	vm8 =	vgt.f32 v5, $5.000000000e-01;
	v7 =	vsel vm5, $0x1, v0;
	v1 =	vsel vm1, $0x1, v0;
	v5 =	vld [tilespmem:s20+$0xFFFFFF30]  }
0x162: {  	vm0 =	vgt.f32 v14, $5.000000000e-01;
	v13 =	vsel vm8, $0x1, v0;
	v14 =	vld [tilespmem:s20+$0xFFFFFF40];
	vm4 =	vgt.f32 v11, $5.000000000e-01  }
0x163: {  	v2 =	vnsel vm0, $0x0, v2;
	vm9 =	vgt.f32 v10, $5.000000000e-01;
	vm6 =	vgt.f32 v9, $5.000000000e-01;
	v10 =	vld [tilespmem:s20+$0xFFFFFF50]  }
0x164: {  	v2 =	vadd.s32 v4, v2;
	v9 =	vsel vm0, $0x1, v0;
	vm0 =	vgt.f32 v8, $5.000000000e-01;
	v4 =	vld [tilespmem:s20+$0xFFFFFF60]  }
0x165: {  	v11 =	vsel vm3, $0x1, v0;
	v8 =	vsel vm7, $0x1, v0;
	v3 =	vnsel vm9, $0x0, v3;
	v15 =	vld [tilespmem:s20+$0xFFFFFF70]  }
0x166: {  	v17 =	vsel vm4, $0x1, v0;
	v12 =	vnsel vm8, $0x0, v12;
	v5 =	vnsel vm7, $0x0, v5;
	v16 =	vld [tilespmem:s20+$0x0]  }
0x167: {  	v6 =	vadd.s32 v9, v6;
	v2 =	vadd.s32 v12, v2;
	v9 =	vnsel vm5, $0x0, v14;
	v12 =	vld [tilespmem:s22+$0x10]  }
0x168: {  	v18 =	vsel vm6, $0x1, v0;
	v14 =	vsel vm9, $0x1, v0;
	v10 =	vnsel vm2, $0x0, v10;
	v19 =	vld [tilespmem:s20+$0x10]  }
0x169: {  	v6 =	vadd.s32 v13, v6;
	v2 =	vadd.s32 v3, v2;
	v3 =	vnsel vm3, $0x0, v4;
	v4 =	vld [tilespmem:s20+$0x20]  }
0x16a: {  	v2 =	vadd.s32 v5, v2;
	v6 =	vadd.s32 v14, v6;
	v5 =	vnsel vm6, $0x0, v15;
	v13 =	vld [tilespmem:s20+$0x30]  }
0x16b: {  	v2 =	vadd.s32 v9, v2;
	v6 =	vadd.s32 v8, v6;
	v8 =	vnsel vm4, $0x0, v16;
	v14 =	vld [tilespmem:s22+$0x40]  }
0x16c: {  	v9 =	vsel vm2, $0x1, v0;
	v10 =	vadd.s32 v10, v2;
	vm2 =	vgt.f32 v12, $5.000000000e-01;
	v2 =	vld [tilespmem:s22+$0x50]  }
0x16d: {  	v6 =	vadd.s32 v7, v6;
	v3 =	vadd.s32 v3, v10;
	v10 =	vsel vm2, $0x1, v0;
	v15 =	vld [tilespmem:s20+$0x40]  }
.Ltmp11:
0x16e: {  	v6 =	vadd.s32 v9, v6;
	v7 =	vnsel vm2, $0x0, v19;
	v12 =	vnsel vm0, $0x0, v4;
	v4 =	vld [tilespmem:s20+$0x50];
	(pc) =	sbr.rel @p0 .LBB2_24-.Ltmp11, $4  }
0x16f: {  	v3 =	vadd.s32 v5, v3;
	v6 =	vadd.s32 v11, v6;
	v9 =	vnsel vm1, $0x0, v13;
	v5 =	vld [tilespmem:s22+$0x60]  }
0x170: {  	v3 =	vadd.s32 v8, v3;
	v11 =	vadd.s32 v18, v6;
	vm1 =	vgt.f32 v14, $5.000000000e-01;
	v6 =	vld [tilespmem:s20+$0x60]  }
0x171: {  	v11 =	vadd.s32 v17, v11;
	v3 =	vadd.s32 v7, v3;
	v8 =	vsel vm1, $0x1, v0;
	v7 =	vld [tilespmem:s22+$0x70]  }
0x172: {  	v11 =	vadd.s32 v10, v11;
	v12 =	vadd.s32 v12, v3;
	s22 =	sadd.s32 $0x200, s22;
	v10 =	vnsel vm1, $0x0, v15;
	v3 =	vld [tilespmem:s20+$0x70]  }
0x173: {  	v13 =	vsel vm0, $0x1, v0;
	vm13 =	vgt.f32 v2, $5.000000000e-01  }
0x174: {  	v2 =	vadd.s32 v9, v12;
	v61 =	vadd.s32 v13, v11;
	v62 =	vsel vm13, $0x1, v0  }
0x175: {  	v4 =	vnsel vm13, $0x0, v4;
	vm14 =	vgt.f32 v5, $5.000000000e-01;
	v2 =	vadd.s32 v10, v2  }
0x176: {  	v1 =	vadd.s32 v1, v61;
	v5 =	vsel vm14, $0x1, v0;
	v6 =	vnsel vm14, $0x0, v6  }
0x177: {  	v2 =	vadd.s32 v4, v2;
	v1 =	vadd.s32 v8, v1;
	vm15 =	vgt.f32 v7, $5.000000000e-01  }
0x178: {  	v2 =	vadd.s32 v6, v2;
	v1 =	vadd.s32 v62, v1;
	v3 =	vnsel vm15, $0x0, v3  }
0x179: {  	s19 =	sadd.s32 $0x1, s19;
	v63 =	vsel vm15, $0x1, v0;
	v1 =	vadd.s32 v5, v1;
	v2 =	vadd.s32 v3, v2  }
0x17a: {  	p0 =	sne.s32 s19, s12;
	v1 =	vadd.s32 v63, v1;
	[tilespmem:$0x4880] =	vst v2  }
.Ltmp12:
0x17b: {  	[tilespmem:$0x4800] =	vst v1;
	(pc) =	sbr.rel @p0 .LBB2_1-.Ltmp12, $4  }
0x17c: {  	[hbm4b:s11+s2] =	stream.linear.scatter [tilespmem:s17], [sflag:$0x5], $0x100, $0x38;
	[tilespmem:$0x4900] =	vst v63  }
0x17d: {  	_ =	swait.ge [sflag:s18], $0x100  }
0x17e: {  	[sflag:s18] =	ssyncset.done $0x0  }
0x17f: {  	[sflag:s18] =	ssyncadd.s32 $0xFFFFFF00  }
0x180: {  	_ =	sfence.sel $0x180000  }
0x181: {  	[bflag:$0x0] =	sbarrier.arrive $0xFFFF  }
0x182: {  	p0 =	sne.s32 s1, $0x0;
	_ =	strace $0x90000047  }
0x183: {  	s0 =	sadd.s32 @!p0 $0x100000, s0;
	[bflag:$0x2] =	sbarrier.arrive $0xFFFF  }
0x184: {  	[sflag:s0] =	ssyncadd.tile.s32 @!p0 $0x1;
	_ =	shalt  }
.Lfunc_end2:
_tile_overlayer_lowered:
.L_overlay_start_2:
0x185: {  	(tag) =	ssettag $0x2  }
0x186: {  	s0 =	rddreg [dreg:$0x0];
	s2 =	stileid.u32  }
0x187: {  	s1 =	rddreg [dreg:$0x1];
	p0 =	sne.s32 s2, $0x0  }
0x188: {  	s3 =	rddreg [dreg:$0x2];
	[bflag:$0x3] =	sbarrier.arrive $0xFFFF;
	s2 =	simm.s32 @!p0 $0x1C05  }
0x189: {  	[timem:s3], [sflag:s2] =	dma.local @!p0 [hbm:s0], s1  }
0x18a: {  	s0 =	simm.s32 @!p0 $0x5  }
0x18b: {  	_ =	swait.ge @!p0 [sflag:s0], s1  }
0x18c: {  	s1 =	ssub.s32 @!p0 $0x0, s1;
	[sflag:s0] =	ssyncset.done @!p0 $0x0  }
0x18d: {  	[sflag:s0] =	ssyncadd.s32 @!p0 s1  }
0x18e: {  	[bflag:$0x3] =	sbarrier.arrive $0xFFFF  }
0x18f: {  	_ =	shalt  }

</sc_bundles>
